<compile_context>
chip_gen: v7x
topology: tpu7x:2x2x1
jax: 0.10.2.dev20260603
libtpu: 0.0.44.dev20260713+nightly
codegen_flags: <defaults>
</compile_context>

<pallas_src>
import jax
import jax.numpy as jnp
from jax import lax
from jax.experimental import pallas as pl
from jax.experimental.pallas import tpu as pltpu
from jax.experimental.pallas import tpu_sc as plsc

f32 = jnp.float32
i32 = jnp.int32

_GATHER_DNUMS = lax.GatherDimensionNumbers(
    offset_dims=(), collapsed_slice_dims=(0,), start_index_map=(0,))


def _permute(v, p):
    return lax.gather(v, p[:, None], _GATHER_DNUMS, slice_sizes=(1,),
                      mode=lax.GatherScatterMode.PROMISE_IN_BOUNDS)

NN = 10000
EE = 160000
DD = 256
HH = 4
CC = 32
HC = HH * CC
EDD = 16

NWORK = 32
CHUNK = 256
EPW = 5120
NCHUNK = EPW // CHUNK
E_PAD = NWORK * EPW
N_PAD = 10240
RPT = N_PAD // 16
HALF = 320


HW = 64


def _make_passA_body(hp):
    def _passA_body(xl_h, xr_h, e_h, src_h, dst_h, att_h,
                    ex_h, den_h, u_h,
                    src_v, dst_v, xlr, xrr, err, exb16, attv,
                    z16, den_sp, u_sp, sem1, sem2, sem3, sem4, sem5):
        c = lax.axis_index("c")
        s = lax.axis_index("s")
        w = c * 16 + s
        zv = jnp.zeros((16,), f32)

        @pl.loop(0, RPT)
        def _zero_z16(r):
            z16[r, :] = zv

        @pl.loop(0, CHUNK)
        def _zero_xlr(r):
            for j in range(HW // 16):
                xlr[r, pl.ds(j * 16, 16)] = zv

        row0 = s * RPT
        pltpu.sync_copy(z16, den_sp.at[pl.ds(row0, RPT)])
        pltpu.sync_copy(xlr, u_sp.at[pl.ds(row0, CHUNK)])
        pltpu.sync_copy(xlr, u_sp.at[pl.ds(row0 + CHUNK, CHUNK)])
        pltpu.sync_copy(xlr.at[pl.ds(0, RPT - 2 * CHUNK)],
                        u_sp.at[pl.ds(row0 + 2 * CHUNK, RPT - 2 * CHUNK)])
        pltpu.sync_copy(att_h, attv)
        plsc.subcore_barrier()

        lanes = lax.iota(i32, 16)
        perms = [(lanes + k) & 15 for k in (8, 4, 2, 1)]
        att_j = [attv[pl.ds(j * 16, 16)] for j in range(HW // 16)]
        lane_eq = [lanes == (2 * hp + h) for h in range(2)]

        @pl.loop(0, NCHUNK)
        def _chunk(ci):
            base = w * EPW + ci * CHUNK
            cp1 = pltpu.async_copy(src_h.at[pl.ds(base, CHUNK)], src_v,
                                   sem1)
            cp2 = pltpu.async_copy(dst_h.at[pl.ds(base, CHUNK)], dst_v,
                                   sem2)
            cp5 = pltpu.async_copy(e_h.at[pl.ds(base, CHUNK)], err, sem5)
            cp1.wait()
            cp2.wait()
            cp3 = pltpu.async_copy(xl_h.at[src_v], xlr, sem3)
            cp4 = pltpu.async_copy(xr_h.at[dst_v], xrr, sem4)
            cp3.wait()
            cp4.wait()
            cp5.wait()

            @pl.loop(0, CHUNK)
            def _edge(e2):
                xs = []
                ts = []
                for j in range(HW // 16):
                    xj = xlr[e2, pl.ds(j * 16, 16)]
                    m = (xj + xrr[e2, pl.ds(j * 16, 16)]
                         + err[e2, pl.ds(j * 16, 16)])
                    m = jnp.where(m > 0, m, 0.2 * m)
                    xs.append(xj)
                    ts.append(m * att_j[j])
                exs = []
                for h in range(2):
                    v = ts[2 * h] + ts[2 * h + 1]
                    for p in perms:
                        v = v + _permute(v, p)
                    exs.append(jnp.exp(v))
                for j in range(HW // 16):
                    xlr[e2, pl.ds(j * 16, 16)] = xs[j] * exs[j // 2]
                exrow = jnp.where(lane_eq[0], exs[0],
                                  jnp.where(lane_eq[1], exs[1], 0.0))
                exb16[e2, :] = exrow

            pltpu.sync_copy(exb16, ex_h.at[pl.ds(base, CHUNK)])
            pltpu.sync_copy(exb16, den_sp.at[dst_v], add=True)
            pltpu.sync_copy(xlr, u_sp.at[dst_v], add=True)

        plsc.subcore_barrier()
        pltpu.sync_copy(den_sp.at[pl.ds(row0, RPT)], z16)
        pltpu.sync_copy(z16, den_h.at[c, pl.ds(row0, RPT)])
        for r0, nr in ((0, CHUNK), (CHUNK, CHUNK),
                       (2 * CHUNK, RPT - 2 * CHUNK)):
            pltpu.sync_copy(u_sp.at[pl.ds(row0 + r0, nr)],
                            xlr.at[pl.ds(0, nr)])
            pltpu.sync_copy(xlr.at[pl.ds(0, nr)],
                            u_h.at[c, pl.ds(row0 + r0, nr)])

    return _passA_body


def _make_passA(hp):
    return pl.kernel(
        _make_passA_body(hp),
        out_type=(jax.ShapeDtypeStruct((E_PAD, 16), f32),
                  jax.ShapeDtypeStruct((2, N_PAD, 16), f32),
                  jax.ShapeDtypeStruct((2, N_PAD, HW), f32)),
        mesh=plsc.VectorSubcoreMesh(core_axis_name="c", subcore_axis_name="s"),
        compiler_params=pltpu.CompilerParams(use_tc_tiling_on_sc=False),
        scratch_types=[
            pltpu.VMEM((CHUNK,), i32), pltpu.VMEM((CHUNK,), i32),
            pltpu.VMEM((CHUNK, HW), f32), pltpu.VMEM((CHUNK, HW), f32),
            pltpu.VMEM((CHUNK, HW), f32),
            pltpu.VMEM((CHUNK, 16), f32),
            pltpu.VMEM((HW,), f32),
            pltpu.VMEM((RPT, 16), f32),
            pltpu.VMEM_SHARED((N_PAD, 16), f32),
            pltpu.VMEM_SHARED((N_PAD, HW), f32),
            pltpu.SemaphoreType.DMA, pltpu.SemaphoreType.DMA,
            pltpu.SemaphoreType.DMA, pltpu.SemaphoreType.DMA,
            pltpu.SemaphoreType.DMA,
        ],
    )


_passA0 = _make_passA(0)
_passA1 = _make_passA(1)


def _passB_body(ex0_h, ex1_h, ds_h, dst_h, al_h,
                dst_v, exb0, exb1, d0r, anb, sem1, sem2, sem3, sem4):
    c = lax.axis_index("c")
    s = lax.axis_index("s")
    w = c * 16 + s
    lanes = lax.iota(i32, 16)
    shifts = [(lanes - 4 * u) & 15 for u in range(4)]

    @pl.loop(0, NCHUNK)
    def _chunk(ci):
        base = w * EPW + ci * CHUNK
        cp1 = pltpu.async_copy(dst_h.at[pl.ds(base, CHUNK)], dst_v, sem1)
        cp2 = pltpu.async_copy(ex0_h.at[pl.ds(base, CHUNK)], exb0, sem2)
        cp3 = pltpu.async_copy(ex1_h.at[pl.ds(base, CHUNK)], exb1, sem3)
        cp1.wait()
        cp4 = pltpu.async_copy(ds_h.at[dst_v], d0r, sem4)
        cp2.wait()
        cp3.wait()
        cp4.wait()

        @pl.loop(0, CHUNK // 4)
        def _quad(q):
            acc = jnp.zeros((16,), f32)
            for u in range(4):
                e2 = q * 4 + u
                an = (exb0[e2, :] + exb1[e2, :]) / (d0r[e2, :] + 1e-16)
                acc = acc + _permute(an, shifts[u])
            anb[pl.ds(q * 16, 16)] = acc

        pltpu.sync_copy(anb, al_h.at[pl.ds(base * 4, CHUNK * 4)])


_passB = pl.kernel(
    _passB_body,
    out_type=jax.ShapeDtypeStruct((E_PAD * 4,), f32),
    mesh=plsc.VectorSubcoreMesh(core_axis_name="c", subcore_axis_name="s"),
    compiler_params=pltpu.CompilerParams(use_tc_tiling_on_sc=False),
    scratch_types=[
        pltpu.VMEM((CHUNK,), i32),
        pltpu.VMEM((CHUNK, 16), f32), pltpu.VMEM((CHUNK, 16), f32),
        pltpu.VMEM((CHUNK, 16), f32),
        pltpu.VMEM((CHUNK * 4,), f32),
        pltpu.SemaphoreType.DMA, pltpu.SemaphoreType.DMA,
        pltpu.SemaphoreType.DMA, pltpu.SemaphoreType.DMA,
    ],
)


DS_R = N_PAD * 16 // 128
DS_B = DS_R // 10


def _dsum_body(d0_ref, d1_ref, o_ref):
    o_ref[...] = (d0_ref[0] + d0_ref[1] + d1_ref[0] + d1_ref[1])


_dsum = pl.pallas_call(
    _dsum_body,
    grid=(10,),
    in_specs=[
        pl.BlockSpec((2, DS_B, 128), lambda i: (0, i, 0)),
        pl.BlockSpec((2, DS_B, 128), lambda i: (0, i, 0)),
    ],
    out_specs=pl.BlockSpec((DS_B, 128), lambda i: (i, 0)),
    out_shape=jax.ShapeDtypeStruct((DS_R, 128), f32),
)


NBLK = 10
BN = NN // NBLK


def _lin_body(x_ref, xp_ref, xn_ref, wl, wr, w0, w1, w2, bl, br, bc,
              xl_o, xr_o, x2_o):
    xb = x_ref[...]
    xl_o[...] = jnp.dot(xb, wl[...], preferred_element_type=f32) + bl[...]
    xr_o[...] = jnp.dot(xb, wr[...], preferred_element_type=f32) + br[...]
    y = (jnp.dot(xp_ref[...], w0[...], preferred_element_type=f32)
         + jnp.dot(xb, w1[...], preferred_element_type=f32)
         + jnp.dot(xn_ref[...], w2[...], preferred_element_type=f32)
         + bc[...])
    x2_o[...] = jnp.maximum(y, 0.0)


_lin = pl.pallas_call(
    _lin_body,
    grid=(NBLK,),
    in_specs=[
        pl.BlockSpec((BN, DD), lambda i: (i, 0)),
        pl.BlockSpec((BN, DD), lambda i: (i, 0)),
        pl.BlockSpec((BN, DD), lambda i: (i, 0)),
        pl.BlockSpec((DD, HC), lambda i: (0, 0)),
        pl.BlockSpec((DD, HC), lambda i: (0, 0)),
        pl.BlockSpec((DD, HC), lambda i: (0, 0)),
        pl.BlockSpec((DD, HC), lambda i: (0, 0)),
        pl.BlockSpec((DD, HC), lambda i: (0, 0)),
        pl.BlockSpec((1, HC), lambda i: (0, 0)),
        pl.BlockSpec((1, HC), lambda i: (0, 0)),
        pl.BlockSpec((1, HC), lambda i: (0, 0)),
    ],
    out_specs=[
        pl.BlockSpec((BN, HC), lambda i: (i, 0)),
        pl.BlockSpec((BN, HC), lambda i: (i, 0)),
        pl.BlockSpec((BN, HC), lambda i: (i, 0)),
    ],
    out_shape=[
        jax.ShapeDtypeStruct((NN, HC), f32),
        jax.ShapeDtypeStruct((NN, HC), f32),
        jax.ShapeDtypeStruct((NN, HC), f32),
    ],
)

EBLK = 40
BE = E_PAD // EBLK


def _e_body(ea_ref, we, e_o):
    e_o[...] = jnp.dot(ea_ref[...], we[...], preferred_element_type=f32)


_eproj = pl.pallas_call(
    _e_body,
    grid=(EBLK,),
    in_specs=[
        pl.BlockSpec((BE, EDD), lambda i: (i, 0)),
        pl.BlockSpec((EDD, HC), lambda i: (0, 0)),
    ],
    out_specs=pl.BlockSpec((BE, HC), lambda i: (i, 0)),
    out_shape=jax.ShapeDtypeStruct((E_PAD, HC), f32),
)


def _post1_body(u0a, u0b, u1a, u1b, da, bias, sel,
                out_o, st_o, acc):
    i = pl.program_id(0)
    den = da[...] + 1e-16
    r = jnp.dot(1.0 / den, sel[...], preferred_element_type=f32)
    o_lo = (u0a[...] + u0b[...]) * r[:, :HW]
    o_hi = (u1a[...] + u1b[...]) * r[:, HW:]
    o = jnp.concatenate([o_lo, o_hi], axis=1) + bias[...]
    out_o[...] = o

    @pl.when(i == 0)
    def _():
        acc[...] = jnp.zeros_like(acc)

    acc[0:1, :] += jnp.sum(o, axis=0, keepdims=True)
    acc[1:2, :] += jnp.sum(o * o, axis=0, keepdims=True)

    @pl.when(i == NBLK - 1)
    def _():
        st_o[...] = acc[...]


_post1 = pl.pallas_call(
    _post1_body,
    grid=(NBLK,),
    in_specs=[
        pl.BlockSpec((BN, HW), lambda i: (i, 0)),
        pl.BlockSpec((BN, HW), lambda i: (i, 0)),
        pl.BlockSpec((BN, HW), lambda i: (i, 0)),
        pl.BlockSpec((BN, HW), lambda i: (i, 0)),
        pl.BlockSpec((BN, 4), lambda i: (i, 0)),
        pl.BlockSpec((1, HC), lambda i: (0, 0)),
        pl.BlockSpec((4, HC), lambda i: (0, 0)),
    ],
    out_specs=[
        pl.BlockSpec((BN, HC), lambda i: (i, 0)),
        pl.BlockSpec((2, HC), lambda i: (0, 0)),
    ],
    out_shape=[
        jax.ShapeDtypeStruct((NN, HC), f32),
        jax.ShapeDtypeStruct((2, HC), f32),
    ],
    scratch_shapes=[pltpu.VMEM((2, HC), f32)],
)


def _post2_body(out_ref, st, gam, bet, x2_ref, xc_o):
    o = out_ref[...]
    mu = st[0:1, :] * (1.0 / NN)
    var = st[1:2, :] * (1.0 / NN) - mu * mu
    inv = lax.rsqrt(var + 1e-5)
    x1 = (o - mu) * inv * gam[...] + bet[...]
    x1 = jnp.where(x1 > 0, x1, 0.01 * x1)
    xc_o[:, :HC] = x1
    xc_o[:, HC:] = x2_ref[...]


_post2 = pl.pallas_call(
    _post2_body,
    grid=(NBLK,),
    in_specs=[
        pl.BlockSpec((BN, HC), lambda i: (i, 0)),
        pl.BlockSpec((2, HC), lambda i: (0, 0)),
        pl.BlockSpec((1, HC), lambda i: (0, 0)),
        pl.BlockSpec((1, HC), lambda i: (0, 0)),
        pl.BlockSpec((BN, HC), lambda i: (i, 0)),
    ],
    out_specs=pl.BlockSpec((BN, DD), lambda i: (i, 0)),
    out_shape=jax.ShapeDtypeStruct((NN, DD), f32),
)


def kernel(x, edge_data, edge_attr, W_l, b_l, W_r, b_r, W_e, att, bias_gat,
           conv_w, conv_b, bn_gamma, bn_beta):
    src = edge_data[0]
    dst = edge_data[1]
    pad_e = E_PAD - EE
    src_p = jnp.concatenate([src, jnp.zeros((pad_e,), i32)])
    dst_p = jnp.concatenate([dst, jnp.full((pad_e,), NN, i32)])
    ea_p = jnp.concatenate([edge_attr, jnp.zeros((pad_e, EDD), f32)])
    xprev = jnp.concatenate([jnp.zeros((1, DD), f32), x[:-1]])
    xnext = jnp.concatenate([x[1:], jnp.zeros((1, DD), f32)])
    wc0 = conv_w[:, :, 0].T
    wc1 = conv_w[:, :, 1].T
    wc2 = conv_w[:, :, 2].T

    xl, xr, x2 = _lin(x, xprev, xnext, W_l, W_r, wc0, wc1, wc2,
                      b_l.reshape(1, HC), b_r.reshape(1, HC),
                      conv_b.reshape(1, HC))
    xr_p = jnp.concatenate([xr, jnp.zeros((N_PAD - NN, HC), f32)])
    e = _eproj(ea_p, W_e)
    attf = att.reshape(HC)

    ex0, den0, u0 = _passA0(xl[:, :HW], xr_p[:, :HW], e[:, :HW],
                            src_p, dst_p, attf[:HW])
    ex1, den1, u1 = _passA1(xl[:, HW:], xr_p[:, HW:], e[:, HW:],
                            src_p, dst_p, attf[HW:])
    dsum = _dsum(den0.reshape(2, DS_R, 128),
                 den1.reshape(2, DS_R, 128)).reshape(N_PAD, 16)
    alpha_flat = _passB(ex0, ex1, dsum, dst_p)
    alpha_n = alpha_flat.reshape(E_PAD, 4)[:EE]

    sel = (jnp.arange(HC, dtype=i32)[None, :] // CC
           == jnp.arange(4, dtype=i32)[:, None]).astype(f32)
    out, stats = _post1(u0[0, :NN], u0[1, :NN], u1[0, :NN], u1[1, :NN],
                        dsum[:NN, :4], bias_gat.reshape(1, HC), sel)
    xcat = _post2(out, stats, bn_gamma.reshape(1, HC),
                  bn_beta.reshape(1, HC), x2)
    return (xcat, (edge_data, alpha_n), edge_data)

# --- scband reference (transcript-rebuilt; emitter-appended) ---
"""Pipeline reference for scband-gcnn-41197326303297 (READ-ONLY COPY).

The authoritative reference and input builder live on the scoring server;
editing this copy changes nothing except your own understanding.
"""

import jax, jax.numpy as jnp
import numpy as np

N, E, D, H, C, ED = 10000, 160000, 256, 4, 32, 16

def setup_inputs(seed: int = 0):
    key = jax.random.key(seed)
    ks = jax.random.split(key, 12)
    x = jax.random.normal(ks[0], (N, D), dtype=jnp.float32)
    edge_data = jax.random.randint(ks[1], (2, E), 0, N)
    edge_attr = jax.random.normal(ks[2], (E, ED), dtype=jnp.float32)
    W_l = 0.05 * jax.random.normal(ks[3], (D, H * C), dtype=jnp.float32)
    b_l = jnp.zeros((H * C,), dtype=jnp.float32)
    W_r = 0.05 * jax.random.normal(ks[4], (D, H * C), dtype=jnp.float32)
    b_r = jnp.zeros((H * C,), dtype=jnp.float32)
    W_e = 0.05 * jax.random.normal(ks[5], (ED, H * C), dtype=jnp.float32)
    att = 0.05 * jax.random.normal(ks[6], (H, C), dtype=jnp.float32)
    bias_gat = jnp.zeros((H * C,), dtype=jnp.float32)
    conv_w = 0.05 * jax.random.normal(ks[7], (D // 2, D, 3), dtype=jnp.float32)
    conv_b = jnp.zeros((D // 2,), dtype=jnp.float32)
    bn_gamma = jnp.ones((D // 2,), dtype=jnp.float32)
    bn_beta = jnp.zeros((D // 2,), dtype=jnp.float32)
    return {"x": x, "edge_data": edge_data, "edge_attr": edge_attr, "W_l": W_l, "b_l": b_l,
            "W_r": W_r, "b_r": b_r, "W_e": W_e, "att": att, "bias_gat": bias_gat,
            "conv_w": conv_w, "conv_b": conv_b, "bn_gamma": bn_gamma, "bn_beta": bn_beta}

def reference(x, edge_data, edge_attr, W_l, b_l, W_r, b_r, W_e, att, bias_gat, conv_w, conv_b, bn_gamma, bn_beta):
    n = x.shape[0]
    src = edge_data[0]
    dst = edge_data[1]
    # GATv2Conv (heads=4, out=32, add_self_loops=False, concat=True)
    xl = (x @ W_l + b_l).reshape(n, H, C)
    xr = (x @ W_r + b_r).reshape(n, H, C)
    e = (edge_attr @ W_e).reshape(-1, H, C)
    m = xl[src] + xr[dst] + e
    m = jnp.where(m > 0, m, 0.2 * m)  # leaky_relu negative_slope=0.2
    alpha = (m * att[None, :, :]).sum(-1)  # [E, H]
    amax = jax.ops.segment_max(alpha, dst, num_segments=n)
    amax = jnp.where(jnp.isfinite(amax), amax, 0.0)
    ex = jnp.exp(alpha - amax[dst])
    denom = jax.ops.segment_sum(ex, dst, num_segments=n) + 1e-16
    alpha_n = ex / denom[dst]
    msg = xl[src] * alpha_n[:, :, None]
    out = jax.ops.segment_sum(msg, dst, num_segments=n).reshape(n, H * C) + bias_gat
    # Conv1d branch on x.T: [D, N] -> [D//2, N]
    xc = x.T[None, :, :]
    y = jax.lax.conv_general_dilated(xc, conv_w, window_strides=(1,), padding=((1, 1),),
                                     dimension_numbers=("NCH", "OIH", "NCH"))
    x2 = jax.nn.relu(y[0].T + conv_b)  # [N, D//2]
    # BatchNorm1d (training mode: batch statistics) + leaky_relu_(0.01)
    mu = out.mean(axis=0)
    var = out.var(axis=0)
    x1 = (out - mu) / jnp.sqrt(var + 1e-5) * bn_gamma + bn_beta
    x1 = jnp.where(x1 > 0, x1, 0.01 * x1)
    xcat = jnp.concatenate([x1, x2], axis=1)
    return (xcat, (edge_data, alpha_n), edge_data)

if __name__ == "__main__":
    import jax
    _d = setup_inputs()
    print(jax.jit(kernel)(*tuple(_d.values())))

</pallas_src>

<mosaic_0001>
#map = affine_map<(d0, d1) -> (0, 0)>
#map1 = affine_map<(d0, d1) -> (0)>
#map2 = affine_map<(d0, d1) -> (0, 0, 0)>
module attributes {stable_mosaic.version = 14 : i64} {
  func.func @_passA_body(%arg0: i32, %arg1: i32, %arg2: memref<10000x64xf32, #tpu.memory_space<hbm>>, %arg3: memref<10240x64xf32, #tpu.memory_space<hbm>>, %arg4: memref<163840x64xf32, #tpu.memory_space<hbm>>, %arg5: memref<163840xi32, #tpu.memory_space<hbm>>, %arg6: memref<163840xi32, #tpu.memory_space<hbm>>, %arg7: memref<64xf32, #tpu.memory_space<hbm>>, %arg8: memref<163840x16xf32, #tpu.memory_space<hbm>>, %arg9: memref<2x10240x16xf32, #tpu.memory_space<hbm>>, %arg10: memref<2x10240x64xf32, #tpu.memory_space<hbm>>, %arg11: memref<256xi32, #tpu.memory_space<vmem>>, %arg12: memref<256xi32, #tpu.memory_space<vmem>>, %arg13: memref<256x64xf32, #tpu.memory_space<vmem>>, %arg14: memref<256x64xf32, #tpu.memory_space<vmem>>, %arg15: memref<256x64xf32, #tpu.memory_space<vmem>>, %arg16: memref<256x16xf32, #tpu.memory_space<vmem>>, %arg17: memref<64xf32, #tpu.memory_space<vmem>>, %arg18: memref<640x16xf32, #tpu.memory_space<vmem>>, %arg19: memref<10240x16xf32, #tpu.memory_space<vmem_shared>>, %arg20: memref<10240x64xf32, #tpu.memory_space<vmem_shared>>, %arg21: memref<!tpu.dma_semaphore, #tpu.memory_space<semaphore_mem>>, %arg22: memref<!tpu.dma_semaphore, #tpu.memory_space<semaphore_mem>>, %arg23: memref<!tpu.dma_semaphore, #tpu.memory_space<semaphore_mem>>, %arg24: memref<!tpu.dma_semaphore, #tpu.memory_space<semaphore_mem>>, %arg25: memref<!tpu.dma_semaphore, #tpu.memory_space<semaphore_mem>>) attributes {dimension_semantics = [#tpu.dimension_semantics<core_parallel>, #tpu.dimension_semantics<subcore_parallel>], iteration_bounds = array<i64: 2, 16>, scalar_prefetch = 0 : i64, scratch_operands = 15 : i64, tpu.core_type = #tpu.core_type<sc_vector_subcore>, window_params = [{transform_indices = #map}, {transform_indices = #map}, {transform_indices = #map}, {transform_indices = #map1}, {transform_indices = #map1}, {transform_indices = #map1}, {transform_indices = #map}, {transform_indices = #map2}, {transform_indices = #map2}]} {
    %mul3A = arith.constant 16 : i32
    %mul3A_0 = arith.muli %arg0, %mul3A : i32
    %add3A = arith.addi %mul3A_0, %arg1 : i32
    %broadcast_in_dim3A = arith.constant 0.000000e+00 : f32
    %broadcast_in_dim3A_1 = vector.broadcast %broadcast_in_dim3A : f32 to vector<16xf32>
    %scan3A = arith.constant 0 : i32
    %scan3A_2 = arith.constant 640 : i32
    %scan3A_3 = arith.addi %scan3A, %scan3A_2 : i32
    %scan3A_4 = arith.constant 1 : i32
    scf.for %scan3A_74 = %scan3A to %scan3A_3 step %scan3A_4  : i32 {
      %mul3A_75 = arith.constant 1 : i32
      %mul3A_76 = arith.muli %scan3A_74, %mul3A_75 : i32
      %add3A_77 = arith.constant 0 : i32
      %add3A_78 = arith.addi %add3A_77, %mul3A_76 : i32
      %swap3A = arith.index_cast %add3A_78 : i32 to index
      %swap3A_79 = arith.constant 0 : index
      %swap3A_80 = tpu.vector_load %arg18[%swap3A, %swap3A_79] {strides = array<i32>} : memref<640x16xf32, #tpu.memory_space<vmem>>, vector<1x16xf32>,
      %swap3A_81 = vector.shape_cast %swap3A_80 : vector<1x16xf32> to vector<16xf32>
      %swap3A_82 = vector.shape_cast %broadcast_in_dim3A_1 : vector<16xf32> to vector<1x16xf32>
      tpu.vector_store %arg18[%swap3A, %swap3A_79], %swap3A_82 {strides = array<i32>} : memref<640x16xf32, #tpu.memory_space<vmem>>, vector<1x16xf32>,
    }
    %scan3A_5 = arith.constant 640 : i32
    %scan3A_6 = arith.constant 0 : i32
    %scan3A_7 = arith.constant 256 : i32
    %scan3A_8 = arith.addi %scan3A_6, %scan3A_7 : i32
    %scan3A_9 = arith.constant 1 : i32
    scf.for %scan3A_74 = %scan3A_6 to %scan3A_8 step %scan3A_9  : i32 {
      %mul3A_75 = arith.constant 1 : i32
      %mul3A_76 = arith.muli %scan3A_74, %mul3A_75 : i32
      %add3A_77 = arith.constant 0 : i32
      %add3A_78 = arith.addi %add3A_77, %mul3A_76 : i32
      %swap3A = arith.index_cast %add3A_78 : i32 to index
      %swap3A_79 = arith.constant 0 : index
      %swap3A_80 = tpu.vector_load %arg13[%swap3A, %swap3A_79] {strides = array<i32>} : memref<256x64xf32, #tpu.memory_space<vmem>>, vector<1x16xf32>,
      %swap3A_81 = vector.shape_cast %swap3A_80 : vector<1x16xf32> to vector<16xf32>
      %swap3A_82 = vector.shape_cast %broadcast_in_dim3A_1 : vector<16xf32> to vector<1x16xf32>
      tpu.vector_store %arg13[%swap3A, %swap3A_79], %swap3A_82 {strides = array<i32>} : memref<256x64xf32, #tpu.memory_space<vmem>>, vector<1x16xf32>,
      %swap3A_83 = arith.index_cast %add3A_78 : i32 to index
      %swap3A_84 = arith.constant 16 : index
      %swap3A_85 = tpu.vector_load %arg13[%swap3A_83, %swap3A_84] {strides = array<i32>} : memref<256x64xf32, #tpu.memory_space<vmem>>, vector<1x16xf32>,
      %swap3A_86 = vector.shape_cast %swap3A_85 : vector<1x16xf32> to vector<16xf32>
      %swap3A_87 = vector.shape_cast %broadcast_in_dim3A_1 : vector<16xf32> to vector<1x16xf32>
      tpu.vector_store %arg13[%swap3A_83, %swap3A_84], %swap3A_87 {strides = array<i32>} : memref<256x64xf32, #tpu.memory_space<vmem>>, vector<1x16xf32>,
      %swap3A_88 = arith.index_cast %add3A_78 : i32 to index
      %swap3A_89 = arith.constant 32 : index
      %swap3A_90 = tpu.vector_load %arg13[%swap3A_88, %swap3A_89] {strides = array<i32>} : memref<256x64xf32, #tpu.memory_space<vmem>>, vector<1x16xf32>,
      %swap3A_91 = vector.shape_cast %swap3A_90 : vector<1x16xf32> to vector<16xf32>
      %swap3A_92 = vector.shape_cast %broadcast_in_dim3A_1 : vector<16xf32> to vector<1x16xf32>
      tpu.vector_store %arg13[%swap3A_88, %swap3A_89], %swap3A_92 {strides = array<i32>} : memref<256x64xf32, #tpu.memory_space<vmem>>, vector<1x16xf32>,
      %swap3A_93 = arith.index_cast %add3A_78 : i32 to index
      %swap3A_94 = arith.constant 48 : index
      %swap3A_95 = tpu.vector_load %arg13[%swap3A_93, %swap3A_94] {strides = array<i32>} : memref<256x64xf32, #tpu.memory_space<vmem>>, vector<1x16xf32>,
      %swap3A_96 = vector.shape_cast %swap3A_95 : vector<1x16xf32> to vector<16xf32>
      %swap3A_97 = vector.shape_cast %broadcast_in_dim3A_1 : vector<16xf32> to vector<1x16xf32>
      tpu.vector_store %arg13[%swap3A_93, %swap3A_94], %swap3A_97 {strides = array<i32>} : memref<256x64xf32, #tpu.memory_space<vmem>>, vector<1x16xf32>,
    }
    %scan3A_10 = arith.constant 256 : i32
    %mul3A_11 = arith.constant 640 : i32
    %mul3A_12 = arith.muli %arg1, %mul3A_11 : i32
    "tpu.region"() ({
      %run_scoped3A = tpu.sem_alloc : memref<!tpu.dma_semaphore, #tpu.memory_space<semaphore_mem>>
      %dma_start3A = arith.constant 0 : i32
      %dma_start3A_74 = tpu.memref_slice %arg19[%mul3A_12, %dma_start3A] : memref<10240x16xf32, #tpu.memory_space<vmem_shared>> -> memref<640x16xf32, #tpu.memory_space<vmem_shared>>
      %dma_start3A_75 = arith.constant 0 : i32
      %dma_start3A_76 = tpu.memref_slice %arg19[%mul3A_12, %dma_start3A_75] : memref<10240x16xf32, #tpu.memory_space<vmem_shared>> -> memref<640x16xf32, #tpu.memory_space<vmem_shared>>
      tpu.enqueue_dma source(%arg18 : memref<640x16xf32, #tpu.memory_space<vmem>>) target(%dma_start3A_76 : memref<640x16xf32, #tpu.memory_space<vmem_shared>>) target_semaphore(%run_scoped3A : memref<!tpu.dma_semaphore, #tpu.memory_space<semaphore_mem>>)
      %dma_wait3A = arith.constant 0 : i32
      %dma_wait3A_77 = tpu.memref_slice %arg19[%mul3A_12, %dma_wait3A] : memref<10240x16xf32, #tpu.memory_space<vmem_shared>> -> memref<640x16xf32, #tpu.memory_space<vmem_shared>>
      %dma_wait3A_78 = arith.constant 0 : i32
      %dma_wait3A_79 = tpu.memref_slice %arg19[%mul3A_12, %dma_wait3A_78] : memref<10240x16xf32, #tpu.memory_space<vmem_shared>> -> memref<640x16xf32, #tpu.memory_space<vmem_shared>>
      tpu.wait_dma2 semaphore(%run_scoped3A : memref<!tpu.dma_semaphore, #tpu.memory_space<semaphore_mem>>) src(%arg18 : memref<640x16xf32, #tpu.memory_space<vmem>>) dst(%dma_wait3A_79 : memref<640x16xf32, #tpu.memory_space<vmem_shared>>)
      tpu.yield
    }) : () -> ()
    "tpu.region"() ({
      %run_scoped3A = tpu.sem_alloc : memref<!tpu.dma_semaphore, #tpu.memory_space<semaphore_mem>>
      %dma_start3A = arith.constant 0 : i32
      %dma_start3A_74 = tpu.memref_slice %arg20[%mul3A_12, %dma_start3A] : memref<10240x64xf32, #tpu.memory_space<vmem_shared>> -> memref<256x64xf32, #tpu.memory_space<vmem_shared>>
      %dma_start3A_75 = arith.constant 0 : i32
      %dma_start3A_76 = tpu.memref_slice %arg20[%mul3A_12, %dma_start3A_75] : memref<10240x64xf32, #tpu.memory_space<vmem_shared>> -> memref<256x64xf32, #tpu.memory_space<vmem_shared>>
      tpu.enqueue_dma source(%arg13 : memref<256x64xf32, #tpu.memory_space<vmem>>) target(%dma_start3A_76 : memref<256x64xf32, #tpu.memory_space<vmem_shared>>) target_semaphore(%run_scoped3A : memref<!tpu.dma_semaphore, #tpu.memory_space<semaphore_mem>>)
      %dma_wait3A = arith.constant 0 : i32
      %dma_wait3A_77 = tpu.memref_slice %arg20[%mul3A_12, %dma_wait3A] : memref<10240x64xf32, #tpu.memory_space<vmem_shared>> -> memref<256x64xf32, #tpu.memory_space<vmem_shared>>
      %dma_wait3A_78 = arith.constant 0 : i32
      %dma_wait3A_79 = tpu.memref_slice %arg20[%mul3A_12, %dma_wait3A_78] : memref<10240x64xf32, #tpu.memory_space<vmem_shared>> -> memref<256x64xf32, #tpu.memory_space<vmem_shared>>
      tpu.wait_dma2 semaphore(%run_scoped3A : memref<!tpu.dma_semaphore, #tpu.memory_space<semaphore_mem>>) src(%arg13 : memref<256x64xf32, #tpu.memory_space<vmem>>) dst(%dma_wait3A_79 : memref<256x64xf32, #tpu.memory_space<vmem_shared>>)
      tpu.yield
    }) : () -> ()
    %add3A_13 = arith.constant 256 : i32
    %add3A_14 = arith.addi %mul3A_12, %add3A_13 : i32
    "tpu.region"() ({
      %run_scoped3A = tpu.sem_alloc : memref<!tpu.dma_semaphore, #tpu.memory_space<semaphore_mem>>
      %dma_start3A = arith.constant 0 : i32
      %dma_start3A_74 = tpu.memref_slice %arg20[%add3A_14, %dma_start3A] : memref<10240x64xf32, #tpu.memory_space<vmem_shared>> -> memref<256x64xf32, #tpu.memory_space<vmem_shared>>
      %dma_start3A_75 = arith.constant 0 : i32
      %dma_start3A_76 = tpu.memref_slice %arg20[%add3A_14, %dma_start3A_75] : memref<10240x64xf32, #tpu.memory_space<vmem_shared>> -> memref<256x64xf32, #tpu.memory_space<vmem_shared>>
      tpu.enqueue_dma source(%arg13 : memref<256x64xf32, #tpu.memory_space<vmem>>) target(%dma_start3A_76 : memref<256x64xf32, #tpu.memory_space<vmem_shared>>) target_semaphore(%run_scoped3A : memref<!tpu.dma_semaphore, #tpu.memory_space<semaphore_mem>>)
      %dma_wait3A = arith.constant 0 : i32
      %dma_wait3A_77 = tpu.memref_slice %arg20[%add3A_14, %dma_wait3A] : memref<10240x64xf32, #tpu.memory_space<vmem_shared>> -> memref<256x64xf32, #tpu.memory_space<vmem_shared>>
      %dma_wait3A_78 = arith.constant 0 : i32
      %dma_wait3A_79 = tpu.memref_slice %arg20[%add3A_14, %dma_wait3A_78] : memref<10240x64xf32, #tpu.memory_space<vmem_shared>> -> memref<256x64xf32, #tpu.memory_space<vmem_shared>>
      tpu.wait_dma2 semaphore(%run_scoped3A : memref<!tpu.dma_semaphore, #tpu.memory_space<semaphore_mem>>) src(%arg13 : memref<256x64xf32, #tpu.memory_space<vmem>>) dst(%dma_wait3A_79 : memref<256x64xf32, #tpu.memory_space<vmem_shared>>)
      tpu.yield
    }) : () -> ()
    %add3A_15 = arith.constant 512 : i32
    %add3A_16 = arith.addi %mul3A_12, %add3A_15 : i32
    "tpu.region"() ({
      %run_scoped3A = tpu.sem_alloc : memref<!tpu.dma_semaphore, #tpu.memory_space<semaphore_mem>>
      %dma_start3A = arith.constant 0 : i32
      %dma_start3A_74 = arith.constant 0 : i32
      %dma_start3A_75 = tpu.memref_slice %arg13[%dma_start3A, %dma_start3A_74] : memref<256x64xf32, #tpu.memory_space<vmem>> -> memref<128x64xf32, #tpu.memory_space<vmem>>
      %dma_start3A_76 = arith.constant 0 : i32
      %dma_start3A_77 = tpu.memref_slice %arg20[%add3A_16, %dma_start3A_76] : memref<10240x64xf32, #tpu.memory_space<vmem_shared>> -> memref<128x64xf32, #tpu.memory_space<vmem_shared>>
      %dma_start3A_78 = arith.constant 0 : i32
      %dma_start3A_79 = tpu.memref_slice %arg20[%add3A_16, %dma_start3A_78] : memref<10240x64xf32, #tpu.memory_space<vmem_shared>> -> memref<128x64xf32, #tpu.memory_space<vmem_shared>>
      %dma_start3A_80 = arith.constant 0 : i32
      %dma_start3A_81 = arith.constant 0 : i32
      %dma_start3A_82 = tpu.memref_slice %arg13[%dma_start3A_80, %dma_start3A_81] : memref<256x64xf32, #tpu.memory_space<vmem>> -> memref<128x64xf32, #tpu.memory_space<vmem>>
      tpu.enqueue_dma source(%dma_start3A_82 : memref<128x64xf32, #tpu.memory_space<vmem>>) target(%dma_start3A_79 : memref<128x64xf32, #tpu.memory_space<vmem_shared>>) target_semaphore(%run_scoped3A : memref<!tpu.dma_semaphore, #tpu.memory_space<semaphore_mem>>)
      %dma_wait3A = arith.constant 0 : i32
      %dma_wait3A_83 = arith.constant 0 : i32
      %dma_wait3A_84 = tpu.memref_slice %arg13[%dma_wait3A, %dma_wait3A_83] : memref<256x64xf32, #tpu.memory_space<vmem>> -> memref<128x64xf32, #tpu.memory_space<vmem>>
      %dma_wait3A_85 = arith.constant 0 : i32
      %dma_wait3A_86 = tpu.memref_slice %arg20[%add3A_16, %dma_wait3A_85] : memref<10240x64xf32, #tpu.memory_space<vmem_shared>> -> memref<128x64xf32, #tpu.memory_space<vmem_shared>>
      %dma_wait3A_87 = arith.constant 0 : i32
      %dma_wait3A_88 = tpu.memref_slice %arg20[%add3A_16, %dma_wait3A_87] : memref<10240x64xf32, #tpu.memory_space<vmem_shared>> -> memref<128x64xf32, #tpu.memory_space<vmem_shared>>
      %dma_wait3A_89 = arith.constant 0 : i32
      %dma_wait3A_90 = arith.constant 0 : i32
      %dma_wait3A_91 = tpu.memref_slice %arg13[%dma_wait3A_89, %dma_wait3A_90] : memref<256x64xf32, #tpu.memory_space<vmem>> -> memref<128x64xf32, #tpu.memory_space<vmem>>
      tpu.wait_dma2 semaphore(%run_scoped3A : memref<!tpu.dma_semaphore, #tpu.memory_space<semaphore_mem>>) src(%dma_wait3A_91 : memref<128x64xf32, #tpu.memory_space<vmem>>) dst(%dma_wait3A_88 : memref<128x64xf32, #tpu.memory_space<vmem_shared>>)
      tpu.yield
    }) : () -> ()
    "tpu.region"() ({
      %run_scoped3A = tpu.sem_alloc : memref<!tpu.dma_semaphore, #tpu.memory_space<semaphore_mem>>
      tpu.enqueue_dma source(%arg7 : memref<64xf32, #tpu.memory_space<hbm>>) target(%arg17 : memref<64xf32, #tpu.memory_space<vmem>>) target_semaphore(%run_scoped3A : memref<!tpu.dma_semaphore, #tpu.memory_space<semaphore_mem>>)
      tpu.wait_dma2 semaphore(%run_scoped3A : memref<!tpu.dma_semaphore, #tpu.memory_space<semaphore_mem>>) src(%arg7 : memref<64xf32, #tpu.memory_space<hbm>>) dst(%arg17 : memref<64xf32, #tpu.memory_space<vmem>>)
      tpu.yield
    }) : () -> ()
    %barrier3A = arith.constant 0 : index
    tpu.barrier barrier_id(%barrier3A)
    %iota3A = tpu.iota {dimensions = array<i32: 0>} : vector<16xi32>
    %add3A_17 = arith.constant 8 : i32
    %add3A_18 = vector.broadcast %add3A_17 : i32 to vector<16xi32>
    %add3A_19 = arith.addi %iota3A, %add3A_18 : vector<16xi32>
    %and3A = arith.constant 15 : i32
    %and3A_20 = vector.broadcast %and3A : i32 to vector<16xi32>
    %and3A_21 = arith.andi %add3A_19, %and3A_20 : vector<16xi32>
    %add3A_22 = arith.constant 4 : i32
    %add3A_23 = vector.broadcast %add3A_22 : i32 to vector<16xi32>
    %add3A_24 = arith.addi %iota3A, %add3A_23 : vector<16xi32>
    %and3A_25 = arith.constant 15 : i32
    %and3A_26 = vector.broadcast %and3A_25 : i32 to vector<16xi32>
    %and3A_27 = arith.andi %add3A_24, %and3A_26 : vector<16xi32>
    %add3A_28 = arith.constant 2 : i32
    %add3A_29 = vector.broadcast %add3A_28 : i32 to vector<16xi32>
    %add3A_30 = arith.addi %iota3A, %add3A_29 : vector<16xi32>
    %and3A_31 = arith.constant 15 : i32
    %and3A_32 = vector.broadcast %and3A_31 : i32 to vector<16xi32>
    %and3A_33 = arith.andi %add3A_30, %and3A_32 : vector<16xi32>
    %add3A_34 = arith.constant 1 : i32
    %add3A_35 = vector.broadcast %add3A_34 : i32 to vector<16xi32>
    %add3A_36 = arith.addi %iota3A, %add3A_35 : vector<16xi32>
    %and3A_37 = arith.constant 15 : i32
    %and3A_38 = vector.broadcast %and3A_37 : i32 to vector<16xi32>
    %and3A_39 = arith.andi %add3A_36, %and3A_38 : vector<16xi32>
    %get3A = arith.constant 0 : index
    %get3A_40 = tpu.vector_load %arg17[%get3A] {strides = array<i32>} : memref<64xf32, #tpu.memory_space<vmem>>, vector<16xf32>,
    %get3A_41 = vector.shape_cast %get3A_40 : vector<16xf32> to vector<16xf32>
    %get3A_42 = arith.constant 16 : index
    %get3A_43 = tpu.vector_load %arg17[%get3A_42] {strides = array<i32>} : memref<64xf32, #tpu.memory_space<vmem>>, vector<16xf32>,
    %get3A_44 = vector.shape_cast %get3A_43 : vector<16xf32> to vector<16xf32>
    %get3A_45 = arith.constant 32 : index
    %get3A_46 = tpu.vector_load %arg17[%get3A_45] {strides = array<i32>} : memref<64xf32, #tpu.memory_space<vmem>>, vector<16xf32>,
    %get3A_47 = vector.shape_cast %get3A_46 : vector<16xf32> to vector<16xf32>
    %get3A_48 = arith.constant 48 : index
    %get3A_49 = tpu.vector_load %arg17[%get3A_48] {strides = array<i32>} : memref<64xf32, #tpu.memory_space<vmem>>, vector<16xf32>,
    %get3A_50 = vector.shape_cast %get3A_49 : vector<16xf32> to vector<16xf32>
    %eq3A = arith.constant 2 : i32
    %eq3A_51 = vector.broadcast %eq3A : i32 to vector<16xi32>
    %eq3A_52 = arith.cmpi eq, %iota3A, %eq3A_51 : vector<16xi32>
    %eq3A_53 = arith.constant 3 : i32
    %eq3A_54 = vector.broadcast %eq3A_53 : i32 to vector<16xi32>
    %eq3A_55 = arith.cmpi eq, %iota3A, %eq3A_54 : vector<16xi32>
    %scan3A_56 = arith.constant 0 : i32
    %scan3A_57 = arith.constant 20 : i32
    %scan3A_58 = arith.addi %scan3A_56, %scan3A_57 : i32
    %scan3A_59 = arith.constant 1 : i32
    scf.for %scan3A_74 = %scan3A_56 to %scan3A_58 step %scan3A_59  : i32 {
      %mul3A_75 = arith.constant 1 : i32
      %mul3A_76 = arith.muli %scan3A_74, %mul3A_75 : i32
      %add3A_77 = arith.constant 0 : i32
      %add3A_78 = arith.addi %add3A_77, %mul3A_76 : i32
      %mul3A_79 = arith.constant 5120 : i32
      %mul3A_80 = arith.muli %add3A, %mul3A_79 : i32
      %mul3A_81 = arith.constant 256 : i32
      %mul3A_82 = arith.muli %add3A_78, %mul3A_81 : i32
      %add3A_83 = arith.addi %mul3A_80, %mul3A_82 : i32
      %dma_start3A = tpu.memref_slice %arg5[%add3A_83] : memref<163840xi32, #tpu.memory_space<hbm>> -> memref<256xi32, #tpu.memory_space<hbm>>
      %dma_start3A_84 = tpu.memref_slice %arg5[%add3A_83] : memref<163840xi32, #tpu.memory_space<hbm>> -> memref<256xi32, #tpu.memory_space<hbm>>
      tpu.enqueue_dma source(%dma_start3A_84 : memref<256xi32, #tpu.memory_space<hbm>>) target(%arg11 : memref<256xi32, #tpu.memory_space<vmem>>) target_semaphore(%arg21 : memref<!tpu.dma_semaphore, #tpu.memory_space<semaphore_mem>>)
      %dma_start3A_85 = tpu.memref_slice %arg6[%add3A_83] : memref<163840xi32, #tpu.memory_space<hbm>> -> memref<256xi32, #tpu.memory_space<hbm>>
      %dma_start3A_86 = tpu.memref_slice %arg6[%add3A_83] : memref<163840xi32, #tpu.memory_space<hbm>> -> memref<256xi32, #tpu.memory_space<hbm>>
      tpu.enqueue_dma source(%dma_start3A_86 : memref<256xi32, #tpu.memory_space<hbm>>) target(%arg12 : memref<256xi32, #tpu.memory_space<vmem>>) target_semaphore(%arg22 : memref<!tpu.dma_semaphore, #tpu.memory_space<semaphore_mem>>)
      %dma_start3A_87 = arith.constant 0 : i32
      %dma_start3A_88 = tpu.memref_slice %arg4[%add3A_83, %dma_start3A_87] : memref<163840x64xf32, #tpu.memory_space<hbm>> -> memref<256x64xf32, #tpu.memory_space<hbm>>
      %dma_start3A_89 = arith.constant 0 : i32
      %dma_start3A_90 = tpu.memref_slice %arg4[%add3A_83, %dma_start3A_89] : memref<163840x64xf32, #tpu.memory_space<hbm>> -> memref<256x64xf32, #tpu.memory_space<hbm>>
      tpu.enqueue_dma source(%dma_start3A_90 : memref<256x64xf32, #tpu.memory_space<hbm>>) target(%arg15 : memref<256x64xf32, #tpu.memory_space<vmem>>) target_semaphore(%arg25 : memref<!tpu.dma_semaphore, #tpu.memory_space<semaphore_mem>>)
      %dma_wait3A = tpu.memref_slice %arg5[%add3A_83] : memref<163840xi32, #tpu.memory_space<hbm>> -> memref<256xi32, #tpu.memory_space<hbm>>
      %dma_wait3A_91 = tpu.memref_slice %arg5[%add3A_83] : memref<163840xi32, #tpu.memory_space<hbm>> -> memref<256xi32, #tpu.memory_space<hbm>>
      tpu.wait_dma2 semaphore(%arg21 : memref<!tpu.dma_semaphore, #tpu.memory_space<semaphore_mem>>) src(%dma_wait3A_91 : memref<256xi32, #tpu.memory_space<hbm>>) dst(%arg11 : memref<256xi32, #tpu.memory_space<vmem>>)
      %dma_wait3A_92 = tpu.memref_slice %arg6[%add3A_83] : memref<163840xi32, #tpu.memory_space<hbm>> -> memref<256xi32, #tpu.memory_space<hbm>>
      %dma_wait3A_93 = tpu.memref_slice %arg6[%add3A_83] : memref<163840xi32, #tpu.memory_space<hbm>> -> memref<256xi32, #tpu.memory_space<hbm>>
      tpu.wait_dma2 semaphore(%arg22 : memref<!tpu.dma_semaphore, #tpu.memory_space<semaphore_mem>>) src(%dma_wait3A_93 : memref<256xi32, #tpu.memory_space<hbm>>) dst(%arg12 : memref<256xi32, #tpu.memory_space<vmem>>)
      %dma_start3A_94 = arith.constant 0 : i32
      %dma_start3A_95 = arith.constant 0 : i32
      %dma_start3A_96 = tpu.memref_slice %arg2[%dma_start3A_94, %dma_start3A_95] : memref<10000x64xf32, #tpu.memory_space<hbm>> -> memref<10000x64xf32, #tpu.memory_space<hbm>>
      tpu.enqueue_indirect_dma source(%dma_start3A_96 : memref<10000x64xf32, #tpu.memory_space<hbm>>) target(%arg13 : memref<256x64xf32, #tpu.memory_space<vmem>>) offsets(%arg11 : memref<256xi32, #tpu.memory_space<vmem>>) semaphore(%arg23 : memref<!tpu.dma_semaphore, #tpu.memory_space<semaphore_mem>>)
      %dma_start3A_97 = arith.constant 0 : i32
      %dma_start3A_98 = arith.constant 0 : i32
      %dma_start3A_99 = tpu.memref_slice %arg3[%dma_start3A_97, %dma_start3A_98] : memref<10240x64xf32, #tpu.memory_space<hbm>> -> memref<10240x64xf32, #tpu.memory_space<hbm>>
      tpu.enqueue_indirect_dma source(%dma_start3A_99 : memref<10240x64xf32, #tpu.memory_space<hbm>>) target(%arg14 : memref<256x64xf32, #tpu.memory_space<vmem>>) offsets(%arg12 : memref<256xi32, #tpu.memory_space<vmem>>) semaphore(%arg24 : memref<!tpu.dma_semaphore, #tpu.memory_space<semaphore_mem>>)
      %dma_wait3A_100 = arith.constant 0 : i32
      %dma_wait3A_101 = arith.constant 0 : i32
      %dma_wait3A_102 = tpu.memref_slice %arg2[%dma_wait3A_100, %dma_wait3A_101] : memref<10000x64xf32, #tpu.memory_space<hbm>> -> memref<10000x64xf32, #tpu.memory_space<hbm>>
      tpu.wait_indirect_dma semaphore(%arg23 : memref<!tpu.dma_semaphore, #tpu.memory_space<semaphore_mem>>) src(%dma_wait3A_102 : memref<10000x64xf32, #tpu.memory_space<hbm>>) dst(%arg13 : memref<256x64xf32, #tpu.memory_space<vmem>>)
      %dma_wait3A_103 = arith.constant 0 : i32
      %dma_wait3A_104 = arith.constant 0 : i32
      %dma_wait3A_105 = tpu.memref_slice %arg3[%dma_wait3A_103, %dma_wait3A_104] : memref<10240x64xf32, #tpu.memory_space<hbm>> -> memref<10240x64xf32, #tpu.memory_space<hbm>>
      tpu.wait_indirect_dma semaphore(%arg24 : memref<!tpu.dma_semaphore, #tpu.memory_space<semaphore_mem>>) src(%dma_wait3A_105 : memref<10240x64xf32, #tpu.memory_space<hbm>>) dst(%arg14 : memref<256x64xf32, #tpu.memory_space<vmem>>)
      %dma_wait3A_106 = arith.constant 0 : i32
      %dma_wait3A_107 = tpu.memref_slice %arg4[%add3A_83, %dma_wait3A_106] : memref<163840x64xf32, #tpu.memory_space<hbm>> -> memref<256x64xf32, #tpu.memory_space<hbm>>
      %dma_wait3A_108 = arith.constant 0 : i32
      %dma_wait3A_109 = tpu.memref_slice %arg4[%add3A_83, %dma_wait3A_108] : memref<163840x64xf32, #tpu.memory_space<hbm>> -> memref<256x64xf32, #tpu.memory_space<hbm>>
      tpu.wait_dma2 semaphore(%arg25 : memref<!tpu.dma_semaphore, #tpu.memory_space<semaphore_mem>>) src(%dma_wait3A_109 : memref<256x64xf32, #tpu.memory_space<hbm>>) dst(%arg15 : memref<256x64xf32, #tpu.memory_space<vmem>>)
      %scan3A_110 = arith.constant 0 : i32
      %scan3A_111 = arith.constant 256 : i32
      %scan3A_112 = arith.addi %scan3A_110, %scan3A_111 : i32
      %scan3A_113 = arith.constant 1 : i32
      scf.for %scan3A_115 = %scan3A_110 to %scan3A_112 step %scan3A_113  : i32 {
        %mul3A_116 = arith.constant 1 : i32
        %mul3A_117 = arith.muli %scan3A_115, %mul3A_116 : i32
        %add3A_118 = arith.constant 0 : i32
        %add3A_119 = arith.addi %add3A_118, %mul3A_117 : i32
        %get3A_120 = arith.index_cast %add3A_119 : i32 to index
        %get3A_121 = arith.constant 0 : index
        %get3A_122 = tpu.vector_load %arg13[%get3A_120, %get3A_121] {strides = array<i32>} : memref<256x64xf32, #tpu.memory_space<vmem>>, vector<1x16xf32>,
        %get3A_123 = vector.shape_cast %get3A_122 : vector<1x16xf32> to vector<16xf32>
        %get3A_124 = arith.index_cast %add3A_119 : i32 to index
        %get3A_125 = arith.constant 0 : index
        %get3A_126 = tpu.vector_load %arg14[%get3A_124, %get3A_125] {strides = array<i32>} : memref<256x64xf32, #tpu.memory_space<vmem>>, vector<1x16xf32>,
        %get3A_127 = vector.shape_cast %get3A_126 : vector<1x16xf32> to vector<16xf32>
        %add3A_128 = arith.addf %get3A_123, %get3A_127 : vector<16xf32>
        %get3A_129 = arith.index_cast %add3A_119 : i32 to index
        %get3A_130 = arith.constant 0 : index
        %get3A_131 = tpu.vector_load %arg15[%get3A_129, %get3A_130] {strides = array<i32>} : memref<256x64xf32, #tpu.memory_space<vmem>>, vector<1x16xf32>,
        %get3A_132 = vector.shape_cast %get3A_131 : vector<1x16xf32> to vector<16xf32>
        %add3A_133 = arith.addf %add3A_128, %get3A_132 : vector<16xf32>
        %gt3A = arith.constant 0.000000e+00 : f32
        %gt3A_134 = vector.broadcast %gt3A : f32 to vector<16xf32>
        %gt3A_135 = arith.cmpf ogt, %add3A_133, %gt3A_134 : vector<16xf32>
        %mul3A_136 = arith.constant 2.000000e-01 : f32
        %mul3A_137 = vector.broadcast %mul3A_136 : f32 to vector<16xf32>
        %mul3A_138 = arith.mulf %mul3A_137, %add3A_133 : vector<16xf32>
        %select_n3A = arith.select %gt3A_135, %add3A_133, %mul3A_138 : vector<16xi1>, vector<16xf32>
        %mul3A_139 = arith.mulf %select_n3A, %get3A_41 : vector<16xf32>
        %get3A_140 = arith.index_cast %add3A_119 : i32 to index
        %get3A_141 = arith.constant 16 : index
        %get3A_142 = tpu.vector_load %arg13[%get3A_140, %get3A_141] {strides = array<i32>} : memref<256x64xf32, #tpu.memory_space<vmem>>, vector<1x16xf32>,
        %get3A_143 = vector.shape_cast %get3A_142 : vector<1x16xf32> to vector<16xf32>
        %get3A_144 = arith.index_cast %add3A_119 : i32 to index
        %get3A_145 = arith.constant 16 : index
        %get3A_146 = tpu.vector_load %arg14[%get3A_144, %get3A_145] {strides = array<i32>} : memref<256x64xf32, #tpu.memory_space<vmem>>, vector<1x16xf32>,
        %get3A_147 = vector.shape_cast %get3A_146 : vector<1x16xf32> to vector<16xf32>
        %add3A_148 = arith.addf %get3A_143, %get3A_147 : vector<16xf32>
        %get3A_149 = arith.index_cast %add3A_119 : i32 to index
        %get3A_150 = arith.constant 16 : index
        %get3A_151 = tpu.vector_load %arg15[%get3A_149, %get3A_150] {strides = array<i32>} : memref<256x64xf32, #tpu.memory_space<vmem>>, vector<1x16xf32>,
        %get3A_152 = vector.shape_cast %get3A_151 : vector<1x16xf32> to vector<16xf32>
        %add3A_153 = arith.addf %add3A_148, %get3A_152 : vector<16xf32>
        %gt3A_154 = arith.constant 0.000000e+00 : f32
        %gt3A_155 = vector.broadcast %gt3A_154 : f32 to vector<16xf32>
        %gt3A_156 = arith.cmpf ogt, %add3A_153, %gt3A_155 : vector<16xf32>
        %mul3A_157 = arith.constant 2.000000e-01 : f32
        %mul3A_158 = vector.broadcast %mul3A_157 : f32 to vector<16xf32>
        %mul3A_159 = arith.mulf %mul3A_158, %add3A_153 : vector<16xf32>
        %select_n3A_160 = arith.select %gt3A_156, %add3A_153, %mul3A_159 : vector<16xi1>, vector<16xf32>
        %mul3A_161 = arith.mulf %select_n3A_160, %get3A_44 : vector<16xf32>
        %get3A_162 = arith.index_cast %add3A_119 : i32 to index
        %get3A_163 = arith.constant 32 : index
        %get3A_164 = tpu.vector_load %arg13[%get3A_162, %get3A_163] {strides = array<i32>} : memref<256x64xf32, #tpu.memory_space<vmem>>, vector<1x16xf32>,
        %get3A_165 = vector.shape_cast %get3A_164 : vector<1x16xf32> to vector<16xf32>
        %get3A_166 = arith.index_cast %add3A_119 : i32 to index
        %get3A_167 = arith.constant 32 : index
        %get3A_168 = tpu.vector_load %arg14[%get3A_166, %get3A_167] {strides = array<i32>} : memref<256x64xf32, #tpu.memory_space<vmem>>, vector<1x16xf32>,
        %get3A_169 = vector.shape_cast %get3A_168 : vector<1x16xf32> to vector<16xf32>
        %add3A_170 = arith.addf %get3A_165, %get3A_169 : vector<16xf32>
        %get3A_171 = arith.index_cast %add3A_119 : i32 to index
        %get3A_172 = arith.constant 32 : index
        %get3A_173 = tpu.vector_load %arg15[%get3A_171, %get3A_172] {strides = array<i32>} : memref<256x64xf32, #tpu.memory_space<vmem>>, vector<1x16xf32>,
        %get3A_174 = vector.shape_cast %get3A_173 : vector<1x16xf32> to vector<16xf32>
        %add3A_175 = arith.addf %add3A_170, %get3A_174 : vector<16xf32>
        %gt3A_176 = arith.constant 0.000000e+00 : f32
        %gt3A_177 = vector.broadcast %gt3A_176 : f32 to vector<16xf32>
        %gt3A_178 = arith.cmpf ogt, %add3A_175, %gt3A_177 : vector<16xf32>
        %mul3A_179 = arith.constant 2.000000e-01 : f32
        %mul3A_180 = vector.broadcast %mul3A_179 : f32 to vector<16xf32>
        %mul3A_181 = arith.mulf %mul3A_180, %add3A_175 : vector<16xf32>
        %select_n3A_182 = arith.select %gt3A_178, %add3A_175, %mul3A_181 : vector<16xi1>, vector<16xf32>
        %mul3A_183 = arith.mulf %select_n3A_182, %get3A_47 : vector<16xf32>
        %get3A_184 = arith.index_cast %add3A_119 : i32 to index
        %get3A_185 = arith.constant 48 : index
        %get3A_186 = tpu.vector_load %arg13[%get3A_184, %get3A_185] {strides = array<i32>} : memref<256x64xf32, #tpu.memory_space<vmem>>, vector<1x16xf32>,
        %get3A_187 = vector.shape_cast %get3A_186 : vector<1x16xf32> to vector<16xf32>
        %get3A_188 = arith.index_cast %add3A_119 : i32 to index
        %get3A_189 = arith.constant 48 : index
        %get3A_190 = tpu.vector_load %arg14[%get3A_188, %get3A_189] {strides = array<i32>} : memref<256x64xf32, #tpu.memory_space<vmem>>, vector<1x16xf32>,
        %get3A_191 = vector.shape_cast %get3A_190 : vector<1x16xf32> to vector<16xf32>
        %add3A_192 = arith.addf %get3A_187, %get3A_191 : vector<16xf32>
        %get3A_193 = arith.index_cast %add3A_119 : i32 to index
        %get3A_194 = arith.constant 48 : index
        %get3A_195 = tpu.vector_load %arg15[%get3A_193, %get3A_194] {strides = array<i32>} : memref<256x64xf32, #tpu.memory_space<vmem>>, vector<1x16xf32>,
        %get3A_196 = vector.shape_cast %get3A_195 : vector<1x16xf32> to vector<16xf32>
        %add3A_197 = arith.addf %add3A_192, %get3A_196 : vector<16xf32>
        %gt3A_198 = arith.constant 0.000000e+00 : f32
        %gt3A_199 = vector.broadcast %gt3A_198 : f32 to vector<16xf32>
        %gt3A_200 = arith.cmpf ogt, %add3A_197, %gt3A_199 : vector<16xf32>
        %mul3A_201 = arith.constant 2.000000e-01 : f32
        %mul3A_202 = vector.broadcast %mul3A_201 : f32 to vector<16xf32>
        %mul3A_203 = arith.mulf %mul3A_202, %add3A_197 : vector<16xf32>
        %select_n3A_204 = arith.select %gt3A_200, %add3A_197, %mul3A_203 : vector<16xi1>, vector<16xf32>
        %mul3A_205 = arith.mulf %select_n3A_204, %get3A_50 : vector<16xf32>
        %add3A_206 = arith.addf %mul3A_139, %mul3A_161 : vector<16xf32>
        %broadcast_in_dim3A_207 = vector.shape_cast %and3A_21 : vector<16xi32> to vector<16x1xi32>
        %gather3A = vector.shape_cast %broadcast_in_dim3A_207 : vector<16x1xi32> to vector<16xi32>
        %gather3A_208 = tpu.dynamic_gather %add3A_206[%gather3A] in [0] : vector<16xf32>, vector<16xi32> -> vector<16xf32>
        %add3A_209 = arith.addf %add3A_206, %gather3A_208 : vector<16xf32>
        %broadcast_in_dim3A_210 = vector.shape_cast %and3A_27 : vector<16xi32> to vector<16x1xi32>
        %gather3A_211 = vector.shape_cast %broadcast_in_dim3A_210 : vector<16x1xi32> to vector<16xi32>
        %gather3A_212 = tpu.dynamic_gather %add3A_209[%gather3A_211] in [0] : vector<16xf32>, vector<16xi32> -> vector<16xf32>
        %add3A_213 = arith.addf %add3A_209, %gather3A_212 : vector<16xf32>
        %broadcast_in_dim3A_214 = vector.shape_cast %and3A_33 : vector<16xi32> to vector<16x1xi32>
        %gather3A_215 = vector.shape_cast %broadcast_in_dim3A_214 : vector<16x1xi32> to vector<16xi32>
        %gather3A_216 = tpu.dynamic_gather %add3A_213[%gather3A_215] in [0] : vector<16xf32>, vector<16xi32> -> vector<16xf32>
        %add3A_217 = arith.addf %add3A_213, %gather3A_216 : vector<16xf32>
        %broadcast_in_dim3A_218 = vector.shape_cast %and3A_39 : vector<16xi32> to vector<16x1xi32>
        %gather3A_219 = vector.shape_cast %broadcast_in_dim3A_218 : vector<16x1xi32> to vector<16xi32>
        %gather3A_220 = tpu.dynamic_gather %add3A_217[%gather3A_219] in [0] : vector<16xf32>, vector<16xi32> -> vector<16xf32>
        %add3A_221 = arith.addf %add3A_217, %gather3A_220 : vector<16xf32>
        %exp3A = math.exp %add3A_221 : vector<16xf32>
        %add3A_222 = arith.addf %mul3A_183, %mul3A_205 : vector<16xf32>
        %broadcast_in_dim3A_223 = vector.shape_cast %and3A_21 : vector<16xi32> to vector<16x1xi32>
        %gather3A_224 = vector.shape_cast %broadcast_in_dim3A_223 : vector<16x1xi32> to vector<16xi32>
        %gather3A_225 = tpu.dynamic_gather %add3A_222[%gather3A_224] in [0] : vector<16xf32>, vector<16xi32> -> vector<16xf32>
        %add3A_226 = arith.addf %add3A_222, %gather3A_225 : vector<16xf32>
        %broadcast_in_dim3A_227 = vector.shape_cast %and3A_27 : vector<16xi32> to vector<16x1xi32>
        %gather3A_228 = vector.shape_cast %broadcast_in_dim3A_227 : vector<16x1xi32> to vector<16xi32>
        %gather3A_229 = tpu.dynamic_gather %add3A_226[%gather3A_228] in [0] : vector<16xf32>, vector<16xi32> -> vector<16xf32>
        %add3A_230 = arith.addf %add3A_226, %gather3A_229 : vector<16xf32>
        %broadcast_in_dim3A_231 = vector.shape_cast %and3A_33 : vector<16xi32> to vector<16x1xi32>
        %gather3A_232 = vector.shape_cast %broadcast_in_dim3A_231 : vector<16x1xi32> to vector<16xi32>
        %gather3A_233 = tpu.dynamic_gather %add3A_230[%gather3A_232] in [0] : vector<16xf32>, vector<16xi32> -> vector<16xf32>
        %add3A_234 = arith.addf %add3A_230, %gather3A_233 : vector<16xf32>
        %broadcast_in_dim3A_235 = vector.shape_cast %and3A_39 : vector<16xi32> to vector<16x1xi32>
        %gather3A_236 = vector.shape_cast %broadcast_in_dim3A_235 : vector<16x1xi32> to vector<16xi32>
        %gather3A_237 = tpu.dynamic_gather %add3A_234[%gather3A_236] in [0] : vector<16xf32>, vector<16xi32> -> vector<16xf32>
        %add3A_238 = arith.addf %add3A_234, %gather3A_237 : vector<16xf32>
        %exp3A_239 = math.exp %add3A_238 : vector<16xf32>
        %mul3A_240 = arith.mulf %get3A_123, %exp3A : vector<16xf32>
        %swap3A = arith.index_cast %add3A_119 : i32 to index
        %swap3A_241 = arith.constant 0 : index
        %swap3A_242 = tpu.vector_load %arg13[%swap3A, %swap3A_241] {strides = array<i32>} : memref<256x64xf32, #tpu.memory_space<vmem>>, vector<1x16xf32>,
        %swap3A_243 = vector.shape_cast %swap3A_242 : vector<1x16xf32> to vector<16xf32>
        %swap3A_244 = vector.shape_cast %mul3A_240 : vector<16xf32> to vector<1x16xf32>
        tpu.vector_store %arg13[%swap3A, %swap3A_241], %swap3A_244 {strides = array<i32>} : memref<256x64xf32, #tpu.memory_space<vmem>>, vector<1x16xf32>,
        %mul3A_245 = arith.mulf %get3A_143, %exp3A : vector<16xf32>
        %swap3A_246 = arith.index_cast %add3A_119 : i32 to index
        %swap3A_247 = arith.constant 16 : index
        %swap3A_248 = tpu.vector_load %arg13[%swap3A_246, %swap3A_247] {strides = array<i32>} : memref<256x64xf32, #tpu.memory_space<vmem>>, vector<1x16xf32>,
        %swap3A_249 = vector.shape_cast %swap3A_248 : vector<1x16xf32> to vector<16xf32>
        %swap3A_250 = vector.shape_cast %mul3A_245 : vector<16xf32> to vector<1x16xf32>
        tpu.vector_store %arg13[%swap3A_246, %swap3A_247], %swap3A_250 {strides = array<i32>} : memref<256x64xf32, #tpu.memory_space<vmem>>, vector<1x16xf32>,
        %mul3A_251 = arith.mulf %get3A_165, %exp3A_239 : vector<16xf32>
        %swap3A_252 = arith.index_cast %add3A_119 : i32 to index
        %swap3A_253 = arith.constant 32 : index
        %swap3A_254 = tpu.vector_load %arg13[%swap3A_252, %swap3A_253] {strides = array<i32>} : memref<256x64xf32, #tpu.memory_space<vmem>>, vector<1x16xf32>,
        %swap3A_255 = vector.shape_cast %swap3A_254 : vector<1x16xf32> to vector<16xf32>
        %swap3A_256 = vector.shape_cast %mul3A_251 : vector<16xf32> to vector<1x16xf32>
        tpu.vector_store %arg13[%swap3A_252, %swap3A_253], %swap3A_256 {strides = array<i32>} : memref<256x64xf32, #tpu.memory_space<vmem>>, vector<1x16xf32>,
        %mul3A_257 = arith.mulf %get3A_187, %exp3A_239 : vector<16xf32>
        %swap3A_258 = arith.index_cast %add3A_119 : i32 to index
        %swap3A_259 = arith.constant 48 : index
        %swap3A_260 = tpu.vector_load %arg13[%swap3A_258, %swap3A_259] {strides = array<i32>} : memref<256x64xf32, #tpu.memory_space<vmem>>, vector<1x16xf32>,
        %swap3A_261 = vector.shape_cast %swap3A_260 : vector<1x16xf32> to vector<16xf32>
        %swap3A_262 = vector.shape_cast %mul3A_257 : vector<16xf32> to vector<1x16xf32>
        tpu.vector_store %arg13[%swap3A_258, %swap3A_259], %swap3A_262 {strides = array<i32>} : memref<256x64xf32, #tpu.memory_space<vmem>>, vector<1x16xf32>,
        %jit3A = arith.constant 0.000000e+00 : f32
        %broadcast_in_dim3A_263 = vector.broadcast %jit3A : f32 to vector<16xf32>
        %select_n3A_264 = arith.select %eq3A_55, %exp3A_239, %broadcast_in_dim3A_263 : vector<16xi1>, vector<16xf32>
        %select_n3A_265 = arith.select %eq3A_52, %exp3A, %select_n3A_264 : vector<16xi1>, vector<16xf32>
        %swap3A_266 = arith.index_cast %add3A_119 : i32 to index
        %swap3A_267 = arith.constant 0 : index
        %swap3A_268 = tpu.vector_load %arg16[%swap3A_266, %swap3A_267] {strides = array<i32>} : memref<256x16xf32, #tpu.memory_space<vmem>>, vector<1x16xf32>,
        %swap3A_269 = vector.shape_cast %swap3A_268 : vector<1x16xf32> to vector<16xf32>
        %swap3A_270 = vector.shape_cast %select_n3A_265 : vector<16xf32> to vector<1x16xf32>
        tpu.vector_store %arg16[%swap3A_266, %swap3A_267], %swap3A_270 {strides = array<i32>} : memref<256x16xf32, #tpu.memory_space<vmem>>, vector<1x16xf32>,
      }
      %scan3A_114 = arith.constant 256 : i32
      "tpu.region"() ({
        %run_scoped3A = tpu.sem_alloc : memref<!tpu.dma_semaphore, #tpu.memory_space<semaphore_mem>>
        %dma_start3A_115 = arith.constant 0 : i32
        %dma_start3A_116 = tpu.memref_slice %arg8[%add3A_83, %dma_start3A_115] : memref<163840x16xf32, #tpu.memory_space<hbm>> -> memref<256x16xf32, #tpu.memory_space<hbm>>
        %dma_start3A_117 = arith.constant 0 : i32
        %dma_start3A_118 = tpu.memref_slice %arg8[%add3A_83, %dma_start3A_117] : memref<163840x16xf32, #tpu.memory_space<hbm>> -> memref<256x16xf32, #tpu.memory_space<hbm>>
        tpu.enqueue_dma source(%arg16 : memref<256x16xf32, #tpu.memory_space<vmem>>) target(%dma_start3A_118 : memref<256x16xf32, #tpu.memory_space<hbm>>) target_semaphore(%run_scoped3A : memref<!tpu.dma_semaphore, #tpu.memory_space<semaphore_mem>>)
        %dma_wait3A_119 = arith.constant 0 : i32
        %dma_wait3A_120 = tpu.memref_slice %arg8[%add3A_83, %dma_wait3A_119] : memref<163840x16xf32, #tpu.memory_space<hbm>> -> memref<256x16xf32, #tpu.memory_space<hbm>>
        %dma_wait3A_121 = arith.constant 0 : i32
        %dma_wait3A_122 = tpu.memref_slice %arg8[%add3A_83, %dma_wait3A_121] : memref<163840x16xf32, #tpu.memory_space<hbm>> -> memref<256x16xf32, #tpu.memory_space<hbm>>
        tpu.wait_dma2 semaphore(%run_scoped3A : memref<!tpu.dma_semaphore, #tpu.memory_space<semaphore_mem>>) src(%arg16 : memref<256x16xf32, #tpu.memory_space<vmem>>) dst(%dma_wait3A_122 : memref<256x16xf32, #tpu.memory_space<hbm>>)
        tpu.yield
      }) : () -> ()
      "tpu.region"() ({
        %run_scoped3A = tpu.sem_alloc : memref<!tpu.dma_semaphore, #tpu.memory_space<semaphore_mem>>
        %dma_start3A_115 = arith.constant 0 : i32
        %dma_start3A_116 = arith.constant 0 : i32
        %dma_start3A_117 = tpu.memref_slice %arg19[%dma_start3A_115, %dma_start3A_116] : memref<10240x16xf32, #tpu.memory_space<vmem_shared>> -> memref<10240x16xf32, #tpu.memory_space<vmem_shared>>
        tpu.enqueue_indirect_dma source(%arg16 : memref<256x16xf32, #tpu.memory_space<vmem>>) target(%dma_start3A_117 : memref<10240x16xf32, #tpu.memory_space<vmem_shared>>) offsets(%arg12 : memref<256xi32, #tpu.memory_space<vmem>>) semaphore(%run_scoped3A : memref<!tpu.dma_semaphore, #tpu.memory_space<semaphore_mem>>) {add = true}
        %dma_wait3A_118 = arith.constant 0 : i32
        %dma_wait3A_119 = arith.constant 0 : i32
        %dma_wait3A_120 = tpu.memref_slice %arg19[%dma_wait3A_118, %dma_wait3A_119] : memref<10240x16xf32, #tpu.memory_space<vmem_shared>> -> memref<10240x16xf32, #tpu.memory_space<vmem_shared>>
        tpu.wait_indirect_dma semaphore(%run_scoped3A : memref<!tpu.dma_semaphore, #tpu.memory_space<semaphore_mem>>) src(%arg16 : memref<256x16xf32, #tpu.memory_space<vmem>>) dst(%dma_wait3A_120 : memref<10240x16xf32, #tpu.memory_space<vmem_shared>>)
        tpu.yield
      }) : () -> ()
      "tpu.region"() ({
        %run_scoped3A = tpu.sem_alloc : memref<!tpu.dma_semaphore, #tpu.memory_space<semaphore_mem>>
        %dma_start3A_115 = arith.constant 0 : i32
        %dma_start3A_116 = arith.constant 0 : i32
        %dma_start3A_117 = tpu.memref_slice %arg20[%dma_start3A_115, %dma_start3A_116] : memref<10240x64xf32, #tpu.memory_space<vmem_shared>> -> memref<10240x64xf32, #tpu.memory_space<vmem_shared>>
        tpu.enqueue_indirect_dma source(%arg13 : memref<256x64xf32, #tpu.memory_space<vmem>>) target(%dma_start3A_117 : memref<10240x64xf32, #tpu.memory_space<vmem_shared>>) offsets(%arg12 : memref<256xi32, #tpu.memory_space<vmem>>) semaphore(%run_scoped3A : memref<!tpu.dma_semaphore, #tpu.memory_space<semaphore_mem>>) {add = true}
        %dma_wait3A_118 = arith.constant 0 : i32
        %dma_wait3A_119 = arith.constant 0 : i32
        %dma_wait3A_120 = tpu.memref_slice %arg20[%dma_wait3A_118, %dma_wait3A_119] : memref<10240x64xf32, #tpu.memory_space<vmem_shared>> -> memref<10240x64xf32, #tpu.memory_space<vmem_shared>>
        tpu.wait_indirect_dma semaphore(%run_scoped3A : memref<!tpu.dma_semaphore, #tpu.memory_space<semaphore_mem>>) src(%arg13 : memref<256x64xf32, #tpu.memory_space<vmem>>) dst(%dma_wait3A_120 : memref<10240x64xf32, #tpu.memory_space<vmem_shared>>)
        tpu.yield
      }) : () -> ()
    }
    %scan3A_60 = arith.constant 20 : i32
    %barrier3A_61 = arith.constant 0 : index
    tpu.barrier barrier_id(%barrier3A_61)
    "tpu.region"() ({
      %run_scoped3A = tpu.sem_alloc : memref<!tpu.dma_semaphore, #tpu.memory_space<semaphore_mem>>
      %dma_start3A = arith.constant 0 : i32
      %dma_start3A_74 = tpu.memref_slice %arg19[%mul3A_12, %dma_start3A] : memref<10240x16xf32, #tpu.memory_space<vmem_shared>> -> memref<640x16xf32, #tpu.memory_space<vmem_shared>>
      %dma_start3A_75 = arith.constant 0 : i32
      %dma_start3A_76 = tpu.memref_slice %arg19[%mul3A_12, %dma_start3A_75] : memref<10240x16xf32, #tpu.memory_space<vmem_shared>> -> memref<640x16xf32, #tpu.memory_space<vmem_shared>>
      tpu.enqueue_dma source(%dma_start3A_76 : memref<640x16xf32, #tpu.memory_space<vmem_shared>>) target(%arg18 : memref<640x16xf32, #tpu.memory_space<vmem>>) target_semaphore(%run_scoped3A : memref<!tpu.dma_semaphore, #tpu.memory_space<semaphore_mem>>)
      %dma_wait3A = arith.constant 0 : i32
      %dma_wait3A_77 = tpu.memref_slice %arg19[%mul3A_12, %dma_wait3A] : memref<10240x16xf32, #tpu.memory_space<vmem_shared>> -> memref<640x16xf32, #tpu.memory_space<vmem_shared>>
      %dma_wait3A_78 = arith.constant 0 : i32
      %dma_wait3A_79 = tpu.memref_slice %arg19[%mul3A_12, %dma_wait3A_78] : memref<10240x16xf32, #tpu.memory_space<vmem_shared>> -> memref<640x16xf32, #tpu.memory_space<vmem_shared>>
      tpu.wait_dma2 semaphore(%run_scoped3A : memref<!tpu.dma_semaphore, #tpu.memory_space<semaphore_mem>>) src(%dma_wait3A_79 : memref<640x16xf32, #tpu.memory_space<vmem_shared>>) dst(%arg18 : memref<640x16xf32, #tpu.memory_space<vmem>>)
      tpu.yield
    }) : () -> ()
    "tpu.region"() ({
      %run_scoped3A = tpu.sem_alloc : memref<!tpu.dma_semaphore, #tpu.memory_space<semaphore_mem>>
      %dma_start3A = arith.constant 0 : i32
      %dma_start3A_74 = tpu.memref_slice %arg9[%arg0, %mul3A_12, %dma_start3A] : memref<2x10240x16xf32, #tpu.memory_space<hbm>> -> memref<1x640x16xf32, #tpu.memory_space<hbm>>
      %dma_start3A_75 = tpu.memref_squeeze %dma_start3A_74 : memref<1x640x16xf32, #tpu.memory_space<hbm>> -> memref<640x16xf32, #tpu.memory_space<hbm>>
      %dma_start3A_76 = arith.constant 0 : i32
      %dma_start3A_77 = tpu.memref_slice %arg9[%arg0, %mul3A_12, %dma_start3A_76] : memref<2x10240x16xf32, #tpu.memory_space<hbm>> -> memref<1x640x16xf32, #tpu.memory_space<hbm>>
      %dma_start3A_78 = tpu.memref_squeeze %dma_start3A_77 : memref<1x640x16xf32, #tpu.memory_space<hbm>> -> memref<640x16xf32, #tpu.memory_space<hbm>>
      tpu.enqueue_dma source(%arg18 : memref<640x16xf32, #tpu.memory_space<vmem>>) target(%dma_start3A_78 : memref<640x16xf32, #tpu.memory_space<hbm>>) target_semaphore(%run_scoped3A : memref<!tpu.dma_semaphore, #tpu.memory_space<semaphore_mem>>)
      %dma_wait3A = arith.constant 0 : i32
      %dma_wait3A_79 = tpu.memref_slice %arg9[%arg0, %mul3A_12, %dma_wait3A] : memref<2x10240x16xf32, #tpu.memory_space<hbm>> -> memref<1x640x16xf32, #tpu.memory_space<hbm>>
      %dma_wait3A_80 = tpu.memref_squeeze %dma_wait3A_79 : memref<1x640x16xf32, #tpu.memory_space<hbm>> -> memref<640x16xf32, #tpu.memory_space<hbm>>
      %dma_wait3A_81 = arith.constant 0 : i32
      %dma_wait3A_82 = tpu.memref_slice %arg9[%arg0, %mul3A_12, %dma_wait3A_81] : memref<2x10240x16xf32, #tpu.memory_space<hbm>> -> memref<1x640x16xf32, #tpu.memory_space<hbm>>
      %dma_wait3A_83 = tpu.memref_squeeze %dma_wait3A_82 : memref<1x640x16xf32, #tpu.memory_space<hbm>> -> memref<640x16xf32, #tpu.memory_space<hbm>>
      tpu.wait_dma2 semaphore(%run_scoped3A : memref<!tpu.dma_semaphore, #tpu.memory_space<semaphore_mem>>) src(%arg18 : memref<640x16xf32, #tpu.memory_space<vmem>>) dst(%dma_wait3A_83 : memref<640x16xf32, #tpu.memory_space<hbm>>)
      tpu.yield
    }) : () -> ()
    %add3A_62 = arith.constant 0 : i32
    %add3A_63 = arith.addi %mul3A_12, %add3A_62 : i32
    "tpu.region"() ({
      %run_scoped3A = tpu.sem_alloc : memref<!tpu.dma_semaphore, #tpu.memory_space<semaphore_mem>>
      %dma_start3A = arith.constant 0 : i32
      %dma_start3A_74 = arith.constant 0 : i32
      %dma_start3A_75 = tpu.memref_slice %arg13[%dma_start3A, %dma_start3A_74] : memref<256x64xf32, #tpu.memory_space<vmem>> -> memref<256x64xf32, #tpu.memory_space<vmem>>
      %dma_start3A_76 = arith.constant 0 : i32
      %dma_start3A_77 = tpu.memref_slice %arg20[%add3A_63, %dma_start3A_76] : memref<10240x64xf32, #tpu.memory_space<vmem_shared>> -> memref<256x64xf32, #tpu.memory_space<vmem_shared>>
      %dma_start3A_78 = arith.constant 0 : i32
      %dma_start3A_79 = arith.constant 0 : i32
      %dma_start3A_80 = tpu.memref_slice %arg13[%dma_start3A_78, %dma_start3A_79] : memref<256x64xf32, #tpu.memory_space<vmem>> -> memref<256x64xf32, #tpu.memory_space<vmem>>
      %dma_start3A_81 = arith.constant 0 : i32
      %dma_start3A_82 = tpu.memref_slice %arg20[%add3A_63, %dma_start3A_81] : memref<10240x64xf32, #tpu.memory_space<vmem_shared>> -> memref<256x64xf32, #tpu.memory_space<vmem_shared>>
      tpu.enqueue_dma source(%dma_start3A_82 : memref<256x64xf32, #tpu.memory_space<vmem_shared>>) target(%dma_start3A_80 : memref<256x64xf32, #tpu.memory_space<vmem>>) target_semaphore(%run_scoped3A : memref<!tpu.dma_semaphore, #tpu.memory_space<semaphore_mem>>)
      %dma_wait3A = arith.constant 0 : i32
      %dma_wait3A_83 = arith.constant 0 : i32
      %dma_wait3A_84 = tpu.memref_slice %arg13[%dma_wait3A, %dma_wait3A_83] : memref<256x64xf32, #tpu.memory_space<vmem>> -> memref<256x64xf32, #tpu.memory_space<vmem>>
      %dma_wait3A_85 = arith.constant 0 : i32
      %dma_wait3A_86 = tpu.memref_slice %arg20[%add3A_63, %dma_wait3A_85] : memref<10240x64xf32, #tpu.memory_space<vmem_shared>> -> memref<256x64xf32, #tpu.memory_space<vmem_shared>>
      %dma_wait3A_87 = arith.constant 0 : i32
      %dma_wait3A_88 = arith.constant 0 : i32
      %dma_wait3A_89 = tpu.memref_slice %arg13[%dma_wait3A_87, %dma_wait3A_88] : memref<256x64xf32, #tpu.memory_space<vmem>> -> memref<256x64xf32, #tpu.memory_space<vmem>>
      %dma_wait3A_90 = arith.constant 0 : i32
      %dma_wait3A_91 = tpu.memref_slice %arg20[%add3A_63, %dma_wait3A_90] : memref<10240x64xf32, #tpu.memory_space<vmem_shared>> -> memref<256x64xf32, #tpu.memory_space<vmem_shared>>
      tpu.wait_dma2 semaphore(%run_scoped3A : memref<!tpu.dma_semaphore, #tpu.memory_space<semaphore_mem>>) src(%dma_wait3A_91 : memref<256x64xf32, #tpu.memory_space<vmem_shared>>) dst(%dma_wait3A_89 : memref<256x64xf32, #tpu.memory_space<vmem>>)
      tpu.yield
    }) : () -> ()
    %add3A_64 = arith.constant 0 : i32
    %add3A_65 = arith.addi %mul3A_12, %add3A_64 : i32
    "tpu.region"() ({
      %run_scoped3A = tpu.sem_alloc : memref<!tpu.dma_semaphore, #tpu.memory_space<semaphore_mem>>
      %dma_start3A = arith.constant 0 : i32
      %dma_start3A_74 = arith.constant 0 : i32
      %dma_start3A_75 = tpu.memref_slice %arg13[%dma_start3A, %dma_start3A_74] : memref<256x64xf32, #tpu.memory_space<vmem>> -> memref<256x64xf32, #tpu.memory_space<vmem>>
      %dma_start3A_76 = arith.constant 0 : i32
      %dma_start3A_77 = tpu.memref_slice %arg10[%arg0, %add3A_65, %dma_start3A_76] : memref<2x10240x64xf32, #tpu.memory_space<hbm>> -> memref<1x256x64xf32, #tpu.memory_space<hbm>>
      %dma_start3A_78 = tpu.memref_squeeze %dma_start3A_77 : memref<1x256x64xf32, #tpu.memory_space<hbm>> -> memref<256x64xf32, #tpu.memory_space<hbm>>
      %dma_start3A_79 = arith.constant 0 : i32
      %dma_start3A_80 = tpu.memref_slice %arg10[%arg0, %add3A_65, %dma_start3A_79] : memref<2x10240x64xf32, #tpu.memory_space<hbm>> -> memref<1x256x64xf32, #tpu.memory_space<hbm>>
      %dma_start3A_81 = tpu.memref_squeeze %dma_start3A_80 : memref<1x256x64xf32, #tpu.memory_space<hbm>> -> memref<256x64xf32, #tpu.memory_space<hbm>>
      %dma_start3A_82 = arith.constant 0 : i32
      %dma_start3A_83 = arith.constant 0 : i32
      %dma_start3A_84 = tpu.memref_slice %arg13[%dma_start3A_82, %dma_start3A_83] : memref<256x64xf32, #tpu.memory_space<vmem>> -> memref<256x64xf32, #tpu.memory_space<vmem>>
      tpu.enqueue_dma source(%dma_start3A_84 : memref<256x64xf32, #tpu.memory_space<vmem>>) target(%dma_start3A_81 : memref<256x64xf32, #tpu.memory_space<hbm>>) target_semaphore(%run_scoped3A : memref<!tpu.dma_semaphore, #tpu.memory_space<semaphore_mem>>)
      %dma_wait3A = arith.constant 0 : i32
      %dma_wait3A_85 = arith.constant 0 : i32
      %dma_wait3A_86 = tpu.memref_slice %arg13[%dma_wait3A, %dma_wait3A_85] : memref<256x64xf32, #tpu.memory_space<vmem>> -> memref<256x64xf32, #tpu.memory_space<vmem>>
      %dma_wait3A_87 = arith.constant 0 : i32
      %dma_wait3A_88 = tpu.memref_slice %arg10[%arg0, %add3A_65, %dma_wait3A_87] : memref<2x10240x64xf32, #tpu.memory_space<hbm>> -> memref<1x256x64xf32, #tpu.memory_space<hbm>>
      %dma_wait3A_89 = tpu.memref_squeeze %dma_wait3A_88 : memref<1x256x64xf32, #tpu.memory_space<hbm>> -> memref<256x64xf32, #tpu.memory_space<hbm>>
      %dma_wait3A_90 = arith.constant 0 : i32
      %dma_wait3A_91 = tpu.memref_slice %arg10[%arg0, %add3A_65, %dma_wait3A_90] : memref<2x10240x64xf32, #tpu.memory_space<hbm>> -> memref<1x256x64xf32, #tpu.memory_space<hbm>>
      %dma_wait3A_92 = tpu.memref_squeeze %dma_wait3A_91 : memref<1x256x64xf32, #tpu.memory_space<hbm>> -> memref<256x64xf32, #tpu.memory_space<hbm>>
      %dma_wait3A_93 = arith.constant 0 : i32
      %dma_wait3A_94 = arith.constant 0 : i32
      %dma_wait3A_95 = tpu.memref_slice %arg13[%dma_wait3A_93, %dma_wait3A_94] : memref<256x64xf32, #tpu.memory_space<vmem>> -> memref<256x64xf32, #tpu.memory_space<vmem>>
      tpu.wait_dma2 semaphore(%run_scoped3A : memref<!tpu.dma_semaphore, #tpu.memory_space<semaphore_mem>>) src(%dma_wait3A_95 : memref<256x64xf32, #tpu.memory_space<vmem>>) dst(%dma_wait3A_92 : memref<256x64xf32, #tpu.memory_space<hbm>>)
      tpu.yield
    }) : () -> ()
    %add3A_66 = arith.constant 256 : i32
    %add3A_67 = arith.addi %mul3A_12, %add3A_66 : i32
    "tpu.region"() ({
      %run_scoped3A = tpu.sem_alloc : memref<!tpu.dma_semaphore, #tpu.memory_space<semaphore_mem>>
      %dma_start3A = arith.constant 0 : i32
      %dma_start3A_74 = arith.constant 0 : i32
      %dma_start3A_75 = tpu.memref_slice %arg13[%dma_start3A, %dma_start3A_74] : memref<256x64xf32, #tpu.memory_space<vmem>> -> memref<256x64xf32, #tpu.memory_space<vmem>>
      %dma_start3A_76 = arith.constant 0 : i32
      %dma_start3A_77 = tpu.memref_slice %arg20[%add3A_67, %dma_start3A_76] : memref<10240x64xf32, #tpu.memory_space<vmem_shared>> -> memref<256x64xf32, #tpu.memory_space<vmem_shared>>
      %dma_start3A_78 = arith.constant 0 : i32
      %dma_start3A_79 = arith.constant 0 : i32
      %dma_start3A_80 = tpu.memref_slice %arg13[%dma_start3A_78, %dma_start3A_79] : memref<256x64xf32, #tpu.memory_space<vmem>> -> memref<256x64xf32, #tpu.memory_space<vmem>>
      %dma_start3A_81 = arith.constant 0 : i32
      %dma_start3A_82 = tpu.memref_slice %arg20[%add3A_67, %dma_start3A_81] : memref<10240x64xf32, #tpu.memory_space<vmem_shared>> -> memref<256x64xf32, #tpu.memory_space<vmem_shared>>
      tpu.enqueue_dma source(%dma_start3A_82 : memref<256x64xf32, #tpu.memory_space<vmem_shared>>) target(%dma_start3A_80 : memref<256x64xf32, #tpu.memory_space<vmem>>) target_semaphore(%run_scoped3A : memref<!tpu.dma_semaphore, #tpu.memory_space<semaphore_mem>>)
      %dma_wait3A = arith.constant 0 : i32
      %dma_wait3A_83 = arith.constant 0 : i32
      %dma_wait3A_84 = tpu.memref_slice %arg13[%dma_wait3A, %dma_wait3A_83] : memref<256x64xf32, #tpu.memory_space<vmem>> -> memref<256x64xf32, #tpu.memory_space<vmem>>
      %dma_wait3A_85 = arith.constant 0 : i32
      %dma_wait3A_86 = tpu.memref_slice %arg20[%add3A_67, %dma_wait3A_85] : memref<10240x64xf32, #tpu.memory_space<vmem_shared>> -> memref<256x64xf32, #tpu.memory_space<vmem_shared>>
      %dma_wait3A_87 = arith.constant 0 : i32
      %dma_wait3A_88 = arith.constant 0 : i32
      %dma_wait3A_89 = tpu.memref_slice %arg13[%dma_wait3A_87, %dma_wait3A_88] : memref<256x64xf32, #tpu.memory_space<vmem>> -> memref<256x64xf32, #tpu.memory_space<vmem>>
      %dma_wait3A_90 = arith.constant 0 : i32
      %dma_wait3A_91 = tpu.memref_slice %arg20[%add3A_67, %dma_wait3A_90] : memref<10240x64xf32, #tpu.memory_space<vmem_shared>> -> memref<256x64xf32, #tpu.memory_space<vmem_shared>>
      tpu.wait_dma2 semaphore(%run_scoped3A : memref<!tpu.dma_semaphore, #tpu.memory_space<semaphore_mem>>) src(%dma_wait3A_91 : memref<256x64xf32, #tpu.memory_space<vmem_shared>>) dst(%dma_wait3A_89 : memref<256x64xf32, #tpu.memory_space<vmem>>)
      tpu.yield
    }) : () -> ()
    %add3A_68 = arith.constant 256 : i32
    %add3A_69 = arith.addi %mul3A_12, %add3A_68 : i32
    "tpu.region"() ({
      %run_scoped3A = tpu.sem_alloc : memref<!tpu.dma_semaphore, #tpu.memory_space<semaphore_mem>>
      %dma_start3A = arith.constant 0 : i32
      %dma_start3A_74 = arith.constant 0 : i32
      %dma_start3A_75 = tpu.memref_slice %arg13[%dma_start3A, %dma_start3A_74] : memref<256x64xf32, #tpu.memory_space<vmem>> -> memref<256x64xf32, #tpu.memory_space<vmem>>
      %dma_start3A_76 = arith.constant 0 : i32
      %dma_start3A_77 = tpu.memref_slice %arg10[%arg0, %add3A_69, %dma_start3A_76] : memref<2x10240x64xf32, #tpu.memory_space<hbm>> -> memref<1x256x64xf32, #tpu.memory_space<hbm>>
      %dma_start3A_78 = tpu.memref_squeeze %dma_start3A_77 : memref<1x256x64xf32, #tpu.memory_space<hbm>> -> memref<256x64xf32, #tpu.memory_space<hbm>>
      %dma_start3A_79 = arith.constant 0 : i32
      %dma_start3A_80 = tpu.memref_slice %arg10[%arg0, %add3A_69, %dma_start3A_79] : memref<2x10240x64xf32, #tpu.memory_space<hbm>> -> memref<1x256x64xf32, #tpu.memory_space<hbm>>
      %dma_start3A_81 = tpu.memref_squeeze %dma_start3A_80 : memref<1x256x64xf32, #tpu.memory_space<hbm>> -> memref<256x64xf32, #tpu.memory_space<hbm>>
      %dma_start3A_82 = arith.constant 0 : i32
      %dma_start3A_83 = arith.constant 0 : i32
      %dma_start3A_84 = tpu.memref_slice %arg13[%dma_start3A_82, %dma_start3A_83] : memref<256x64xf32, #tpu.memory_space<vmem>> -> memref<256x64xf32, #tpu.memory_space<vmem>>
      tpu.enqueue_dma source(%dma_start3A_84 : memref<256x64xf32, #tpu.memory_space<vmem>>) target(%dma_start3A_81 : memref<256x64xf32, #tpu.memory_space<hbm>>) target_semaphore(%run_scoped3A : memref<!tpu.dma_semaphore, #tpu.memory_space<semaphore_mem>>)
      %dma_wait3A = arith.constant 0 : i32
      %dma_wait3A_85 = arith.constant 0 : i32
      %dma_wait3A_86 = tpu.memref_slice %arg13[%dma_wait3A, %dma_wait3A_85] : memref<256x64xf32, #tpu.memory_space<vmem>> -> memref<256x64xf32, #tpu.memory_space<vmem>>
      %dma_wait3A_87 = arith.constant 0 : i32
      %dma_wait3A_88 = tpu.memref_slice %arg10[%arg0, %add3A_69, %dma_wait3A_87] : memref<2x10240x64xf32, #tpu.memory_space<hbm>> -> memref<1x256x64xf32, #tpu.memory_space<hbm>>
      %dma_wait3A_89 = tpu.memref_squeeze %dma_wait3A_88 : memref<1x256x64xf32, #tpu.memory_space<hbm>> -> memref<256x64xf32, #tpu.memory_space<hbm>>
      %dma_wait3A_90 = arith.constant 0 : i32
      %dma_wait3A_91 = tpu.memref_slice %arg10[%arg0, %add3A_69, %dma_wait3A_90] : memref<2x10240x64xf32, #tpu.memory_space<hbm>> -> memref<1x256x64xf32, #tpu.memory_space<hbm>>
      %dma_wait3A_92 = tpu.memref_squeeze %dma_wait3A_91 : memref<1x256x64xf32, #tpu.memory_space<hbm>> -> memref<256x64xf32, #tpu.memory_space<hbm>>
      %dma_wait3A_93 = arith.constant 0 : i32
      %dma_wait3A_94 = arith.constant 0 : i32
      %dma_wait3A_95 = tpu.memref_slice %arg13[%dma_wait3A_93, %dma_wait3A_94] : memref<256x64xf32, #tpu.memory_space<vmem>> -> memref<256x64xf32, #tpu.memory_space<vmem>>
      tpu.wait_dma2 semaphore(%run_scoped3A : memref<!tpu.dma_semaphore, #tpu.memory_space<semaphore_mem>>) src(%dma_wait3A_95 : memref<256x64xf32, #tpu.memory_space<vmem>>) dst(%dma_wait3A_92 : memref<256x64xf32, #tpu.memory_space<hbm>>)
      tpu.yield
    }) : () -> ()
    %add3A_70 = arith.constant 512 : i32
    %add3A_71 = arith.addi %mul3A_12, %add3A_70 : i32
    "tpu.region"() ({
      %run_scoped3A = tpu.sem_alloc : memref<!tpu.dma_semaphore, #tpu.memory_space<semaphore_mem>>
      %dma_start3A = arith.constant 0 : i32
      %dma_start3A_74 = arith.constant 0 : i32
      %dma_start3A_75 = tpu.memref_slice %arg13[%dma_start3A, %dma_start3A_74] : memref<256x64xf32, #tpu.memory_space<vmem>> -> memref<128x64xf32, #tpu.memory_space<vmem>>
      %dma_start3A_76 = arith.constant 0 : i32
      %dma_start3A_77 = tpu.memref_slice %arg20[%add3A_71, %dma_start3A_76] : memref<10240x64xf32, #tpu.memory_space<vmem_shared>> -> memref<128x64xf32, #tpu.memory_space<vmem_shared>>
      %dma_start3A_78 = arith.constant 0 : i32
      %dma_start3A_79 = arith.constant 0 : i32
      %dma_start3A_80 = tpu.memref_slice %arg13[%dma_start3A_78, %dma_start3A_79] : memref<256x64xf32, #tpu.memory_space<vmem>> -> memref<128x64xf32, #tpu.memory_space<vmem>>
      %dma_start3A_81 = arith.constant 0 : i32
      %dma_start3A_82 = tpu.memref_slice %arg20[%add3A_71, %dma_start3A_81] : memref<10240x64xf32, #tpu.memory_space<vmem_shared>> -> memref<128x64xf32, #tpu.memory_space<vmem_shared>>
      tpu.enqueue_dma source(%dma_start3A_82 : memref<128x64xf32, #tpu.memory_space<vmem_shared>>) target(%dma_start3A_80 : memref<128x64xf32, #tpu.memory_space<vmem>>) target_semaphore(%run_scoped3A : memref<!tpu.dma_semaphore, #tpu.memory_space<semaphore_mem>>)
      %dma_wait3A = arith.constant 0 : i32
      %dma_wait3A_83 = arith.constant 0 : i32
      %dma_wait3A_84 = tpu.memref_slice %arg13[%dma_wait3A, %dma_wait3A_83] : memref<256x64xf32, #tpu.memory_space<vmem>> -> memref<128x64xf32, #tpu.memory_space<vmem>>
      %dma_wait3A_85 = arith.constant 0 : i32
      %dma_wait3A_86 = tpu.memref_slice %arg20[%add3A_71, %dma_wait3A_85] : memref<10240x64xf32, #tpu.memory_space<vmem_shared>> -> memref<128x64xf32, #tpu.memory_space<vmem_shared>>
      %dma_wait3A_87 = arith.constant 0 : i32
      %dma_wait3A_88 = arith.constant 0 : i32
      %dma_wait3A_89 = tpu.memref_slice %arg13[%dma_wait3A_87, %dma_wait3A_88] : memref<256x64xf32, #tpu.memory_space<vmem>> -> memref<128x64xf32, #tpu.memory_space<vmem>>
      %dma_wait3A_90 = arith.constant 0 : i32
      %dma_wait3A_91 = tpu.memref_slice %arg20[%add3A_71, %dma_wait3A_90] : memref<10240x64xf32, #tpu.memory_space<vmem_shared>> -> memref<128x64xf32, #tpu.memory_space<vmem_shared>>
      tpu.wait_dma2 semaphore(%run_scoped3A : memref<!tpu.dma_semaphore, #tpu.memory_space<semaphore_mem>>) src(%dma_wait3A_91 : memref<128x64xf32, #tpu.memory_space<vmem_shared>>) dst(%dma_wait3A_89 : memref<128x64xf32, #tpu.memory_space<vmem>>)
      tpu.yield
    }) : () -> ()
    %add3A_72 = arith.constant 512 : i32
    %add3A_73 = arith.addi %mul3A_12, %add3A_72 : i32
    "tpu.region"() ({
      %run_scoped3A = tpu.sem_alloc : memref<!tpu.dma_semaphore, #tpu.memory_space<semaphore_mem>>
      %dma_start3A = arith.constant 0 : i32
      %dma_start3A_74 = arith.constant 0 : i32
      %dma_start3A_75 = tpu.memref_slice %arg13[%dma_start3A, %dma_start3A_74] : memref<256x64xf32, #tpu.memory_space<vmem>> -> memref<128x64xf32, #tpu.memory_space<vmem>>
      %dma_start3A_76 = arith.constant 0 : i32
      %dma_start3A_77 = tpu.memref_slice %arg10[%arg0, %add3A_73, %dma_start3A_76] : memref<2x10240x64xf32, #tpu.memory_space<hbm>> -> memref<1x128x64xf32, #tpu.memory_space<hbm>>
      %dma_start3A_78 = tpu.memref_squeeze %dma_start3A_77 : memref<1x128x64xf32, #tpu.memory_space<hbm>> -> memref<128x64xf32, #tpu.memory_space<hbm>>
      %dma_start3A_79 = arith.constant 0 : i32
      %dma_start3A_80 = tpu.memref_slice %arg10[%arg0, %add3A_73, %dma_start3A_79] : memref<2x10240x64xf32, #tpu.memory_space<hbm>> -> memref<1x128x64xf32, #tpu.memory_space<hbm>>
      %dma_start3A_81 = tpu.memref_squeeze %dma_start3A_80 : memref<1x128x64xf32, #tpu.memory_space<hbm>> -> memref<128x64xf32, #tpu.memory_space<hbm>>
      %dma_start3A_82 = arith.constant 0 : i32
      %dma_start3A_83 = arith.constant 0 : i32
      %dma_start3A_84 = tpu.memref_slice %arg13[%dma_start3A_82, %dma_start3A_83] : memref<256x64xf32, #tpu.memory_space<vmem>> -> memref<128x64xf32, #tpu.memory_space<vmem>>
      tpu.enqueue_dma source(%dma_start3A_84 : memref<128x64xf32, #tpu.memory_space<vmem>>) target(%dma_start3A_81 : memref<128x64xf32, #tpu.memory_space<hbm>>) target_semaphore(%run_scoped3A : memref<!tpu.dma_semaphore, #tpu.memory_space<semaphore_mem>>)
      %dma_wait3A = arith.constant 0 : i32
      %dma_wait3A_85 = arith.constant 0 : i32
      %dma_wait3A_86 = tpu.memref_slice %arg13[%dma_wait3A, %dma_wait3A_85] : memref<256x64xf32, #tpu.memory_space<vmem>> -> memref<128x64xf32, #tpu.memory_space<vmem>>
      %dma_wait3A_87 = arith.constant 0 : i32
      %dma_wait3A_88 = tpu.memref_slice %arg10[%arg0, %add3A_73, %dma_wait3A_87] : memref<2x10240x64xf32, #tpu.memory_space<hbm>> -> memref<1x128x64xf32, #tpu.memory_space<hbm>>
      %dma_wait3A_89 = tpu.memref_squeeze %dma_wait3A_88 : memref<1x128x64xf32, #tpu.memory_space<hbm>> -> memref<128x64xf32, #tpu.memory_space<hbm>>
      %dma_wait3A_90 = arith.constant 0 : i32
      %dma_wait3A_91 = tpu.memref_slice %arg10[%arg0, %add3A_73, %dma_wait3A_90] : memref<2x10240x64xf32, #tpu.memory_space<hbm>> -> memref<1x128x64xf32, #tpu.memory_space<hbm>>
      %dma_wait3A_92 = tpu.memref_squeeze %dma_wait3A_91 : memref<1x128x64xf32, #tpu.memory_space<hbm>> -> memref<128x64xf32, #tpu.memory_space<hbm>>
      %dma_wait3A_93 = arith.constant 0 : i32
      %dma_wait3A_94 = arith.constant 0 : i32
      %dma_wait3A_95 = tpu.memref_slice %arg13[%dma_wait3A_93, %dma_wait3A_94] : memref<256x64xf32, #tpu.memory_space<vmem>> -> memref<128x64xf32, #tpu.memory_space<vmem>>
      tpu.wait_dma2 semaphore(%run_scoped3A : memref<!tpu.dma_semaphore, #tpu.memory_space<semaphore_mem>>) src(%dma_wait3A_95 : memref<128x64xf32, #tpu.memory_space<vmem>>) dst(%dma_wait3A_92 : memref<128x64xf32, #tpu.memory_space<hbm>>)
      tpu.yield
    }) : () -> ()
    return
  }
}

#map = affine_map<(d0, d1) -> (0, 0)>
#map1 = affine_map<(d0, d1) -> (0)>
#map2 = affine_map<(d0, d1) -> (0, 0, 0)>
module attributes {stable_mosaic.version = 14 : i64} {
  func.func @_passA_body(%arg0: i32, %arg1: i32, %arg2: memref<10000x64xf32, #tpu.memory_space<hbm>>, %arg3: memref<10240x64xf32, #tpu.memory_space<hbm>>, %arg4: memref<163840x64xf32, #tpu.memory_space<hbm>>, %arg5: memref<163840xi32, #tpu.memory_space<hbm>>, %arg6: memref<163840xi32, #tpu.memory_space<hbm>>, %arg7: memref<64xf32, #tpu.memory_space<hbm>>, %arg8: memref<163840x16xf32, #tpu.memory_space<hbm>>, %arg9: memref<2x10240x16xf32, #tpu.memory_space<hbm>>, %arg10: memref<2x10240x64xf32, #tpu.memory_space<hbm>>, %arg11: memref<256xi32, #tpu.memory_space<vmem>>, %arg12: memref<256xi32, #tpu.memory_space<vmem>>, %arg13: memref<256x64xf32, #tpu.memory_space<vmem>>, %arg14: memref<256x64xf32, #tpu.memory_space<vmem>>, %arg15: memref<256x64xf32, #tpu.memory_space<vmem>>, %arg16: memref<256x16xf32, #tpu.memory_space<vmem>>, %arg17: memref<64xf32, #tpu.memory_space<vmem>>, %arg18: memref<640x16xf32, #tpu.memory_space<vmem>>, %arg19: memref<10240x16xf32, #tpu.memory_space<vmem_shared>>, %arg20: memref<10240x64xf32, #tpu.memory_space<vmem_shared>>, %arg21: memref<!tpu.dma_semaphore, #tpu.memory_space<semaphore_mem>>, %arg22: memref<!tpu.dma_semaphore, #tpu.memory_space<semaphore_mem>>, %arg23: memref<!tpu.dma_semaphore, #tpu.memory_space<semaphore_mem>>, %arg24: memref<!tpu.dma_semaphore, #tpu.memory_space<semaphore_mem>>, %arg25: memref<!tpu.dma_semaphore, #tpu.memory_space<semaphore_mem>>) attributes {dimension_semantics = [#tpu.dimension_semantics<core_parallel>, #tpu.dimension_semantics<subcore_parallel>], iteration_bounds = array<i64: 2, 16>, scalar_prefetch = 0 : i64, scratch_operands = 15 : i64, tpu.core_type = #tpu.core_type<sc_vector_subcore>, window_params = [{transform_indices = #map}, {transform_indices = #map}, {transform_indices = #map}, {transform_indices = #map1}, {transform_indices = #map1}, {transform_indices = #map1}, {transform_indices = #map}, {transform_indices = #map2}, {transform_indices = #map2}]} {
    %mul3A = arith.constant 16 : i32
    %mul3A_0 = arith.muli %arg0, %mul3A : i32
    %add3A = arith.addi %mul3A_0, %arg1 : i32
    %broadcast_in_dim3A = arith.constant 0.000000e+00 : f32
    %broadcast_in_dim3A_1 = vector.broadcast %broadcast_in_dim3A : f32 to vector<16xf32>
    %scan3A = arith.constant 0 : i32
    %scan3A_2 = arith.constant 640 : i32
    %scan3A_3 = arith.addi %scan3A, %scan3A_2 : i32
    %scan3A_4 = arith.constant 1 : i32
    scf.for %scan3A_74 = %scan3A to %scan3A_3 step %scan3A_4  : i32 {
      %mul3A_75 = arith.constant 1 : i32
      %mul3A_76 = arith.muli %scan3A_74, %mul3A_75 : i32
      %add3A_77 = arith.constant 0 : i32
      %add3A_78 = arith.addi %add3A_77, %mul3A_76 : i32
      %swap3A = arith.index_cast %add3A_78 : i32 to index
      %swap3A_79 = arith.constant 0 : index
      %swap3A_80 = tpu.vector_load %arg18[%swap3A, %swap3A_79] {strides = array<i32>} : memref<640x16xf32, #tpu.memory_space<vmem>>, vector<1x16xf32>,
      %swap3A_81 = vector.shape_cast %swap3A_80 : vector<1x16xf32> to vector<16xf32>
      %swap3A_82 = vector.shape_cast %broadcast_in_dim3A_1 : vector<16xf32> to vector<1x16xf32>
      tpu.vector_store %arg18[%swap3A, %swap3A_79], %swap3A_82 {strides = array<i32>} : memref<640x16xf32, #tpu.memory_space<vmem>>, vector<1x16xf32>,
    }
    %scan3A_5 = arith.constant 640 : i32
    %scan3A_6 = arith.constant 0 : i32
    %scan3A_7 = arith.constant 256 : i32
    %scan3A_8 = arith.addi %scan3A_6, %scan3A_7 : i32
    %scan3A_9 = arith.constant 1 : i32
    scf.for %scan3A_74 = %scan3A_6 to %scan3A_8 step %scan3A_9  : i32 {
      %mul3A_75 = arith.constant 1 : i32
      %mul3A_76 = arith.muli %scan3A_74, %mul3A_75 : i32
      %add3A_77 = arith.constant 0 : i32
      %add3A_78 = arith.addi %add3A_77, %mul3A_76 : i32
      %swap3A = arith.index_cast %add3A_78 : i32 to index
      %swap3A_79 = arith.constant 0 : index
      %swap3A_80 = tpu.vector_load %arg13[%swap3A, %swap3A_79] {strides = array<i32>} : memref<256x64xf32, #tpu.memory_space<vmem>>, vector<1x16xf32>,
      %swap3A_81 = vector.shape_cast %swap3A_80 : vector<1x16xf32> to vector<16xf32>
      %swap3A_82 = vector.shape_cast %broadcast_in_dim3A_1 : vector<16xf32> to vector<1x16xf32>
      tpu.vector_store %arg13[%swap3A, %swap3A_79], %swap3A_82 {strides = array<i32>} : memref<256x64xf32, #tpu.memory_space<vmem>>, vector<1x16xf32>,
      %swap3A_83 = arith.index_cast %add3A_78 : i32 to index
      %swap3A_84 = arith.constant 16 : index
      %swap3A_85 = tpu.vector_load %arg13[%swap3A_83, %swap3A_84] {strides = array<i32>} : memref<256x64xf32, #tpu.memory_space<vmem>>, vector<1x16xf32>,
      %swap3A_86 = vector.shape_cast %swap3A_85 : vector<1x16xf32> to vector<16xf32>
      %swap3A_87 = vector.shape_cast %broadcast_in_dim3A_1 : vector<16xf32> to vector<1x16xf32>
      tpu.vector_store %arg13[%swap3A_83, %swap3A_84], %swap3A_87 {strides = array<i32>} : memref<256x64xf32, #tpu.memory_space<vmem>>, vector<1x16xf32>,
      %swap3A_88 = arith.index_cast %add3A_78 : i32 to index
      %swap3A_89 = arith.constant 32 : index
      %swap3A_90 = tpu.vector_load %arg13[%swap3A_88, %swap3A_89] {strides = array<i32>} : memref<256x64xf32, #tpu.memory_space<vmem>>, vector<1x16xf32>,
      %swap3A_91 = vector.shape_cast %swap3A_90 : vector<1x16xf32> to vector<16xf32>
      %swap3A_92 = vector.shape_cast %broadcast_in_dim3A_1 : vector<16xf32> to vector<1x16xf32>
      tpu.vector_store %arg13[%swap3A_88, %swap3A_89], %swap3A_92 {strides = array<i32>} : memref<256x64xf32, #tpu.memory_space<vmem>>, vector<1x16xf32>,
      %swap3A_93 = arith.index_cast %add3A_78 : i32 to index
      %swap3A_94 = arith.constant 48 : index
      %swap3A_95 = tpu.vector_load %arg13[%swap3A_93, %swap3A_94] {strides = array<i32>} : memref<256x64xf32, #tpu.memory_space<vmem>>, vector<1x16xf32>,
      %swap3A_96 = vector.shape_cast %swap3A_95 : vector<1x16xf32> to vector<16xf32>
      %swap3A_97 = vector.shape_cast %broadcast_in_dim3A_1 : vector<16xf32> to vector<1x16xf32>
      tpu.vector_store %arg13[%swap3A_93, %swap3A_94], %swap3A_97 {strides = array<i32>} : memref<256x64xf32, #tpu.memory_space<vmem>>, vector<1x16xf32>,
    }
    %scan3A_10 = arith.constant 256 : i32
    %mul3A_11 = arith.constant 640 : i32
    %mul3A_12 = arith.muli %arg1, %mul3A_11 : i32
    "tpu.region"() ({
      %run_scoped3A = tpu.sem_alloc : memref<!tpu.dma_semaphore, #tpu.memory_space<semaphore_mem>>
      %dma_start3A = arith.constant 0 : i32
      %dma_start3A_74 = tpu.memref_slice %arg19[%mul3A_12, %dma_start3A] : memref<10240x16xf32, #tpu.memory_space<vmem_shared>> -> memref<640x16xf32, #tpu.memory_space<vmem_shared>>
      %dma_start3A_75 = arith.constant 0 : i32
      %dma_start3A_76 = tpu.memref_slice %arg19[%mul3A_12, %dma_start3A_75] : memref<10240x16xf32, #tpu.memory_space<vmem_shared>> -> memref<640x16xf32, #tpu.memory_space<vmem_shared>>
      tpu.enqueue_dma source(%arg18 : memref<640x16xf32, #tpu.memory_space<vmem>>) target(%dma_start3A_76 : memref<640x16xf32, #tpu.memory_space<vmem_shared>>) target_semaphore(%run_scoped3A : memref<!tpu.dma_semaphore, #tpu.memory_space<semaphore_mem>>)
      %dma_wait3A = arith.constant 0 : i32
      %dma_wait3A_77 = tpu.memref_slice %arg19[%mul3A_12, %dma_wait3A] : memref<10240x16xf32, #tpu.memory_space<vmem_shared>> -> memref<640x16xf32, #tpu.memory_space<vmem_shared>>
      %dma_wait3A_78 = arith.constant 0 : i32
      %dma_wait3A_79 = tpu.memref_slice %arg19[%mul3A_12, %dma_wait3A_78] : memref<10240x16xf32, #tpu.memory_space<vmem_shared>> -> memref<640x16xf32, #tpu.memory_space<vmem_shared>>
      tpu.wait_dma2 semaphore(%run_scoped3A : memref<!tpu.dma_semaphore, #tpu.memory_space<semaphore_mem>>) src(%arg18 : memref<640x16xf32, #tpu.memory_space<vmem>>) dst(%dma_wait3A_79 : memref<640x16xf32, #tpu.memory_space<vmem_shared>>)
      tpu.yield
    }) : () -> ()
    "tpu.region"() ({
      %run_scoped3A = tpu.sem_alloc : memref<!tpu.dma_semaphore, #tpu.memory_space<semaphore_mem>>
      %dma_start3A = arith.constant 0 : i32
      %dma_start3A_74 = tpu.memref_slice %arg20[%mul3A_12, %dma_start3A] : memref<10240x64xf32, #tpu.memory_space<vmem_shared>> -> memref<256x64xf32, #tpu.memory_space<vmem_shared>>
      %dma_start3A_75 = arith.constant 0 : i32
      %dma_start3A_76 = tpu.memref_slice %arg20[%mul3A_12, %dma_start3A_75] : memref<10240x64xf32, #tpu.memory_space<vmem_shared>> -> memref<256x64xf32, #tpu.memory_space<vmem_shared>>
      tpu.enqueue_dma source(%arg13 : memref<256x64xf32, #tpu.memory_space<vmem>>) target(%dma_start3A_76 : memref<256x64xf32, #tpu.memory_space<vmem_shared>>) target_semaphore(%run_scoped3A : memref<!tpu.dma_semaphore, #tpu.memory_space<semaphore_mem>>)
      %dma_wait3A = arith.constant 0 : i32
      %dma_wait3A_77 = tpu.memref_slice %arg20[%mul3A_12, %dma_wait3A] : memref<10240x64xf32, #tpu.memory_space<vmem_shared>> -> memref<256x64xf32, #tpu.memory_space<vmem_shared>>
      %dma_wait3A_78 = arith.constant 0 : i32
      %dma_wait3A_79 = tpu.memref_slice %arg20[%mul3A_12, %dma_wait3A_78] : memref<10240x64xf32, #tpu.memory_space<vmem_shared>> -> memref<256x64xf32, #tpu.memory_space<vmem_shared>>
      tpu.wait_dma2 semaphore(%run_scoped3A : memref<!tpu.dma_semaphore, #tpu.memory_space<semaphore_mem>>) src(%arg13 : memref<256x64xf32, #tpu.memory_space<vmem>>) dst(%dma_wait3A_79 : memref<256x64xf32, #tpu.memory_space<vmem_shared>>)
      tpu.yield
    }) : () -> ()
    %add3A_13 = arith.constant 256 : i32
    %add3A_14 = arith.addi %mul3A_12, %add3A_13 : i32
    "tpu.region"() ({
      %run_scoped3A = tpu.sem_alloc : memref<!tpu.dma_semaphore, #tpu.memory_space<semaphore_mem>>
      %dma_start3A = arith.constant 0 : i32
      %dma_start3A_74 = tpu.memref_slice %arg20[%add3A_14, %dma_start3A] : memref<10240x64xf32, #tpu.memory_space<vmem_shared>> -> memref<256x64xf32, #tpu.memory_space<vmem_shared>>
      %dma_start3A_75 = arith.constant 0 : i32
      %dma_start3A_76 = tpu.memref_slice %arg20[%add3A_14, %dma_start3A_75] : memref<10240x64xf32, #tpu.memory_space<vmem_shared>> -> memref<256x64xf32, #tpu.memory_space<vmem_shared>>
      tpu.enqueue_dma source(%arg13 : memref<256x64xf32, #tpu.memory_space<vmem>>) target(%dma_start3A_76 : memref<256x64xf32, #tpu.memory_space<vmem_shared>>) target_semaphore(%run_scoped3A : memref<!tpu.dma_semaphore, #tpu.memory_space<semaphore_mem>>)
      %dma_wait3A = arith.constant 0 : i32
      %dma_wait3A_77 = tpu.memref_slice %arg20[%add3A_14, %dma_wait3A] : memref<10240x64xf32, #tpu.memory_space<vmem_shared>> -> memref<256x64xf32, #tpu.memory_space<vmem_shared>>
      %dma_wait3A_78 = arith.constant 0 : i32
      %dma_wait3A_79 = tpu.memref_slice %arg20[%add3A_14, %dma_wait3A_78] : memref<10240x64xf32, #tpu.memory_space<vmem_shared>> -> memref<256x64xf32, #tpu.memory_space<vmem_shared>>
      tpu.wait_dma2 semaphore(%run_scoped3A : memref<!tpu.dma_semaphore, #tpu.memory_space<semaphore_mem>>) src(%arg13 : memref<256x64xf32, #tpu.memory_space<vmem>>) dst(%dma_wait3A_79 : memref<256x64xf32, #tpu.memory_space<vmem_shared>>)
      tpu.yield
    }) : () -> ()
    %add3A_15 = arith.constant 512 : i32
    %add3A_16 = arith.addi %mul3A_12, %add3A_15 : i32
    "tpu.region"() ({
      %run_scoped3A = tpu.sem_alloc : memref<!tpu.dma_semaphore, #tpu.memory_space<semaphore_mem>>
      %dma_start3A = arith.constant 0 : i32
      %dma_start3A_74 = arith.constant 0 : i32
      %dma_start3A_75 = tpu.memref_slice %arg13[%dma_start3A, %dma_start3A_74] : memref<256x64xf32, #tpu.memory_space<vmem>> -> memref<128x64xf32, #tpu.memory_space<vmem>>
      %dma_start3A_76 = arith.constant 0 : i32
      %dma_start3A_77 = tpu.memref_slice %arg20[%add3A_16, %dma_start3A_76] : memref<10240x64xf32, #tpu.memory_space<vmem_shared>> -> memref<128x64xf32, #tpu.memory_space<vmem_shared>>
      %dma_start3A_78 = arith.constant 0 : i32
      %dma_start3A_79 = tpu.memref_slice %arg20[%add3A_16, %dma_start3A_78] : memref<10240x64xf32, #tpu.memory_space<vmem_shared>> -> memref<128x64xf32, #tpu.memory_space<vmem_shared>>
      %dma_start3A_80 = arith.constant 0 : i32
      %dma_start3A_81 = arith.constant 0 : i32
      %dma_start3A_82 = tpu.memref_slice %arg13[%dma_start3A_80, %dma_start3A_81] : memref<256x64xf32, #tpu.memory_space<vmem>> -> memref<128x64xf32, #tpu.memory_space<vmem>>
      tpu.enqueue_dma source(%dma_start3A_82 : memref<128x64xf32, #tpu.memory_space<vmem>>) target(%dma_start3A_79 : memref<128x64xf32, #tpu.memory_space<vmem_shared>>) target_semaphore(%run_scoped3A : memref<!tpu.dma_semaphore, #tpu.memory_space<semaphore_mem>>)
      %dma_wait3A = arith.constant 0 : i32
      %dma_wait3A_83 = arith.constant 0 : i32
      %dma_wait3A_84 = tpu.memref_slice %arg13[%dma_wait3A, %dma_wait3A_83] : memref<256x64xf32, #tpu.memory_space<vmem>> -> memref<128x64xf32, #tpu.memory_space<vmem>>
      %dma_wait3A_85 = arith.constant 0 : i32
      %dma_wait3A_86 = tpu.memref_slice %arg20[%add3A_16, %dma_wait3A_85] : memref<10240x64xf32, #tpu.memory_space<vmem_shared>> -> memref<128x64xf32, #tpu.memory_space<vmem_shared>>
      %dma_wait3A_87 = arith.constant 0 : i32
      %dma_wait3A_88 = tpu.memref_slice %arg20[%add3A_16, %dma_wait3A_87] : memref<10240x64xf32, #tpu.memory_space<vmem_shared>> -> memref<128x64xf32, #tpu.memory_space<vmem_shared>>
      %dma_wait3A_89 = arith.constant 0 : i32
      %dma_wait3A_90 = arith.constant 0 : i32
      %dma_wait3A_91 = tpu.memref_slice %arg13[%dma_wait3A_89, %dma_wait3A_90] : memref<256x64xf32, #tpu.memory_space<vmem>> -> memref<128x64xf32, #tpu.memory_space<vmem>>
      tpu.wait_dma2 semaphore(%run_scoped3A : memref<!tpu.dma_semaphore, #tpu.memory_space<semaphore_mem>>) src(%dma_wait3A_91 : memref<128x64xf32, #tpu.memory_space<vmem>>) dst(%dma_wait3A_88 : memref<128x64xf32, #tpu.memory_space<vmem_shared>>)
      tpu.yield
    }) : () -> ()
    "tpu.region"() ({
      %run_scoped3A = tpu.sem_alloc : memref<!tpu.dma_semaphore, #tpu.memory_space<semaphore_mem>>
      tpu.enqueue_dma source(%arg7 : memref<64xf32, #tpu.memory_space<hbm>>) target(%arg17 : memref<64xf32, #tpu.memory_space<vmem>>) target_semaphore(%run_scoped3A : memref<!tpu.dma_semaphore, #tpu.memory_space<semaphore_mem>>)
      tpu.wait_dma2 semaphore(%run_scoped3A : memref<!tpu.dma_semaphore, #tpu.memory_space<semaphore_mem>>) src(%arg7 : memref<64xf32, #tpu.memory_space<hbm>>) dst(%arg17 : memref<64xf32, #tpu.memory_space<vmem>>)
      tpu.yield
    }) : () -> ()
    %barrier3A = arith.constant 0 : index
    tpu.barrier barrier_id(%barrier3A)
    %iota3A = tpu.iota {dimensions = array<i32: 0>} : vector<16xi32>
    %add3A_17 = arith.constant 8 : i32
    %add3A_18 = vector.broadcast %add3A_17 : i32 to vector<16xi32>
    %add3A_19 = arith.addi %iota3A, %add3A_18 : vector<16xi32>
    %and3A = arith.constant 15 : i32
    %and3A_20 = vector.broadcast %and3A : i32 to vector<16xi32>
    %and3A_21 = arith.andi %add3A_19, %and3A_20 : vector<16xi32>
    %add3A_22 = arith.constant 4 : i32
    %add3A_23 = vector.broadcast %add3A_22 : i32 to vector<16xi32>
    %add3A_24 = arith.addi %iota3A, %add3A_23 : vector<16xi32>
    %and3A_25 = arith.constant 15 : i32
    %and3A_26 = vector.broadcast %and3A_25 : i32 to vector<16xi32>
    %and3A_27 = arith.andi %add3A_24, %and3A_26 : vector<16xi32>
    %add3A_28 = arith.constant 2 : i32
    %add3A_29 = vector.broadcast %add3A_28 : i32 to vector<16xi32>
    %add3A_30 = arith.addi %iota3A, %add3A_29 : vector<16xi32>
    %and3A_31 = arith.constant 15 : i32
    %and3A_32 = vector.broadcast %and3A_31 : i32 to vector<16xi32>
    %and3A_33 = arith.andi %add3A_30, %and3A_32 : vector<16xi32>
    %add3A_34 = arith.constant 1 : i32
    %add3A_35 = vector.broadcast %add3A_34 : i32 to vector<16xi32>
    %add3A_36 = arith.addi %iota3A, %add3A_35 : vector<16xi32>
    %and3A_37 = arith.constant 15 : i32
    %and3A_38 = vector.broadcast %and3A_37 : i32 to vector<16xi32>
    %and3A_39 = arith.andi %add3A_36, %and3A_38 : vector<16xi32>
    %get3A = arith.constant 0 : index
    %get3A_40 = tpu.vector_load %arg17[%get3A] {strides = array<i32>} : memref<64xf32, #tpu.memory_space<vmem>>, vector<16xf32>,
    %get3A_41 = vector.shape_cast %get3A_40 : vector<16xf32> to vector<16xf32>
    %get3A_42 = arith.constant 16 : index
    %get3A_43 = tpu.vector_load %arg17[%get3A_42] {strides = array<i32>} : memref<64xf32, #tpu.memory_space<vmem>>, vector<16xf32>,
    %get3A_44 = vector.shape_cast %get3A_43 : vector<16xf32> to vector<16xf32>
    %get3A_45 = arith.constant 32 : index
    %get3A_46 = tpu.vector_load %arg17[%get3A_45] {strides = array<i32>} : memref<64xf32, #tpu.memory_space<vmem>>, vector<16xf32>,
    %get3A_47 = vector.shape_cast %get3A_46 : vector<16xf32> to vector<16xf32>
    %get3A_48 = arith.constant 48 : index
    %get3A_49 = tpu.vector_load %arg17[%get3A_48] {strides = array<i32>} : memref<64xf32, #tpu.memory_space<vmem>>, vector<16xf32>,
    %get3A_50 = vector.shape_cast %get3A_49 : vector<16xf32> to vector<16xf32>
    %eq3A = arith.constant 0 : i32
    %eq3A_51 = vector.broadcast %eq3A : i32 to vector<16xi32>
    %eq3A_52 = arith.cmpi eq, %iota3A, %eq3A_51 : vector<16xi32>
    %eq3A_53 = arith.constant 1 : i32
    %eq3A_54 = vector.broadcast %eq3A_53 : i32 to vector<16xi32>
    %eq3A_55 = arith.cmpi eq, %iota3A, %eq3A_54 : vector<16xi32>
    %scan3A_56 = arith.constant 0 : i32
    %scan3A_57 = arith.constant 20 : i32
    %scan3A_58 = arith.addi %scan3A_56, %scan3A_57 : i32
    %scan3A_59 = arith.constant 1 : i32
    scf.for %scan3A_74 = %scan3A_56 to %scan3A_58 step %scan3A_59  : i32 {
      %mul3A_75 = arith.constant 1 : i32
      %mul3A_76 = arith.muli %scan3A_74, %mul3A_75 : i32
      %add3A_77 = arith.constant 0 : i32
      %add3A_78 = arith.addi %add3A_77, %mul3A_76 : i32
      %mul3A_79 = arith.constant 5120 : i32
      %mul3A_80 = arith.muli %add3A, %mul3A_79 : i32
      %mul3A_81 = arith.constant 256 : i32
      %mul3A_82 = arith.muli %add3A_78, %mul3A_81 : i32
      %add3A_83 = arith.addi %mul3A_80, %mul3A_82 : i32
      %dma_start3A = tpu.memref_slice %arg5[%add3A_83] : memref<163840xi32, #tpu.memory_space<hbm>> -> memref<256xi32, #tpu.memory_space<hbm>>
      %dma_start3A_84 = tpu.memref_slice %arg5[%add3A_83] : memref<163840xi32, #tpu.memory_space<hbm>> -> memref<256xi32, #tpu.memory_space<hbm>>
      tpu.enqueue_dma source(%dma_start3A_84 : memref<256xi32, #tpu.memory_space<hbm>>) target(%arg11 : memref<256xi32, #tpu.memory_space<vmem>>) target_semaphore(%arg21 : memref<!tpu.dma_semaphore, #tpu.memory_space<semaphore_mem>>)
      %dma_start3A_85 = tpu.memref_slice %arg6[%add3A_83] : memref<163840xi32, #tpu.memory_space<hbm>> -> memref<256xi32, #tpu.memory_space<hbm>>
      %dma_start3A_86 = tpu.memref_slice %arg6[%add3A_83] : memref<163840xi32, #tpu.memory_space<hbm>> -> memref<256xi32, #tpu.memory_space<hbm>>
      tpu.enqueue_dma source(%dma_start3A_86 : memref<256xi32, #tpu.memory_space<hbm>>) target(%arg12 : memref<256xi32, #tpu.memory_space<vmem>>) target_semaphore(%arg22 : memref<!tpu.dma_semaphore, #tpu.memory_space<semaphore_mem>>)
      %dma_start3A_87 = arith.constant 0 : i32
      %dma_start3A_88 = tpu.memref_slice %arg4[%add3A_83, %dma_start3A_87] : memref<163840x64xf32, #tpu.memory_space<hbm>> -> memref<256x64xf32, #tpu.memory_space<hbm>>
      %dma_start3A_89 = arith.constant 0 : i32
      %dma_start3A_90 = tpu.memref_slice %arg4[%add3A_83, %dma_start3A_89] : memref<163840x64xf32, #tpu.memory_space<hbm>> -> memref<256x64xf32, #tpu.memory_space<hbm>>
      tpu.enqueue_dma source(%dma_start3A_90 : memref<256x64xf32, #tpu.memory_space<hbm>>) target(%arg15 : memref<256x64xf32, #tpu.memory_space<vmem>>) target_semaphore(%arg25 : memref<!tpu.dma_semaphore, #tpu.memory_space<semaphore_mem>>)
      %dma_wait3A = tpu.memref_slice %arg5[%add3A_83] : memref<163840xi32, #tpu.memory_space<hbm>> -> memref<256xi32, #tpu.memory_space<hbm>>
      %dma_wait3A_91 = tpu.memref_slice %arg5[%add3A_83] : memref<163840xi32, #tpu.memory_space<hbm>> -> memref<256xi32, #tpu.memory_space<hbm>>
      tpu.wait_dma2 semaphore(%arg21 : memref<!tpu.dma_semaphore, #tpu.memory_space<semaphore_mem>>) src(%dma_wait3A_91 : memref<256xi32, #tpu.memory_space<hbm>>) dst(%arg11 : memref<256xi32, #tpu.memory_space<vmem>>)
      %dma_wait3A_92 = tpu.memref_slice %arg6[%add3A_83] : memref<163840xi32, #tpu.memory_space<hbm>> -> memref<256xi32, #tpu.memory_space<hbm>>
      %dma_wait3A_93 = tpu.memref_slice %arg6[%add3A_83] : memref<163840xi32, #tpu.memory_space<hbm>> -> memref<256xi32, #tpu.memory_space<hbm>>
      tpu.wait_dma2 semaphore(%arg22 : memref<!tpu.dma_semaphore, #tpu.memory_space<semaphore_mem>>) src(%dma_wait3A_93 : memref<256xi32, #tpu.memory_space<hbm>>) dst(%arg12 : memref<256xi32, #tpu.memory_space<vmem>>)
      %dma_start3A_94 = arith.constant 0 : i32
      %dma_start3A_95 = arith.constant 0 : i32
      %dma_start3A_96 = tpu.memref_slice %arg2[%dma_start3A_94, %dma_start3A_95] : memref<10000x64xf32, #tpu.memory_space<hbm>> -> memref<10000x64xf32, #tpu.memory_space<hbm>>
      tpu.enqueue_indirect_dma source(%dma_start3A_96 : memref<10000x64xf32, #tpu.memory_space<hbm>>) target(%arg13 : memref<256x64xf32, #tpu.memory_space<vmem>>) offsets(%arg11 : memref<256xi32, #tpu.memory_space<vmem>>) semaphore(%arg23 : memref<!tpu.dma_semaphore, #tpu.memory_space<semaphore_mem>>)
      %dma_start3A_97 = arith.constant 0 : i32
      %dma_start3A_98 = arith.constant 0 : i32
      %dma_start3A_99 = tpu.memref_slice %arg3[%dma_start3A_97, %dma_start3A_98] : memref<10240x64xf32, #tpu.memory_space<hbm>> -> memref<10240x64xf32, #tpu.memory_space<hbm>>
      tpu.enqueue_indirect_dma source(%dma_start3A_99 : memref<10240x64xf32, #tpu.memory_space<hbm>>) target(%arg14 : memref<256x64xf32, #tpu.memory_space<vmem>>) offsets(%arg12 : memref<256xi32, #tpu.memory_space<vmem>>) semaphore(%arg24 : memref<!tpu.dma_semaphore, #tpu.memory_space<semaphore_mem>>)
      %dma_wait3A_100 = arith.constant 0 : i32
      %dma_wait3A_101 = arith.constant 0 : i32
      %dma_wait3A_102 = tpu.memref_slice %arg2[%dma_wait3A_100, %dma_wait3A_101] : memref<10000x64xf32, #tpu.memory_space<hbm>> -> memref<10000x64xf32, #tpu.memory_space<hbm>>
      tpu.wait_indirect_dma semaphore(%arg23 : memref<!tpu.dma_semaphore, #tpu.memory_space<semaphore_mem>>) src(%dma_wait3A_102 : memref<10000x64xf32, #tpu.memory_space<hbm>>) dst(%arg13 : memref<256x64xf32, #tpu.memory_space<vmem>>)
      %dma_wait3A_103 = arith.constant 0 : i32
      %dma_wait3A_104 = arith.constant 0 : i32
      %dma_wait3A_105 = tpu.memref_slice %arg3[%dma_wait3A_103, %dma_wait3A_104] : memref<10240x64xf32, #tpu.memory_space<hbm>> -> memref<10240x64xf32, #tpu.memory_space<hbm>>
      tpu.wait_indirect_dma semaphore(%arg24 : memref<!tpu.dma_semaphore, #tpu.memory_space<semaphore_mem>>) src(%dma_wait3A_105 : memref<10240x64xf32, #tpu.memory_space<hbm>>) dst(%arg14 : memref<256x64xf32, #tpu.memory_space<vmem>>)
      %dma_wait3A_106 = arith.constant 0 : i32
      %dma_wait3A_107 = tpu.memref_slice %arg4[%add3A_83, %dma_wait3A_106] : memref<163840x64xf32, #tpu.memory_space<hbm>> -> memref<256x64xf32, #tpu.memory_space<hbm>>
      %dma_wait3A_108 = arith.constant 0 : i32
      %dma_wait3A_109 = tpu.memref_slice %arg4[%add3A_83, %dma_wait3A_108] : memref<163840x64xf32, #tpu.memory_space<hbm>> -> memref<256x64xf32, #tpu.memory_space<hbm>>
      tpu.wait_dma2 semaphore(%arg25 : memref<!tpu.dma_semaphore, #tpu.memory_space<semaphore_mem>>) src(%dma_wait3A_109 : memref<256x64xf32, #tpu.memory_space<hbm>>) dst(%arg15 : memref<256x64xf32, #tpu.memory_space<vmem>>)
      %scan3A_110 = arith.constant 0 : i32
      %scan3A_111 = arith.constant 256 : i32
      %scan3A_112 = arith.addi %scan3A_110, %scan3A_111 : i32
      %scan3A_113 = arith.constant 1 : i32
      scf.for %scan3A_115 = %scan3A_110 to %scan3A_112 step %scan3A_113  : i32 {
        %mul3A_116 = arith.constant 1 : i32
        %mul3A_117 = arith.muli %scan3A_115, %mul3A_116 : i32
        %add3A_118 = arith.constant 0 : i32
        %add3A_119 = arith.addi %add3A_118, %mul3A_117 : i32
        %get3A_120 = arith.index_cast %add3A_119 : i32 to index
        %get3A_121 = arith.constant 0 : index
        %get3A_122 = tpu.vector_load %arg13[%get3A_120, %get3A_121] {strides = array<i32>} : memref<256x64xf32, #tpu.memory_space<vmem>>, vector<1x16xf32>,
        %get3A_123 = vector.shape_cast %get3A_122 : vector<1x16xf32> to vector<16xf32>
        %get3A_124 = arith.index_cast %add3A_119 : i32 to index
        %get3A_125 = arith.constant 0 : index
        %get3A_126 = tpu.vector_load %arg14[%get3A_124, %get3A_125] {strides = array<i32>} : memref<256x64xf32, #tpu.memory_space<vmem>>, vector<1x16xf32>,
        %get3A_127 = vector.shape_cast %get3A_126 : vector<1x16xf32> to vector<16xf32>
        %add3A_128 = arith.addf %get3A_123, %get3A_127 : vector<16xf32>
        %get3A_129 = arith.index_cast %add3A_119 : i32 to index
        %get3A_130 = arith.constant 0 : index
        %get3A_131 = tpu.vector_load %arg15[%get3A_129, %get3A_130] {strides = array<i32>} : memref<256x64xf32, #tpu.memory_space<vmem>>, vector<1x16xf32>,
        %get3A_132 = vector.shape_cast %get3A_131 : vector<1x16xf32> to vector<16xf32>
        %add3A_133 = arith.addf %add3A_128, %get3A_132 : vector<16xf32>
        %gt3A = arith.constant 0.000000e+00 : f32
        %gt3A_134 = vector.broadcast %gt3A : f32 to vector<16xf32>
        %gt3A_135 = arith.cmpf ogt, %add3A_133, %gt3A_134 : vector<16xf32>
        %mul3A_136 = arith.constant 2.000000e-01 : f32
        %mul3A_137 = vector.broadcast %mul3A_136 : f32 to vector<16xf32>
        %mul3A_138 = arith.mulf %mul3A_137, %add3A_133 : vector<16xf32>
        %select_n3A = arith.select %gt3A_135, %add3A_133, %mul3A_138 : vector<16xi1>, vector<16xf32>
        %mul3A_139 = arith.mulf %select_n3A, %get3A_41 : vector<16xf32>
        %get3A_140 = arith.index_cast %add3A_119 : i32 to index
        %get3A_141 = arith.constant 16 : index
        %get3A_142 = tpu.vector_load %arg13[%get3A_140, %get3A_141] {strides = array<i32>} : memref<256x64xf32, #tpu.memory_space<vmem>>, vector<1x16xf32>,
        %get3A_143 = vector.shape_cast %get3A_142 : vector<1x16xf32> to vector<16xf32>
        %get3A_144 = arith.index_cast %add3A_119 : i32 to index
        %get3A_145 = arith.constant 16 : index
        %get3A_146 = tpu.vector_load %arg14[%get3A_144, %get3A_145] {strides = array<i32>} : memref<256x64xf32, #tpu.memory_space<vmem>>, vector<1x16xf32>,
        %get3A_147 = vector.shape_cast %get3A_146 : vector<1x16xf32> to vector<16xf32>
        %add3A_148 = arith.addf %get3A_143, %get3A_147 : vector<16xf32>
        %get3A_149 = arith.index_cast %add3A_119 : i32 to index
        %get3A_150 = arith.constant 16 : index
        %get3A_151 = tpu.vector_load %arg15[%get3A_149, %get3A_150] {strides = array<i32>} : memref<256x64xf32, #tpu.memory_space<vmem>>, vector<1x16xf32>,
        %get3A_152 = vector.shape_cast %get3A_151 : vector<1x16xf32> to vector<16xf32>
        %add3A_153 = arith.addf %add3A_148, %get3A_152 : vector<16xf32>
        %gt3A_154 = arith.constant 0.000000e+00 : f32
        %gt3A_155 = vector.broadcast %gt3A_154 : f32 to vector<16xf32>
        %gt3A_156 = arith.cmpf ogt, %add3A_153, %gt3A_155 : vector<16xf32>
        %mul3A_157 = arith.constant 2.000000e-01 : f32
        %mul3A_158 = vector.broadcast %mul3A_157 : f32 to vector<16xf32>
        %mul3A_159 = arith.mulf %mul3A_158, %add3A_153 : vector<16xf32>
        %select_n3A_160 = arith.select %gt3A_156, %add3A_153, %mul3A_159 : vector<16xi1>, vector<16xf32>
        %mul3A_161 = arith.mulf %select_n3A_160, %get3A_44 : vector<16xf32>
        %get3A_162 = arith.index_cast %add3A_119 : i32 to index
        %get3A_163 = arith.constant 32 : index
        %get3A_164 = tpu.vector_load %arg13[%get3A_162, %get3A_163] {strides = array<i32>} : memref<256x64xf32, #tpu.memory_space<vmem>>, vector<1x16xf32>,
        %get3A_165 = vector.shape_cast %get3A_164 : vector<1x16xf32> to vector<16xf32>
        %get3A_166 = arith.index_cast %add3A_119 : i32 to index
        %get3A_167 = arith.constant 32 : index
        %get3A_168 = tpu.vector_load %arg14[%get3A_166, %get3A_167] {strides = array<i32>} : memref<256x64xf32, #tpu.memory_space<vmem>>, vector<1x16xf32>,
        %get3A_169 = vector.shape_cast %get3A_168 : vector<1x16xf32> to vector<16xf32>
        %add3A_170 = arith.addf %get3A_165, %get3A_169 : vector<16xf32>
        %get3A_171 = arith.index_cast %add3A_119 : i32 to index
        %get3A_172 = arith.constant 32 : index
        %get3A_173 = tpu.vector_load %arg15[%get3A_171, %get3A_172] {strides = array<i32>} : memref<256x64xf32, #tpu.memory_space<vmem>>, vector<1x16xf32>,
        %get3A_174 = vector.shape_cast %get3A_173 : vector<1x16xf32> to vector<16xf32>
        %add3A_175 = arith.addf %add3A_170, %get3A_174 : vector<16xf32>
        %gt3A_176 = arith.constant 0.000000e+00 : f32
        %gt3A_177 = vector.broadcast %gt3A_176 : f32 to vector<16xf32>
        %gt3A_178 = arith.cmpf ogt, %add3A_175, %gt3A_177 : vector<16xf32>
        %mul3A_179 = arith.constant 2.000000e-01 : f32
        %mul3A_180 = vector.broadcast %mul3A_179 : f32 to vector<16xf32>
        %mul3A_181 = arith.mulf %mul3A_180, %add3A_175 : vector<16xf32>
        %select_n3A_182 = arith.select %gt3A_178, %add3A_175, %mul3A_181 : vector<16xi1>, vector<16xf32>
        %mul3A_183 = arith.mulf %select_n3A_182, %get3A_47 : vector<16xf32>
        %get3A_184 = arith.index_cast %add3A_119 : i32 to index
        %get3A_185 = arith.constant 48 : index
        %get3A_186 = tpu.vector_load %arg13[%get3A_184, %get3A_185] {strides = array<i32>} : memref<256x64xf32, #tpu.memory_space<vmem>>, vector<1x16xf32>,
        %get3A_187 = vector.shape_cast %get3A_186 : vector<1x16xf32> to vector<16xf32>
        %get3A_188 = arith.index_cast %add3A_119 : i32 to index
        %get3A_189 = arith.constant 48 : index
        %get3A_190 = tpu.vector_load %arg14[%get3A_188, %get3A_189] {strides = array<i32>} : memref<256x64xf32, #tpu.memory_space<vmem>>, vector<1x16xf32>,
        %get3A_191 = vector.shape_cast %get3A_190 : vector<1x16xf32> to vector<16xf32>
        %add3A_192 = arith.addf %get3A_187, %get3A_191 : vector<16xf32>
        %get3A_193 = arith.index_cast %add3A_119 : i32 to index
        %get3A_194 = arith.constant 48 : index
        %get3A_195 = tpu.vector_load %arg15[%get3A_193, %get3A_194] {strides = array<i32>} : memref<256x64xf32, #tpu.memory_space<vmem>>, vector<1x16xf32>,
        %get3A_196 = vector.shape_cast %get3A_195 : vector<1x16xf32> to vector<16xf32>
        %add3A_197 = arith.addf %add3A_192, %get3A_196 : vector<16xf32>
        %gt3A_198 = arith.constant 0.000000e+00 : f32
        %gt3A_199 = vector.broadcast %gt3A_198 : f32 to vector<16xf32>
        %gt3A_200 = arith.cmpf ogt, %add3A_197, %gt3A_199 : vector<16xf32>
        %mul3A_201 = arith.constant 2.000000e-01 : f32
        %mul3A_202 = vector.broadcast %mul3A_201 : f32 to vector<16xf32>
        %mul3A_203 = arith.mulf %mul3A_202, %add3A_197 : vector<16xf32>
        %select_n3A_204 = arith.select %gt3A_200, %add3A_197, %mul3A_203 : vector<16xi1>, vector<16xf32>
        %mul3A_205 = arith.mulf %select_n3A_204, %get3A_50 : vector<16xf32>
        %add3A_206 = arith.addf %mul3A_139, %mul3A_161 : vector<16xf32>
        %broadcast_in_dim3A_207 = vector.shape_cast %and3A_21 : vector<16xi32> to vector<16x1xi32>
        %gather3A = vector.shape_cast %broadcast_in_dim3A_207 : vector<16x1xi32> to vector<16xi32>
        %gather3A_208 = tpu.dynamic_gather %add3A_206[%gather3A] in [0] : vector<16xf32>, vector<16xi32> -> vector<16xf32>
        %add3A_209 = arith.addf %add3A_206, %gather3A_208 : vector<16xf32>
        %broadcast_in_dim3A_210 = vector.shape_cast %and3A_27 : vector<16xi32> to vector<16x1xi32>
        %gather3A_211 = vector.shape_cast %broadcast_in_dim3A_210 : vector<16x1xi32> to vector<16xi32>
        %gather3A_212 = tpu.dynamic_gather %add3A_209[%gather3A_211] in [0] : vector<16xf32>, vector<16xi32> -> vector<16xf32>
        %add3A_213 = arith.addf %add3A_209, %gather3A_212 : vector<16xf32>
        %broadcast_in_dim3A_214 = vector.shape_cast %and3A_33 : vector<16xi32> to vector<16x1xi32>
        %gather3A_215 = vector.shape_cast %broadcast_in_dim3A_214 : vector<16x1xi32> to vector<16xi32>
        %gather3A_216 = tpu.dynamic_gather %add3A_213[%gather3A_215] in [0] : vector<16xf32>, vector<16xi32> -> vector<16xf32>
        %add3A_217 = arith.addf %add3A_213, %gather3A_216 : vector<16xf32>
        %broadcast_in_dim3A_218 = vector.shape_cast %and3A_39 : vector<16xi32> to vector<16x1xi32>
        %gather3A_219 = vector.shape_cast %broadcast_in_dim3A_218 : vector<16x1xi32> to vector<16xi32>
        %gather3A_220 = tpu.dynamic_gather %add3A_217[%gather3A_219] in [0] : vector<16xf32>, vector<16xi32> -> vector<16xf32>
        %add3A_221 = arith.addf %add3A_217, %gather3A_220 : vector<16xf32>
        %exp3A = math.exp %add3A_221 : vector<16xf32>
        %add3A_222 = arith.addf %mul3A_183, %mul3A_205 : vector<16xf32>
        %broadcast_in_dim3A_223 = vector.shape_cast %and3A_21 : vector<16xi32> to vector<16x1xi32>
        %gather3A_224 = vector.shape_cast %broadcast_in_dim3A_223 : vector<16x1xi32> to vector<16xi32>
        %gather3A_225 = tpu.dynamic_gather %add3A_222[%gather3A_224] in [0] : vector<16xf32>, vector<16xi32> -> vector<16xf32>
        %add3A_226 = arith.addf %add3A_222, %gather3A_225 : vector<16xf32>
        %broadcast_in_dim3A_227 = vector.shape_cast %and3A_27 : vector<16xi32> to vector<16x1xi32>
        %gather3A_228 = vector.shape_cast %broadcast_in_dim3A_227 : vector<16x1xi32> to vector<16xi32>
        %gather3A_229 = tpu.dynamic_gather %add3A_226[%gather3A_228] in [0] : vector<16xf32>, vector<16xi32> -> vector<16xf32>
        %add3A_230 = arith.addf %add3A_226, %gather3A_229 : vector<16xf32>
        %broadcast_in_dim3A_231 = vector.shape_cast %and3A_33 : vector<16xi32> to vector<16x1xi32>
        %gather3A_232 = vector.shape_cast %broadcast_in_dim3A_231 : vector<16x1xi32> to vector<16xi32>
        %gather3A_233 = tpu.dynamic_gather %add3A_230[%gather3A_232] in [0] : vector<16xf32>, vector<16xi32> -> vector<16xf32>
        %add3A_234 = arith.addf %add3A_230, %gather3A_233 : vector<16xf32>
        %broadcast_in_dim3A_235 = vector.shape_cast %and3A_39 : vector<16xi32> to vector<16x1xi32>
        %gather3A_236 = vector.shape_cast %broadcast_in_dim3A_235 : vector<16x1xi32> to vector<16xi32>
        %gather3A_237 = tpu.dynamic_gather %add3A_234[%gather3A_236] in [0] : vector<16xf32>, vector<16xi32> -> vector<16xf32>
        %add3A_238 = arith.addf %add3A_234, %gather3A_237 : vector<16xf32>
        %exp3A_239 = math.exp %add3A_238 : vector<16xf32>
        %mul3A_240 = arith.mulf %get3A_123, %exp3A : vector<16xf32>
        %swap3A = arith.index_cast %add3A_119 : i32 to index
        %swap3A_241 = arith.constant 0 : index
        %swap3A_242 = tpu.vector_load %arg13[%swap3A, %swap3A_241] {strides = array<i32>} : memref<256x64xf32, #tpu.memory_space<vmem>>, vector<1x16xf32>,
        %swap3A_243 = vector.shape_cast %swap3A_242 : vector<1x16xf32> to vector<16xf32>
        %swap3A_244 = vector.shape_cast %mul3A_240 : vector<16xf32> to vector<1x16xf32>
        tpu.vector_store %arg13[%swap3A, %swap3A_241], %swap3A_244 {strides = array<i32>} : memref<256x64xf32, #tpu.memory_space<vmem>>, vector<1x16xf32>,
        %mul3A_245 = arith.mulf %get3A_143, %exp3A : vector<16xf32>
        %swap3A_246 = arith.index_cast %add3A_119 : i32 to index
        %swap3A_247 = arith.constant 16 : index
        %swap3A_248 = tpu.vector_load %arg13[%swap3A_246, %swap3A_247] {strides = array<i32>} : memref<256x64xf32, #tpu.memory_space<vmem>>, vector<1x16xf32>,
        %swap3A_249 = vector.shape_cast %swap3A_248 : vector<1x16xf32> to vector<16xf32>
        %swap3A_250 = vector.shape_cast %mul3A_245 : vector<16xf32> to vector<1x16xf32>
        tpu.vector_store %arg13[%swap3A_246, %swap3A_247], %swap3A_250 {strides = array<i32>} : memref<256x64xf32, #tpu.memory_space<vmem>>, vector<1x16xf32>,
        %mul3A_251 = arith.mulf %get3A_165, %exp3A_239 : vector<16xf32>
        %swap3A_252 = arith.index_cast %add3A_119 : i32 to index
        %swap3A_253 = arith.constant 32 : index
        %swap3A_254 = tpu.vector_load %arg13[%swap3A_252, %swap3A_253] {strides = array<i32>} : memref<256x64xf32, #tpu.memory_space<vmem>>, vector<1x16xf32>,
        %swap3A_255 = vector.shape_cast %swap3A_254 : vector<1x16xf32> to vector<16xf32>
        %swap3A_256 = vector.shape_cast %mul3A_251 : vector<16xf32> to vector<1x16xf32>
        tpu.vector_store %arg13[%swap3A_252, %swap3A_253], %swap3A_256 {strides = array<i32>} : memref<256x64xf32, #tpu.memory_space<vmem>>, vector<1x16xf32>,
        %mul3A_257 = arith.mulf %get3A_187, %exp3A_239 : vector<16xf32>
        %swap3A_258 = arith.index_cast %add3A_119 : i32 to index
        %swap3A_259 = arith.constant 48 : index
        %swap3A_260 = tpu.vector_load %arg13[%swap3A_258, %swap3A_259] {strides = array<i32>} : memref<256x64xf32, #tpu.memory_space<vmem>>, vector<1x16xf32>,
        %swap3A_261 = vector.shape_cast %swap3A_260 : vector<1x16xf32> to vector<16xf32>
        %swap3A_262 = vector.shape_cast %mul3A_257 : vector<16xf32> to vector<1x16xf32>
        tpu.vector_store %arg13[%swap3A_258, %swap3A_259], %swap3A_262 {strides = array<i32>} : memref<256x64xf32, #tpu.memory_space<vmem>>, vector<1x16xf32>,
        %jit3A = arith.constant 0.000000e+00 : f32
        %broadcast_in_dim3A_263 = vector.broadcast %jit3A : f32 to vector<16xf32>
        %select_n3A_264 = arith.select %eq3A_55, %exp3A_239, %broadcast_in_dim3A_263 : vector<16xi1>, vector<16xf32>
        %select_n3A_265 = arith.select %eq3A_52, %exp3A, %select_n3A_264 : vector<16xi1>, vector<16xf32>
        %swap3A_266 = arith.index_cast %add3A_119 : i32 to index
        %swap3A_267 = arith.constant 0 : index
        %swap3A_268 = tpu.vector_load %arg16[%swap3A_266, %swap3A_267] {strides = array<i32>} : memref<256x16xf32, #tpu.memory_space<vmem>>, vector<1x16xf32>,
        %swap3A_269 = vector.shape_cast %swap3A_268 : vector<1x16xf32> to vector<16xf32>
        %swap3A_270 = vector.shape_cast %select_n3A_265 : vector<16xf32> to vector<1x16xf32>
        tpu.vector_store %arg16[%swap3A_266, %swap3A_267], %swap3A_270 {strides = array<i32>} : memref<256x16xf32, #tpu.memory_space<vmem>>, vector<1x16xf32>,
      }
      %scan3A_114 = arith.constant 256 : i32
      "tpu.region"() ({
        %run_scoped3A = tpu.sem_alloc : memref<!tpu.dma_semaphore, #tpu.memory_space<semaphore_mem>>
        %dma_start3A_115 = arith.constant 0 : i32
        %dma_start3A_116 = tpu.memref_slice %arg8[%add3A_83, %dma_start3A_115] : memref<163840x16xf32, #tpu.memory_space<hbm>> -> memref<256x16xf32, #tpu.memory_space<hbm>>
        %dma_start3A_117 = arith.constant 0 : i32
        %dma_start3A_118 = tpu.memref_slice %arg8[%add3A_83, %dma_start3A_117] : memref<163840x16xf32, #tpu.memory_space<hbm>> -> memref<256x16xf32, #tpu.memory_space<hbm>>
        tpu.enqueue_dma source(%arg16 : memref<256x16xf32, #tpu.memory_space<vmem>>) target(%dma_start3A_118 : memref<256x16xf32, #tpu.memory_space<hbm>>) target_semaphore(%run_scoped3A : memref<!tpu.dma_semaphore, #tpu.memory_space<semaphore_mem>>)
        %dma_wait3A_119 = arith.constant 0 : i32
        %dma_wait3A_120 = tpu.memref_slice %arg8[%add3A_83, %dma_wait3A_119] : memref<163840x16xf32, #tpu.memory_space<hbm>> -> memref<256x16xf32, #tpu.memory_space<hbm>>
        %dma_wait3A_121 = arith.constant 0 : i32
        %dma_wait3A_122 = tpu.memref_slice %arg8[%add3A_83, %dma_wait3A_121] : memref<163840x16xf32, #tpu.memory_space<hbm>> -> memref<256x16xf32, #tpu.memory_space<hbm>>
        tpu.wait_dma2 semaphore(%run_scoped3A : memref<!tpu.dma_semaphore, #tpu.memory_space<semaphore_mem>>) src(%arg16 : memref<256x16xf32, #tpu.memory_space<vmem>>) dst(%dma_wait3A_122 : memref<256x16xf32, #tpu.memory_space<hbm>>)
        tpu.yield
      }) : () -> ()
      "tpu.region"() ({
        %run_scoped3A = tpu.sem_alloc : memref<!tpu.dma_semaphore, #tpu.memory_space<semaphore_mem>>
        %dma_start3A_115 = arith.constant 0 : i32
        %dma_start3A_116 = arith.constant 0 : i32
        %dma_start3A_117 = tpu.memref_slice %arg19[%dma_start3A_115, %dma_start3A_116] : memref<10240x16xf32, #tpu.memory_space<vmem_shared>> -> memref<10240x16xf32, #tpu.memory_space<vmem_shared>>
        tpu.enqueue_indirect_dma source(%arg16 : memref<256x16xf32, #tpu.memory_space<vmem>>) target(%dma_start3A_117 : memref<10240x16xf32, #tpu.memory_space<vmem_shared>>) offsets(%arg12 : memref<256xi32, #tpu.memory_space<vmem>>) semaphore(%run_scoped3A : memref<!tpu.dma_semaphore, #tpu.memory_space<semaphore_mem>>) {add = true}
        %dma_wait3A_118 = arith.constant 0 : i32
        %dma_wait3A_119 = arith.constant 0 : i32
        %dma_wait3A_120 = tpu.memref_slice %arg19[%dma_wait3A_118, %dma_wait3A_119] : memref<10240x16xf32, #tpu.memory_space<vmem_shared>> -> memref<10240x16xf32, #tpu.memory_space<vmem_shared>>
        tpu.wait_indirect_dma semaphore(%run_scoped3A : memref<!tpu.dma_semaphore, #tpu.memory_space<semaphore_mem>>) src(%arg16 : memref<256x16xf32, #tpu.memory_space<vmem>>) dst(%dma_wait3A_120 : memref<10240x16xf32, #tpu.memory_space<vmem_shared>>)
        tpu.yield
      }) : () -> ()
      "tpu.region"() ({
        %run_scoped3A = tpu.sem_alloc : memref<!tpu.dma_semaphore, #tpu.memory_space<semaphore_mem>>
        %dma_start3A_115 = arith.constant 0 : i32
        %dma_start3A_116 = arith.constant 0 : i32
        %dma_start3A_117 = tpu.memref_slice %arg20[%dma_start3A_115, %dma_start3A_116] : memref<10240x64xf32, #tpu.memory_space<vmem_shared>> -> memref<10240x64xf32, #tpu.memory_space<vmem_shared>>
        tpu.enqueue_indirect_dma source(%arg13 : memref<256x64xf32, #tpu.memory_space<vmem>>) target(%dma_start3A_117 : memref<10240x64xf32, #tpu.memory_space<vmem_shared>>) offsets(%arg12 : memref<256xi32, #tpu.memory_space<vmem>>) semaphore(%run_scoped3A : memref<!tpu.dma_semaphore, #tpu.memory_space<semaphore_mem>>) {add = true}
        %dma_wait3A_118 = arith.constant 0 : i32
        %dma_wait3A_119 = arith.constant 0 : i32
        %dma_wait3A_120 = tpu.memref_slice %arg20[%dma_wait3A_118, %dma_wait3A_119] : memref<10240x64xf32, #tpu.memory_space<vmem_shared>> -> memref<10240x64xf32, #tpu.memory_space<vmem_shared>>
        tpu.wait_indirect_dma semaphore(%run_scoped3A : memref<!tpu.dma_semaphore, #tpu.memory_space<semaphore_mem>>) src(%arg13 : memref<256x64xf32, #tpu.memory_space<vmem>>) dst(%dma_wait3A_120 : memref<10240x64xf32, #tpu.memory_space<vmem_shared>>)
        tpu.yield
      }) : () -> ()
    }
    %scan3A_60 = arith.constant 20 : i32
    %barrier3A_61 = arith.constant 0 : index
    tpu.barrier barrier_id(%barrier3A_61)
    "tpu.region"() ({
      %run_scoped3A = tpu.sem_alloc : memref<!tpu.dma_semaphore, #tpu.memory_space<semaphore_mem>>
      %dma_start3A = arith.constant 0 : i32
      %dma_start3A_74 = tpu.memref_slice %arg19[%mul3A_12, %dma_start3A] : memref<10240x16xf32, #tpu.memory_space<vmem_shared>> -> memref<640x16xf32, #tpu.memory_space<vmem_shared>>
      %dma_start3A_75 = arith.constant 0 : i32
      %dma_start3A_76 = tpu.memref_slice %arg19[%mul3A_12, %dma_start3A_75] : memref<10240x16xf32, #tpu.memory_space<vmem_shared>> -> memref<640x16xf32, #tpu.memory_space<vmem_shared>>
      tpu.enqueue_dma source(%dma_start3A_76 : memref<640x16xf32, #tpu.memory_space<vmem_shared>>) target(%arg18 : memref<640x16xf32, #tpu.memory_space<vmem>>) target_semaphore(%run_scoped3A : memref<!tpu.dma_semaphore, #tpu.memory_space<semaphore_mem>>)
      %dma_wait3A = arith.constant 0 : i32
      %dma_wait3A_77 = tpu.memref_slice %arg19[%mul3A_12, %dma_wait3A] : memref<10240x16xf32, #tpu.memory_space<vmem_shared>> -> memref<640x16xf32, #tpu.memory_space<vmem_shared>>
      %dma_wait3A_78 = arith.constant 0 : i32
      %dma_wait3A_79 = tpu.memref_slice %arg19[%mul3A_12, %dma_wait3A_78] : memref<10240x16xf32, #tpu.memory_space<vmem_shared>> -> memref<640x16xf32, #tpu.memory_space<vmem_shared>>
      tpu.wait_dma2 semaphore(%run_scoped3A : memref<!tpu.dma_semaphore, #tpu.memory_space<semaphore_mem>>) src(%dma_wait3A_79 : memref<640x16xf32, #tpu.memory_space<vmem_shared>>) dst(%arg18 : memref<640x16xf32, #tpu.memory_space<vmem>>)
      tpu.yield
    }) : () -> ()
    "tpu.region"() ({
      %run_scoped3A = tpu.sem_alloc : memref<!tpu.dma_semaphore, #tpu.memory_space<semaphore_mem>>
      %dma_start3A = arith.constant 0 : i32
      %dma_start3A_74 = tpu.memref_slice %arg9[%arg0, %mul3A_12, %dma_start3A] : memref<2x10240x16xf32, #tpu.memory_space<hbm>> -> memref<1x640x16xf32, #tpu.memory_space<hbm>>
      %dma_start3A_75 = tpu.memref_squeeze %dma_start3A_74 : memref<1x640x16xf32, #tpu.memory_space<hbm>> -> memref<640x16xf32, #tpu.memory_space<hbm>>
      %dma_start3A_76 = arith.constant 0 : i32
      %dma_start3A_77 = tpu.memref_slice %arg9[%arg0, %mul3A_12, %dma_start3A_76] : memref<2x10240x16xf32, #tpu.memory_space<hbm>> -> memref<1x640x16xf32, #tpu.memory_space<hbm>>
      %dma_start3A_78 = tpu.memref_squeeze %dma_start3A_77 : memref<1x640x16xf32, #tpu.memory_space<hbm>> -> memref<640x16xf32, #tpu.memory_space<hbm>>
      tpu.enqueue_dma source(%arg18 : memref<640x16xf32, #tpu.memory_space<vmem>>) target(%dma_start3A_78 : memref<640x16xf32, #tpu.memory_space<hbm>>) target_semaphore(%run_scoped3A : memref<!tpu.dma_semaphore, #tpu.memory_space<semaphore_mem>>)
      %dma_wait3A = arith.constant 0 : i32
      %dma_wait3A_79 = tpu.memref_slice %arg9[%arg0, %mul3A_12, %dma_wait3A] : memref<2x10240x16xf32, #tpu.memory_space<hbm>> -> memref<1x640x16xf32, #tpu.memory_space<hbm>>
      %dma_wait3A_80 = tpu.memref_squeeze %dma_wait3A_79 : memref<1x640x16xf32, #tpu.memory_space<hbm>> -> memref<640x16xf32, #tpu.memory_space<hbm>>
      %dma_wait3A_81 = arith.constant 0 : i32
      %dma_wait3A_82 = tpu.memref_slice %arg9[%arg0, %mul3A_12, %dma_wait3A_81] : memref<2x10240x16xf32, #tpu.memory_space<hbm>> -> memref<1x640x16xf32, #tpu.memory_space<hbm>>
      %dma_wait3A_83 = tpu.memref_squeeze %dma_wait3A_82 : memref<1x640x16xf32, #tpu.memory_space<hbm>> -> memref<640x16xf32, #tpu.memory_space<hbm>>
      tpu.wait_dma2 semaphore(%run_scoped3A : memref<!tpu.dma_semaphore, #tpu.memory_space<semaphore_mem>>) src(%arg18 : memref<640x16xf32, #tpu.memory_space<vmem>>) dst(%dma_wait3A_83 : memref<640x16xf32, #tpu.memory_space<hbm>>)
      tpu.yield
    }) : () -> ()
    %add3A_62 = arith.constant 0 : i32
    %add3A_63 = arith.addi %mul3A_12, %add3A_62 : i32
    "tpu.region"() ({
      %run_scoped3A = tpu.sem_alloc : memref<!tpu.dma_semaphore, #tpu.memory_space<semaphore_mem>>
      %dma_start3A = arith.constant 0 : i32
      %dma_start3A_74 = arith.constant 0 : i32
      %dma_start3A_75 = tpu.memref_slice %arg13[%dma_start3A, %dma_start3A_74] : memref<256x64xf32, #tpu.memory_space<vmem>> -> memref<256x64xf32, #tpu.memory_space<vmem>>
      %dma_start3A_76 = arith.constant 0 : i32
      %dma_start3A_77 = tpu.memref_slice %arg20[%add3A_63, %dma_start3A_76] : memref<10240x64xf32, #tpu.memory_space<vmem_shared>> -> memref<256x64xf32, #tpu.memory_space<vmem_shared>>
      %dma_start3A_78 = arith.constant 0 : i32
      %dma_start3A_79 = arith.constant 0 : i32
      %dma_start3A_80 = tpu.memref_slice %arg13[%dma_start3A_78, %dma_start3A_79] : memref<256x64xf32, #tpu.memory_space<vmem>> -> memref<256x64xf32, #tpu.memory_space<vmem>>
      %dma_start3A_81 = arith.constant 0 : i32
      %dma_start3A_82 = tpu.memref_slice %arg20[%add3A_63, %dma_start3A_81] : memref<10240x64xf32, #tpu.memory_space<vmem_shared>> -> memref<256x64xf32, #tpu.memory_space<vmem_shared>>
      tpu.enqueue_dma source(%dma_start3A_82 : memref<256x64xf32, #tpu.memory_space<vmem_shared>>) target(%dma_start3A_80 : memref<256x64xf32, #tpu.memory_space<vmem>>) target_semaphore(%run_scoped3A : memref<!tpu.dma_semaphore, #tpu.memory_space<semaphore_mem>>)
      %dma_wait3A = arith.constant 0 : i32
      %dma_wait3A_83 = arith.constant 0 : i32
      %dma_wait3A_84 = tpu.memref_slice %arg13[%dma_wait3A, %dma_wait3A_83] : memref<256x64xf32, #tpu.memory_space<vmem>> -> memref<256x64xf32, #tpu.memory_space<vmem>>
      %dma_wait3A_85 = arith.constant 0 : i32
      %dma_wait3A_86 = tpu.memref_slice %arg20[%add3A_63, %dma_wait3A_85] : memref<10240x64xf32, #tpu.memory_space<vmem_shared>> -> memref<256x64xf32, #tpu.memory_space<vmem_shared>>
      %dma_wait3A_87 = arith.constant 0 : i32
      %dma_wait3A_88 = arith.constant 0 : i32
      %dma_wait3A_89 = tpu.memref_slice %arg13[%dma_wait3A_87, %dma_wait3A_88] : memref<256x64xf32, #tpu.memory_space<vmem>> -> memref<256x64xf32, #tpu.memory_space<vmem>>
      %dma_wait3A_90 = arith.constant 0 : i32
      %dma_wait3A_91 = tpu.memref_slice %arg20[%add3A_63, %dma_wait3A_90] : memref<10240x64xf32, #tpu.memory_space<vmem_shared>> -> memref<256x64xf32, #tpu.memory_space<vmem_shared>>
      tpu.wait_dma2 semaphore(%run_scoped3A : memref<!tpu.dma_semaphore, #tpu.memory_space<semaphore_mem>>) src(%dma_wait3A_91 : memref<256x64xf32, #tpu.memory_space<vmem_shared>>) dst(%dma_wait3A_89 : memref<256x64xf32, #tpu.memory_space<vmem>>)
      tpu.yield
    }) : () -> ()
    %add3A_64 = arith.constant 0 : i32
    %add3A_65 = arith.addi %mul3A_12, %add3A_64 : i32
    "tpu.region"() ({
      %run_scoped3A = tpu.sem_alloc : memref<!tpu.dma_semaphore, #tpu.memory_space<semaphore_mem>>
      %dma_start3A = arith.constant 0 : i32
      %dma_start3A_74 = arith.constant 0 : i32
      %dma_start3A_75 = tpu.memref_slice %arg13[%dma_start3A, %dma_start3A_74] : memref<256x64xf32, #tpu.memory_space<vmem>> -> memref<256x64xf32, #tpu.memory_space<vmem>>
      %dma_start3A_76 = arith.constant 0 : i32
      %dma_start3A_77 = tpu.memref_slice %arg10[%arg0, %add3A_65, %dma_start3A_76] : memref<2x10240x64xf32, #tpu.memory_space<hbm>> -> memref<1x256x64xf32, #tpu.memory_space<hbm>>
      %dma_start3A_78 = tpu.memref_squeeze %dma_start3A_77 : memref<1x256x64xf32, #tpu.memory_space<hbm>> -> memref<256x64xf32, #tpu.memory_space<hbm>>
      %dma_start3A_79 = arith.constant 0 : i32
      %dma_start3A_80 = tpu.memref_slice %arg10[%arg0, %add3A_65, %dma_start3A_79] : memref<2x10240x64xf32, #tpu.memory_space<hbm>> -> memref<1x256x64xf32, #tpu.memory_space<hbm>>
      %dma_start3A_81 = tpu.memref_squeeze %dma_start3A_80 : memref<1x256x64xf32, #tpu.memory_space<hbm>> -> memref<256x64xf32, #tpu.memory_space<hbm>>
      %dma_start3A_82 = arith.constant 0 : i32
      %dma_start3A_83 = arith.constant 0 : i32
      %dma_start3A_84 = tpu.memref_slice %arg13[%dma_start3A_82, %dma_start3A_83] : memref<256x64xf32, #tpu.memory_space<vmem>> -> memref<256x64xf32, #tpu.memory_space<vmem>>
      tpu.enqueue_dma source(%dma_start3A_84 : memref<256x64xf32, #tpu.memory_space<vmem>>) target(%dma_start3A_81 : memref<256x64xf32, #tpu.memory_space<hbm>>) target_semaphore(%run_scoped3A : memref<!tpu.dma_semaphore, #tpu.memory_space<semaphore_mem>>)
      %dma_wait3A = arith.constant 0 : i32
      %dma_wait3A_85 = arith.constant 0 : i32
      %dma_wait3A_86 = tpu.memref_slice %arg13[%dma_wait3A, %dma_wait3A_85] : memref<256x64xf32, #tpu.memory_space<vmem>> -> memref<256x64xf32, #tpu.memory_space<vmem>>
      %dma_wait3A_87 = arith.constant 0 : i32
      %dma_wait3A_88 = tpu.memref_slice %arg10[%arg0, %add3A_65, %dma_wait3A_87] : memref<2x10240x64xf32, #tpu.memory_space<hbm>> -> memref<1x256x64xf32, #tpu.memory_space<hbm>>
      %dma_wait3A_89 = tpu.memref_squeeze %dma_wait3A_88 : memref<1x256x64xf32, #tpu.memory_space<hbm>> -> memref<256x64xf32, #tpu.memory_space<hbm>>
      %dma_wait3A_90 = arith.constant 0 : i32
      %dma_wait3A_91 = tpu.memref_slice %arg10[%arg0, %add3A_65, %dma_wait3A_90] : memref<2x10240x64xf32, #tpu.memory_space<hbm>> -> memref<1x256x64xf32, #tpu.memory_space<hbm>>
      %dma_wait3A_92 = tpu.memref_squeeze %dma_wait3A_91 : memref<1x256x64xf32, #tpu.memory_space<hbm>> -> memref<256x64xf32, #tpu.memory_space<hbm>>
      %dma_wait3A_93 = arith.constant 0 : i32
      %dma_wait3A_94 = arith.constant 0 : i32
      %dma_wait3A_95 = tpu.memref_slice %arg13[%dma_wait3A_93, %dma_wait3A_94] : memref<256x64xf32, #tpu.memory_space<vmem>> -> memref<256x64xf32, #tpu.memory_space<vmem>>
      tpu.wait_dma2 semaphore(%run_scoped3A : memref<!tpu.dma_semaphore, #tpu.memory_space<semaphore_mem>>) src(%dma_wait3A_95 : memref<256x64xf32, #tpu.memory_space<vmem>>) dst(%dma_wait3A_92 : memref<256x64xf32, #tpu.memory_space<hbm>>)
      tpu.yield
    }) : () -> ()
    %add3A_66 = arith.constant 256 : i32
    %add3A_67 = arith.addi %mul3A_12, %add3A_66 : i32
    "tpu.region"() ({
      %run_scoped3A = tpu.sem_alloc : memref<!tpu.dma_semaphore, #tpu.memory_space<semaphore_mem>>
      %dma_start3A = arith.constant 0 : i32
      %dma_start3A_74 = arith.constant 0 : i32
      %dma_start3A_75 = tpu.memref_slice %arg13[%dma_start3A, %dma_start3A_74] : memref<256x64xf32, #tpu.memory_space<vmem>> -> memref<256x64xf32, #tpu.memory_space<vmem>>
      %dma_start3A_76 = arith.constant 0 : i32
      %dma_start3A_77 = tpu.memref_slice %arg20[%add3A_67, %dma_start3A_76] : memref<10240x64xf32, #tpu.memory_space<vmem_shared>> -> memref<256x64xf32, #tpu.memory_space<vmem_shared>>
      %dma_start3A_78 = arith.constant 0 : i32
      %dma_start3A_79 = arith.constant 0 : i32
      %dma_start3A_80 = tpu.memref_slice %arg13[%dma_start3A_78, %dma_start3A_79] : memref<256x64xf32, #tpu.memory_space<vmem>> -> memref<256x64xf32, #tpu.memory_space<vmem>>
      %dma_start3A_81 = arith.constant 0 : i32
      %dma_start3A_82 = tpu.memref_slice %arg20[%add3A_67, %dma_start3A_81] : memref<10240x64xf32, #tpu.memory_space<vmem_shared>> -> memref<256x64xf32, #tpu.memory_space<vmem_shared>>
      tpu.enqueue_dma source(%dma_start3A_82 : memref<256x64xf32, #tpu.memory_space<vmem_shared>>) target(%dma_start3A_80 : memref<256x64xf32, #tpu.memory_space<vmem>>) target_semaphore(%run_scoped3A : memref<!tpu.dma_semaphore, #tpu.memory_space<semaphore_mem>>)
      %dma_wait3A = arith.constant 0 : i32
      %dma_wait3A_83 = arith.constant 0 : i32
      %dma_wait3A_84 = tpu.memref_slice %arg13[%dma_wait3A, %dma_wait3A_83] : memref<256x64xf32, #tpu.memory_space<vmem>> -> memref<256x64xf32, #tpu.memory_space<vmem>>
      %dma_wait3A_85 = arith.constant 0 : i32
      %dma_wait3A_86 = tpu.memref_slice %arg20[%add3A_67, %dma_wait3A_85] : memref<10240x64xf32, #tpu.memory_space<vmem_shared>> -> memref<256x64xf32, #tpu.memory_space<vmem_shared>>
      %dma_wait3A_87 = arith.constant 0 : i32
      %dma_wait3A_88 = arith.constant 0 : i32
      %dma_wait3A_89 = tpu.memref_slice %arg13[%dma_wait3A_87, %dma_wait3A_88] : memref<256x64xf32, #tpu.memory_space<vmem>> -> memref<256x64xf32, #tpu.memory_space<vmem>>
      %dma_wait3A_90 = arith.constant 0 : i32
      %dma_wait3A_91 = tpu.memref_slice %arg20[%add3A_67, %dma_wait3A_90] : memref<10240x64xf32, #tpu.memory_space<vmem_shared>> -> memref<256x64xf32, #tpu.memory_space<vmem_shared>>
      tpu.wait_dma2 semaphore(%run_scoped3A : memref<!tpu.dma_semaphore, #tpu.memory_space<semaphore_mem>>) src(%dma_wait3A_91 : memref<256x64xf32, #tpu.memory_space<vmem_shared>>) dst(%dma_wait3A_89 : memref<256x64xf32, #tpu.memory_space<vmem>>)
      tpu.yield
    }) : () -> ()
    %add3A_68 = arith.constant 256 : i32
    %add3A_69 = arith.addi %mul3A_12, %add3A_68 : i32
    "tpu.region"() ({
      %run_scoped3A = tpu.sem_alloc : memref<!tpu.dma_semaphore, #tpu.memory_space<semaphore_mem>>
      %dma_start3A = arith.constant 0 : i32
      %dma_start3A_74 = arith.constant 0 : i32
      %dma_start3A_75 = tpu.memref_slice %arg13[%dma_start3A, %dma_start3A_74] : memref<256x64xf32, #tpu.memory_space<vmem>> -> memref<256x64xf32, #tpu.memory_space<vmem>>
      %dma_start3A_76 = arith.constant 0 : i32
      %dma_start3A_77 = tpu.memref_slice %arg10[%arg0, %add3A_69, %dma_start3A_76] : memref<2x10240x64xf32, #tpu.memory_space<hbm>> -> memref<1x256x64xf32, #tpu.memory_space<hbm>>
      %dma_start3A_78 = tpu.memref_squeeze %dma_start3A_77 : memref<1x256x64xf32, #tpu.memory_space<hbm>> -> memref<256x64xf32, #tpu.memory_space<hbm>>
      %dma_start3A_79 = arith.constant 0 : i32
      %dma_start3A_80 = tpu.memref_slice %arg10[%arg0, %add3A_69, %dma_start3A_79] : memref<2x10240x64xf32, #tpu.memory_space<hbm>> -> memref<1x256x64xf32, #tpu.memory_space<hbm>>
      %dma_start3A_81 = tpu.memref_squeeze %dma_start3A_80 : memref<1x256x64xf32, #tpu.memory_space<hbm>> -> memref<256x64xf32, #tpu.memory_space<hbm>>
      %dma_start3A_82 = arith.constant 0 : i32
      %dma_start3A_83 = arith.constant 0 : i32
      %dma_start3A_84 = tpu.memref_slice %arg13[%dma_start3A_82, %dma_start3A_83] : memref<256x64xf32, #tpu.memory_space<vmem>> -> memref<256x64xf32, #tpu.memory_space<vmem>>
      tpu.enqueue_dma source(%dma_start3A_84 : memref<256x64xf32, #tpu.memory_space<vmem>>) target(%dma_start3A_81 : memref<256x64xf32, #tpu.memory_space<hbm>>) target_semaphore(%run_scoped3A : memref<!tpu.dma_semaphore, #tpu.memory_space<semaphore_mem>>)
      %dma_wait3A = arith.constant 0 : i32
      %dma_wait3A_85 = arith.constant 0 : i32
      %dma_wait3A_86 = tpu.memref_slice %arg13[%dma_wait3A, %dma_wait3A_85] : memref<256x64xf32, #tpu.memory_space<vmem>> -> memref<256x64xf32, #tpu.memory_space<vmem>>
      %dma_wait3A_87 = arith.constant 0 : i32
      %dma_wait3A_88 = tpu.memref_slice %arg10[%arg0, %add3A_69, %dma_wait3A_87] : memref<2x10240x64xf32, #tpu.memory_space<hbm>> -> memref<1x256x64xf32, #tpu.memory_space<hbm>>
      %dma_wait3A_89 = tpu.memref_squeeze %dma_wait3A_88 : memref<1x256x64xf32, #tpu.memory_space<hbm>> -> memref<256x64xf32, #tpu.memory_space<hbm>>
      %dma_wait3A_90 = arith.constant 0 : i32
      %dma_wait3A_91 = tpu.memref_slice %arg10[%arg0, %add3A_69, %dma_wait3A_90] : memref<2x10240x64xf32, #tpu.memory_space<hbm>> -> memref<1x256x64xf32, #tpu.memory_space<hbm>>
      %dma_wait3A_92 = tpu.memref_squeeze %dma_wait3A_91 : memref<1x256x64xf32, #tpu.memory_space<hbm>> -> memref<256x64xf32, #tpu.memory_space<hbm>>
      %dma_wait3A_93 = arith.constant 0 : i32
      %dma_wait3A_94 = arith.constant 0 : i32
      %dma_wait3A_95 = tpu.memref_slice %arg13[%dma_wait3A_93, %dma_wait3A_94] : memref<256x64xf32, #tpu.memory_space<vmem>> -> memref<256x64xf32, #tpu.memory_space<vmem>>
      tpu.wait_dma2 semaphore(%run_scoped3A : memref<!tpu.dma_semaphore, #tpu.memory_space<semaphore_mem>>) src(%dma_wait3A_95 : memref<256x64xf32, #tpu.memory_space<vmem>>) dst(%dma_wait3A_92 : memref<256x64xf32, #tpu.memory_space<hbm>>)
      tpu.yield
    }) : () -> ()
    %add3A_70 = arith.constant 512 : i32
    %add3A_71 = arith.addi %mul3A_12, %add3A_70 : i32
    "tpu.region"() ({
      %run_scoped3A = tpu.sem_alloc : memref<!tpu.dma_semaphore, #tpu.memory_space<semaphore_mem>>
      %dma_start3A = arith.constant 0 : i32
      %dma_start3A_74 = arith.constant 0 : i32
      %dma_start3A_75 = tpu.memref_slice %arg13[%dma_start3A, %dma_start3A_74] : memref<256x64xf32, #tpu.memory_space<vmem>> -> memref<128x64xf32, #tpu.memory_space<vmem>>
      %dma_start3A_76 = arith.constant 0 : i32
      %dma_start3A_77 = tpu.memref_slice %arg20[%add3A_71, %dma_start3A_76] : memref<10240x64xf32, #tpu.memory_space<vmem_shared>> -> memref<128x64xf32, #tpu.memory_space<vmem_shared>>
      %dma_start3A_78 = arith.constant 0 : i32
      %dma_start3A_79 = arith.constant 0 : i32
      %dma_start3A_80 = tpu.memref_slice %arg13[%dma_start3A_78, %dma_start3A_79] : memref<256x64xf32, #tpu.memory_space<vmem>> -> memref<128x64xf32, #tpu.memory_space<vmem>>
      %dma_start3A_81 = arith.constant 0 : i32
      %dma_start3A_82 = tpu.memref_slice %arg20[%add3A_71, %dma_start3A_81] : memref<10240x64xf32, #tpu.memory_space<vmem_shared>> -> memref<128x64xf32, #tpu.memory_space<vmem_shared>>
      tpu.enqueue_dma source(%dma_start3A_82 : memref<128x64xf32, #tpu.memory_space<vmem_shared>>) target(%dma_start3A_80 : memref<128x64xf32, #tpu.memory_space<vmem>>) target_semaphore(%run_scoped3A : memref<!tpu.dma_semaphore, #tpu.memory_space<semaphore_mem>>)
      %dma_wait3A = arith.constant 0 : i32
      %dma_wait3A_83 = arith.constant 0 : i32
      %dma_wait3A_84 = tpu.memref_slice %arg13[%dma_wait3A, %dma_wait3A_83] : memref<256x64xf32, #tpu.memory_space<vmem>> -> memref<128x64xf32, #tpu.memory_space<vmem>>
      %dma_wait3A_85 = arith.constant 0 : i32
      %dma_wait3A_86 = tpu.memref_slice %arg20[%add3A_71, %dma_wait3A_85] : memref<10240x64xf32, #tpu.memory_space<vmem_shared>> -> memref<128x64xf32, #tpu.memory_space<vmem_shared>>
      %dma_wait3A_87 = arith.constant 0 : i32
      %dma_wait3A_88 = arith.constant 0 : i32
      %dma_wait3A_89 = tpu.memref_slice %arg13[%dma_wait3A_87, %dma_wait3A_88] : memref<256x64xf32, #tpu.memory_space<vmem>> -> memref<128x64xf32, #tpu.memory_space<vmem>>
      %dma_wait3A_90 = arith.constant 0 : i32
      %dma_wait3A_91 = tpu.memref_slice %arg20[%add3A_71, %dma_wait3A_90] : memref<10240x64xf32, #tpu.memory_space<vmem_shared>> -> memref<128x64xf32, #tpu.memory_space<vmem_shared>>
      tpu.wait_dma2 semaphore(%run_scoped3A : memref<!tpu.dma_semaphore, #tpu.memory_space<semaphore_mem>>) src(%dma_wait3A_91 : memref<128x64xf32, #tpu.memory_space<vmem_shared>>) dst(%dma_wait3A_89 : memref<128x64xf32, #tpu.memory_space<vmem>>)
      tpu.yield
    }) : () -> ()
    %add3A_72 = arith.constant 512 : i32
    %add3A_73 = arith.addi %mul3A_12, %add3A_72 : i32
    "tpu.region"() ({
      %run_scoped3A = tpu.sem_alloc : memref<!tpu.dma_semaphore, #tpu.memory_space<semaphore_mem>>
      %dma_start3A = arith.constant 0 : i32
      %dma_start3A_74 = arith.constant 0 : i32
      %dma_start3A_75 = tpu.memref_slice %arg13[%dma_start3A, %dma_start3A_74] : memref<256x64xf32, #tpu.memory_space<vmem>> -> memref<128x64xf32, #tpu.memory_space<vmem>>
      %dma_start3A_76 = arith.constant 0 : i32
      %dma_start3A_77 = tpu.memref_slice %arg10[%arg0, %add3A_73, %dma_start3A_76] : memref<2x10240x64xf32, #tpu.memory_space<hbm>> -> memref<1x128x64xf32, #tpu.memory_space<hbm>>
      %dma_start3A_78 = tpu.memref_squeeze %dma_start3A_77 : memref<1x128x64xf32, #tpu.memory_space<hbm>> -> memref<128x64xf32, #tpu.memory_space<hbm>>
      %dma_start3A_79 = arith.constant 0 : i32
      %dma_start3A_80 = tpu.memref_slice %arg10[%arg0, %add3A_73, %dma_start3A_79] : memref<2x10240x64xf32, #tpu.memory_space<hbm>> -> memref<1x128x64xf32, #tpu.memory_space<hbm>>
      %dma_start3A_81 = tpu.memref_squeeze %dma_start3A_80 : memref<1x128x64xf32, #tpu.memory_space<hbm>> -> memref<128x64xf32, #tpu.memory_space<hbm>>
      %dma_start3A_82 = arith.constant 0 : i32
      %dma_start3A_83 = arith.constant 0 : i32
      %dma_start3A_84 = tpu.memref_slice %arg13[%dma_start3A_82, %dma_start3A_83] : memref<256x64xf32, #tpu.memory_space<vmem>> -> memref<128x64xf32, #tpu.memory_space<vmem>>
      tpu.enqueue_dma source(%dma_start3A_84 : memref<128x64xf32, #tpu.memory_space<vmem>>) target(%dma_start3A_81 : memref<128x64xf32, #tpu.memory_space<hbm>>) target_semaphore(%run_scoped3A : memref<!tpu.dma_semaphore, #tpu.memory_space<semaphore_mem>>)
      %dma_wait3A = arith.constant 0 : i32
      %dma_wait3A_85 = arith.constant 0 : i32
      %dma_wait3A_86 = tpu.memref_slice %arg13[%dma_wait3A, %dma_wait3A_85] : memref<256x64xf32, #tpu.memory_space<vmem>> -> memref<128x64xf32, #tpu.memory_space<vmem>>
      %dma_wait3A_87 = arith.constant 0 : i32
      %dma_wait3A_88 = tpu.memref_slice %arg10[%arg0, %add3A_73, %dma_wait3A_87] : memref<2x10240x64xf32, #tpu.memory_space<hbm>> -> memref<1x128x64xf32, #tpu.memory_space<hbm>>
      %dma_wait3A_89 = tpu.memref_squeeze %dma_wait3A_88 : memref<1x128x64xf32, #tpu.memory_space<hbm>> -> memref<128x64xf32, #tpu.memory_space<hbm>>
      %dma_wait3A_90 = arith.constant 0 : i32
      %dma_wait3A_91 = tpu.memref_slice %arg10[%arg0, %add3A_73, %dma_wait3A_90] : memref<2x10240x64xf32, #tpu.memory_space<hbm>> -> memref<1x128x64xf32, #tpu.memory_space<hbm>>
      %dma_wait3A_92 = tpu.memref_squeeze %dma_wait3A_91 : memref<1x128x64xf32, #tpu.memory_space<hbm>> -> memref<128x64xf32, #tpu.memory_space<hbm>>
      %dma_wait3A_93 = arith.constant 0 : i32
      %dma_wait3A_94 = arith.constant 0 : i32
      %dma_wait3A_95 = tpu.memref_slice %arg13[%dma_wait3A_93, %dma_wait3A_94] : memref<256x64xf32, #tpu.memory_space<vmem>> -> memref<128x64xf32, #tpu.memory_space<vmem>>
      tpu.wait_dma2 semaphore(%run_scoped3A : memref<!tpu.dma_semaphore, #tpu.memory_space<semaphore_mem>>) src(%dma_wait3A_95 : memref<128x64xf32, #tpu.memory_space<vmem>>) dst(%dma_wait3A_92 : memref<128x64xf32, #tpu.memory_space<hbm>>)
      tpu.yield
    }) : () -> ()
    return
  }
}

#map = affine_map<(d0, d1) -> (0, 0)>
#map1 = affine_map<(d0, d1) -> (0)>
module attributes {stable_mosaic.version = 14 : i64} {
  func.func @_passB_body(%arg0: i32, %arg1: i32, %arg2: memref<163840x16xf32, #tpu.memory_space<hbm>>, %arg3: memref<163840x16xf32, #tpu.memory_space<hbm>>, %arg4: memref<10240x16xf32, #tpu.memory_space<hbm>>, %arg5: memref<163840xi32, #tpu.memory_space<hbm>>, %arg6: memref<655360xf32, #tpu.memory_space<hbm>>, %arg7: memref<256xi32, #tpu.memory_space<vmem>>, %arg8: memref<256x16xf32, #tpu.memory_space<vmem>>, %arg9: memref<256x16xf32, #tpu.memory_space<vmem>>, %arg10: memref<256x16xf32, #tpu.memory_space<vmem>>, %arg11: memref<1024xf32, #tpu.memory_space<vmem>>, %arg12: memref<!tpu.dma_semaphore, #tpu.memory_space<semaphore_mem>>, %arg13: memref<!tpu.dma_semaphore, #tpu.memory_space<semaphore_mem>>, %arg14: memref<!tpu.dma_semaphore, #tpu.memory_space<semaphore_mem>>, %arg15: memref<!tpu.dma_semaphore, #tpu.memory_space<semaphore_mem>>) attributes {dimension_semantics = [#tpu.dimension_semantics<core_parallel>, #tpu.dimension_semantics<subcore_parallel>], iteration_bounds = array<i64: 2, 16>, scalar_prefetch = 0 : i64, scratch_operands = 9 : i64, tpu.core_type = #tpu.core_type<sc_vector_subcore>, window_params = [{transform_indices = #map}, {transform_indices = #map}, {transform_indices = #map}, {transform_indices = #map1}, {transform_indices = #map1}]} {
    %mul3A = arith.constant 16 : i32
    %mul3A_0 = arith.muli %arg0, %mul3A : i32
    %add3A = arith.addi %mul3A_0, %arg1 : i32
    %iota3A = tpu.iota {dimensions = array<i32: 0>} : vector<16xi32>
    %sub3A = arith.constant 0 : i32
    %sub3A_1 = vector.broadcast %sub3A : i32 to vector<16xi32>
    %sub3A_2 = arith.subi %iota3A, %sub3A_1 : vector<16xi32>
    %and3A = arith.constant 15 : i32
    %and3A_3 = vector.broadcast %and3A : i32 to vector<16xi32>
    %and3A_4 = arith.andi %sub3A_2, %and3A_3 : vector<16xi32>
    %sub3A_5 = arith.constant 4 : i32
    %sub3A_6 = vector.broadcast %sub3A_5 : i32 to vector<16xi32>
    %sub3A_7 = arith.subi %iota3A, %sub3A_6 : vector<16xi32>
    %and3A_8 = arith.constant 15 : i32
    %and3A_9 = vector.broadcast %and3A_8 : i32 to vector<16xi32>
    %and3A_10 = arith.andi %sub3A_7, %and3A_9 : vector<16xi32>
    %sub3A_11 = arith.constant 8 : i32
    %sub3A_12 = vector.broadcast %sub3A_11 : i32 to vector<16xi32>
    %sub3A_13 = arith.subi %iota3A, %sub3A_12 : vector<16xi32>
    %and3A_14 = arith.constant 15 : i32
    %and3A_15 = vector.broadcast %and3A_14 : i32 to vector<16xi32>
    %and3A_16 = arith.andi %sub3A_13, %and3A_15 : vector<16xi32>
    %sub3A_17 = arith.constant 12 : i32
    %sub3A_18 = vector.broadcast %sub3A_17 : i32 to vector<16xi32>
    %sub3A_19 = arith.subi %iota3A, %sub3A_18 : vector<16xi32>
    %and3A_20 = arith.constant 15 : i32
    %and3A_21 = vector.broadcast %and3A_20 : i32 to vector<16xi32>
    %and3A_22 = arith.andi %sub3A_19, %and3A_21 : vector<16xi32>
    %scan3A = arith.constant 0 : i32
    %scan3A_23 = arith.constant 20 : i32
    %scan3A_24 = arith.addi %scan3A, %scan3A_23 : i32
    %scan3A_25 = arith.constant 1 : i32
    scf.for %scan3A_27 = %scan3A to %scan3A_24 step %scan3A_25  : i32 {
      %mul3A_28 = arith.constant 1 : i32
      %mul3A_29 = arith.muli %scan3A_27, %mul3A_28 : i32
      %add3A_30 = arith.constant 0 : i32
      %add3A_31 = arith.addi %add3A_30, %mul3A_29 : i32
      %mul3A_32 = arith.constant 5120 : i32
      %mul3A_33 = arith.muli %add3A, %mul3A_32 : i32
      %mul3A_34 = arith.constant 256 : i32
      %mul3A_35 = arith.muli %add3A_31, %mul3A_34 : i32
      %add3A_36 = arith.addi %mul3A_33, %mul3A_35 : i32
      %dma_start3A = tpu.memref_slice %arg5[%add3A_36] : memref<163840xi32, #tpu.memory_space<hbm>> -> memref<256xi32, #tpu.memory_space<hbm>>
      %dma_start3A_37 = tpu.memref_slice %arg5[%add3A_36] : memref<163840xi32, #tpu.memory_space<hbm>> -> memref<256xi32, #tpu.memory_space<hbm>>
      tpu.enqueue_dma source(%dma_start3A_37 : memref<256xi32, #tpu.memory_space<hbm>>) target(%arg7 : memref<256xi32, #tpu.memory_space<vmem>>) target_semaphore(%arg12 : memref<!tpu.dma_semaphore, #tpu.memory_space<semaphore_mem>>)
      %dma_start3A_38 = arith.constant 0 : i32
      %dma_start3A_39 = tpu.memref_slice %arg2[%add3A_36, %dma_start3A_38] : memref<163840x16xf32, #tpu.memory_space<hbm>> -> memref<256x16xf32, #tpu.memory_space<hbm>>
      %dma_start3A_40 = arith.constant 0 : i32
      %dma_start3A_41 = tpu.memref_slice %arg2[%add3A_36, %dma_start3A_40] : memref<163840x16xf32, #tpu.memory_space<hbm>> -> memref<256x16xf32, #tpu.memory_space<hbm>>
      tpu.enqueue_dma source(%dma_start3A_41 : memref<256x16xf32, #tpu.memory_space<hbm>>) target(%arg8 : memref<256x16xf32, #tpu.memory_space<vmem>>) target_semaphore(%arg13 : memref<!tpu.dma_semaphore, #tpu.memory_space<semaphore_mem>>)
      %dma_start3A_42 = arith.constant 0 : i32
      %dma_start3A_43 = tpu.memref_slice %arg3[%add3A_36, %dma_start3A_42] : memref<163840x16xf32, #tpu.memory_space<hbm>> -> memref<256x16xf32, #tpu.memory_space<hbm>>
      %dma_start3A_44 = arith.constant 0 : i32
      %dma_start3A_45 = tpu.memref_slice %arg3[%add3A_36, %dma_start3A_44] : memref<163840x16xf32, #tpu.memory_space<hbm>> -> memref<256x16xf32, #tpu.memory_space<hbm>>
      tpu.enqueue_dma source(%dma_start3A_45 : memref<256x16xf32, #tpu.memory_space<hbm>>) target(%arg9 : memref<256x16xf32, #tpu.memory_space<vmem>>) target_semaphore(%arg14 : memref<!tpu.dma_semaphore, #tpu.memory_space<semaphore_mem>>)
      %dma_wait3A = tpu.memref_slice %arg5[%add3A_36] : memref<163840xi32, #tpu.memory_space<hbm>> -> memref<256xi32, #tpu.memory_space<hbm>>
      %dma_wait3A_46 = tpu.memref_slice %arg5[%add3A_36] : memref<163840xi32, #tpu.memory_space<hbm>> -> memref<256xi32, #tpu.memory_space<hbm>>
      tpu.wait_dma2 semaphore(%arg12 : memref<!tpu.dma_semaphore, #tpu.memory_space<semaphore_mem>>) src(%dma_wait3A_46 : memref<256xi32, #tpu.memory_space<hbm>>) dst(%arg7 : memref<256xi32, #tpu.memory_space<vmem>>)
      %dma_start3A_47 = arith.constant 0 : i32
      %dma_start3A_48 = arith.constant 0 : i32
      %dma_start3A_49 = tpu.memref_slice %arg4[%dma_start3A_47, %dma_start3A_48] : memref<10240x16xf32, #tpu.memory_space<hbm>> -> memref<10240x16xf32, #tpu.memory_space<hbm>>
      tpu.enqueue_indirect_dma source(%dma_start3A_49 : memref<10240x16xf32, #tpu.memory_space<hbm>>) target(%arg10 : memref<256x16xf32, #tpu.memory_space<vmem>>) offsets(%arg7 : memref<256xi32, #tpu.memory_space<vmem>>) semaphore(%arg15 : memref<!tpu.dma_semaphore, #tpu.memory_space<semaphore_mem>>)
      %dma_wait3A_50 = arith.constant 0 : i32
      %dma_wait3A_51 = tpu.memref_slice %arg2[%add3A_36, %dma_wait3A_50] : memref<163840x16xf32, #tpu.memory_space<hbm>> -> memref<256x16xf32, #tpu.memory_space<hbm>>
      %dma_wait3A_52 = arith.constant 0 : i32
      %dma_wait3A_53 = tpu.memref_slice %arg2[%add3A_36, %dma_wait3A_52] : memref<163840x16xf32, #tpu.memory_space<hbm>> -> memref<256x16xf32, #tpu.memory_space<hbm>>
      tpu.wait_dma2 semaphore(%arg13 : memref<!tpu.dma_semaphore, #tpu.memory_space<semaphore_mem>>) src(%dma_wait3A_53 : memref<256x16xf32, #tpu.memory_space<hbm>>) dst(%arg8 : memref<256x16xf32, #tpu.memory_space<vmem>>)
      %dma_wait3A_54 = arith.constant 0 : i32
      %dma_wait3A_55 = tpu.memref_slice %arg3[%add3A_36, %dma_wait3A_54] : memref<163840x16xf32, #tpu.memory_space<hbm>> -> memref<256x16xf32, #tpu.memory_space<hbm>>
      %dma_wait3A_56 = arith.constant 0 : i32
      %dma_wait3A_57 = tpu.memref_slice %arg3[%add3A_36, %dma_wait3A_56] : memref<163840x16xf32, #tpu.memory_space<hbm>> -> memref<256x16xf32, #tpu.memory_space<hbm>>
      tpu.wait_dma2 semaphore(%arg14 : memref<!tpu.dma_semaphore, #tpu.memory_space<semaphore_mem>>) src(%dma_wait3A_57 : memref<256x16xf32, #tpu.memory_space<hbm>>) dst(%arg9 : memref<256x16xf32, #tpu.memory_space<vmem>>)
      %dma_wait3A_58 = arith.constant 0 : i32
      %dma_wait3A_59 = arith.constant 0 : i32
      %dma_wait3A_60 = tpu.memref_slice %arg4[%dma_wait3A_58, %dma_wait3A_59] : memref<10240x16xf32, #tpu.memory_space<hbm>> -> memref<10240x16xf32, #tpu.memory_space<hbm>>
      tpu.wait_indirect_dma semaphore(%arg15 : memref<!tpu.dma_semaphore, #tpu.memory_space<semaphore_mem>>) src(%dma_wait3A_60 : memref<10240x16xf32, #tpu.memory_space<hbm>>) dst(%arg10 : memref<256x16xf32, #tpu.memory_space<vmem>>)
      %scan3A_61 = arith.constant 0 : i32
      %scan3A_62 = arith.constant 64 : i32
      %scan3A_63 = arith.addi %scan3A_61, %scan3A_62 : i32
      %scan3A_64 = arith.constant 1 : i32
      scf.for %scan3A_68 = %scan3A_61 to %scan3A_63 step %scan3A_64  : i32 {
        %mul3A_69 = arith.constant 1 : i32
        %mul3A_70 = arith.muli %scan3A_68, %mul3A_69 : i32
        %add3A_71 = arith.constant 0 : i32
        %add3A_72 = arith.addi %add3A_71, %mul3A_70 : i32
        %broadcast_in_dim3A = arith.constant 0.000000e+00 : f32
        %broadcast_in_dim3A_73 = vector.broadcast %broadcast_in_dim3A : f32 to vector<16xf32>
        %mul3A_74 = arith.constant 4 : i32
        %mul3A_75 = arith.muli %add3A_72, %mul3A_74 : i32
        %add3A_76 = arith.constant 0 : i32
        %add3A_77 = arith.addi %mul3A_75, %add3A_76 : i32
        %get3A = arith.index_cast %add3A_77 : i32 to index
        %get3A_78 = arith.constant 0 : index
        %get3A_79 = tpu.vector_load %arg8[%get3A, %get3A_78] {strides = array<i32>} : memref<256x16xf32, #tpu.memory_space<vmem>>, vector<1x16xf32>,
        %get3A_80 = vector.shape_cast %get3A_79 : vector<1x16xf32> to vector<16xf32>
        %get3A_81 = arith.index_cast %add3A_77 : i32 to index
        %get3A_82 = arith.constant 0 : index
        %get3A_83 = tpu.vector_load %arg9[%get3A_81, %get3A_82] {strides = array<i32>} : memref<256x16xf32, #tpu.memory_space<vmem>>, vector<1x16xf32>,
        %get3A_84 = vector.shape_cast %get3A_83 : vector<1x16xf32> to vector<16xf32>
        %add3A_85 = arith.addf %get3A_80, %get3A_84 : vector<16xf32>
        %get3A_86 = arith.index_cast %add3A_77 : i32 to index
        %get3A_87 = arith.constant 0 : index
        %get3A_88 = tpu.vector_load %arg10[%get3A_86, %get3A_87] {strides = array<i32>} : memref<256x16xf32, #tpu.memory_space<vmem>>, vector<1x16xf32>,
        %get3A_89 = vector.shape_cast %get3A_88 : vector<1x16xf32> to vector<16xf32>
        %add3A_90 = arith.constant 1.000000e-16 : f32
        %add3A_91 = vector.broadcast %add3A_90 : f32 to vector<16xf32>
        %add3A_92 = arith.addf %get3A_89, %add3A_91 : vector<16xf32>
        %div3A = arith.divf %add3A_85, %add3A_92 : vector<16xf32>
        %broadcast_in_dim3A_93 = vector.shape_cast %and3A_4 : vector<16xi32> to vector<16x1xi32>
        %gather3A = vector.shape_cast %broadcast_in_dim3A_93 : vector<16x1xi32> to vector<16xi32>
        %gather3A_94 = tpu.dynamic_gather %div3A[%gather3A] in [0] : vector<16xf32>, vector<16xi32> -> vector<16xf32>
        %add3A_95 = arith.addf %broadcast_in_dim3A_73, %gather3A_94 : vector<16xf32>
        %mul3A_96 = arith.constant 4 : i32
        %mul3A_97 = arith.muli %add3A_72, %mul3A_96 : i32
        %add3A_98 = arith.constant 1 : i32
        %add3A_99 = arith.addi %mul3A_97, %add3A_98 : i32
        %get3A_100 = arith.index_cast %add3A_99 : i32 to index
        %get3A_101 = arith.constant 0 : index
        %get3A_102 = tpu.vector_load %arg8[%get3A_100, %get3A_101] {strides = array<i32>} : memref<256x16xf32, #tpu.memory_space<vmem>>, vector<1x16xf32>,
        %get3A_103 = vector.shape_cast %get3A_102 : vector<1x16xf32> to vector<16xf32>
        %get3A_104 = arith.index_cast %add3A_99 : i32 to index
        %get3A_105 = arith.constant 0 : index
        %get3A_106 = tpu.vector_load %arg9[%get3A_104, %get3A_105] {strides = array<i32>} : memref<256x16xf32, #tpu.memory_space<vmem>>, vector<1x16xf32>,
        %get3A_107 = vector.shape_cast %get3A_106 : vector<1x16xf32> to vector<16xf32>
        %add3A_108 = arith.addf %get3A_103, %get3A_107 : vector<16xf32>
        %get3A_109 = arith.index_cast %add3A_99 : i32 to index
        %get3A_110 = arith.constant 0 : index
        %get3A_111 = tpu.vector_load %arg10[%get3A_109, %get3A_110] {strides = array<i32>} : memref<256x16xf32, #tpu.memory_space<vmem>>, vector<1x16xf32>,
        %get3A_112 = vector.shape_cast %get3A_111 : vector<1x16xf32> to vector<16xf32>
        %add3A_113 = arith.constant 1.000000e-16 : f32
        %add3A_114 = vector.broadcast %add3A_113 : f32 to vector<16xf32>
        %add3A_115 = arith.addf %get3A_112, %add3A_114 : vector<16xf32>
        %div3A_116 = arith.divf %add3A_108, %add3A_115 : vector<16xf32>
        %broadcast_in_dim3A_117 = vector.shape_cast %and3A_10 : vector<16xi32> to vector<16x1xi32>
        %gather3A_118 = vector.shape_cast %broadcast_in_dim3A_117 : vector<16x1xi32> to vector<16xi32>
        %gather3A_119 = tpu.dynamic_gather %div3A_116[%gather3A_118] in [0] : vector<16xf32>, vector<16xi32> -> vector<16xf32>
        %add3A_120 = arith.addf %add3A_95, %gather3A_119 : vector<16xf32>
        %mul3A_121 = arith.constant 4 : i32
        %mul3A_122 = arith.muli %add3A_72, %mul3A_121 : i32
        %add3A_123 = arith.constant 2 : i32
        %add3A_124 = arith.addi %mul3A_122, %add3A_123 : i32
        %get3A_125 = arith.index_cast %add3A_124 : i32 to index
        %get3A_126 = arith.constant 0 : index
        %get3A_127 = tpu.vector_load %arg8[%get3A_125, %get3A_126] {strides = array<i32>} : memref<256x16xf32, #tpu.memory_space<vmem>>, vector<1x16xf32>,
        %get3A_128 = vector.shape_cast %get3A_127 : vector<1x16xf32> to vector<16xf32>
        %get3A_129 = arith.index_cast %add3A_124 : i32 to index
        %get3A_130 = arith.constant 0 : index
        %get3A_131 = tpu.vector_load %arg9[%get3A_129, %get3A_130] {strides = array<i32>} : memref<256x16xf32, #tpu.memory_space<vmem>>, vector<1x16xf32>,
        %get3A_132 = vector.shape_cast %get3A_131 : vector<1x16xf32> to vector<16xf32>
        %add3A_133 = arith.addf %get3A_128, %get3A_132 : vector<16xf32>
        %get3A_134 = arith.index_cast %add3A_124 : i32 to index
        %get3A_135 = arith.constant 0 : index
        %get3A_136 = tpu.vector_load %arg10[%get3A_134, %get3A_135] {strides = array<i32>} : memref<256x16xf32, #tpu.memory_space<vmem>>, vector<1x16xf32>,
        %get3A_137 = vector.shape_cast %get3A_136 : vector<1x16xf32> to vector<16xf32>
        %add3A_138 = arith.constant 1.000000e-16 : f32
        %add3A_139 = vector.broadcast %add3A_138 : f32 to vector<16xf32>
        %add3A_140 = arith.addf %get3A_137, %add3A_139 : vector<16xf32>
        %div3A_141 = arith.divf %add3A_133, %add3A_140 : vector<16xf32>
        %broadcast_in_dim3A_142 = vector.shape_cast %and3A_16 : vector<16xi32> to vector<16x1xi32>
        %gather3A_143 = vector.shape_cast %broadcast_in_dim3A_142 : vector<16x1xi32> to vector<16xi32>
        %gather3A_144 = tpu.dynamic_gather %div3A_141[%gather3A_143] in [0] : vector<16xf32>, vector<16xi32> -> vector<16xf32>
        %add3A_145 = arith.addf %add3A_120, %gather3A_144 : vector<16xf32>
        %mul3A_146 = arith.constant 4 : i32
        %mul3A_147 = arith.muli %add3A_72, %mul3A_146 : i32
        %add3A_148 = arith.constant 3 : i32
        %add3A_149 = arith.addi %mul3A_147, %add3A_148 : i32
        %get3A_150 = arith.index_cast %add3A_149 : i32 to index
        %get3A_151 = arith.constant 0 : index
        %get3A_152 = tpu.vector_load %arg8[%get3A_150, %get3A_151] {strides = array<i32>} : memref<256x16xf32, #tpu.memory_space<vmem>>, vector<1x16xf32>,
        %get3A_153 = vector.shape_cast %get3A_152 : vector<1x16xf32> to vector<16xf32>
        %get3A_154 = arith.index_cast %add3A_149 : i32 to index
        %get3A_155 = arith.constant 0 : index
        %get3A_156 = tpu.vector_load %arg9[%get3A_154, %get3A_155] {strides = array<i32>} : memref<256x16xf32, #tpu.memory_space<vmem>>, vector<1x16xf32>,
        %get3A_157 = vector.shape_cast %get3A_156 : vector<1x16xf32> to vector<16xf32>
        %add3A_158 = arith.addf %get3A_153, %get3A_157 : vector<16xf32>
        %get3A_159 = arith.index_cast %add3A_149 : i32 to index
        %get3A_160 = arith.constant 0 : index
        %get3A_161 = tpu.vector_load %arg10[%get3A_159, %get3A_160] {strides = array<i32>} : memref<256x16xf32, #tpu.memory_space<vmem>>, vector<1x16xf32>,
        %get3A_162 = vector.shape_cast %get3A_161 : vector<1x16xf32> to vector<16xf32>
        %add3A_163 = arith.constant 1.000000e-16 : f32
        %add3A_164 = vector.broadcast %add3A_163 : f32 to vector<16xf32>
        %add3A_165 = arith.addf %get3A_162, %add3A_164 : vector<16xf32>
        %div3A_166 = arith.divf %add3A_158, %add3A_165 : vector<16xf32>
        %broadcast_in_dim3A_167 = vector.shape_cast %and3A_22 : vector<16xi32> to vector<16x1xi32>
        %gather3A_168 = vector.shape_cast %broadcast_in_dim3A_167 : vector<16x1xi32> to vector<16xi32>
        %gather3A_169 = tpu.dynamic_gather %div3A_166[%gather3A_168] in [0] : vector<16xf32>, vector<16xi32> -> vector<16xf32>
        %add3A_170 = arith.addf %add3A_145, %gather3A_169 : vector<16xf32>
        %mul3A_171 = arith.constant 16 : i32
        %mul3A_172 = arith.muli %add3A_72, %mul3A_171 : i32
        %swap3A = arith.index_cast %mul3A_172 : i32 to index
        %swap3A_173 = tpu.vector_load %arg11[%swap3A] {strides = array<i32>} : memref<1024xf32, #tpu.memory_space<vmem>>, vector<16xf32>,
        %swap3A_174 = vector.shape_cast %swap3A_173 : vector<16xf32> to vector<16xf32>
        %swap3A_175 = vector.shape_cast %add3A_170 : vector<16xf32> to vector<16xf32>
        tpu.vector_store %arg11[%swap3A], %swap3A_175 {strides = array<i32>} : memref<1024xf32, #tpu.memory_space<vmem>>, vector<16xf32>,
      }
      %scan3A_65 = arith.constant 64 : i32
      %mul3A_66 = arith.constant 4 : i32
      %mul3A_67 = arith.muli %add3A_36, %mul3A_66 : i32
      "tpu.region"() ({
        %run_scoped3A = tpu.sem_alloc : memref<!tpu.dma_semaphore, #tpu.memory_space<semaphore_mem>>
        %dma_start3A_68 = tpu.memref_slice %arg6[%mul3A_67] : memref<655360xf32, #tpu.memory_space<hbm>> -> memref<1024xf32, #tpu.memory_space<hbm>>
        %dma_start3A_69 = tpu.memref_slice %arg6[%mul3A_67] : memref<655360xf32, #tpu.memory_space<hbm>> -> memref<1024xf32, #tpu.memory_space<hbm>>
        tpu.enqueue_dma source(%arg11 : memref<1024xf32, #tpu.memory_space<vmem>>) target(%dma_start3A_69 : memref<1024xf32, #tpu.memory_space<hbm>>) target_semaphore(%run_scoped3A : memref<!tpu.dma_semaphore, #tpu.memory_space<semaphore_mem>>)
        %dma_wait3A_70 = tpu.memref_slice %arg6[%mul3A_67] : memref<655360xf32, #tpu.memory_space<hbm>> -> memref<1024xf32, #tpu.memory_space<hbm>>
        %dma_wait3A_71 = tpu.memref_slice %arg6[%mul3A_67] : memref<655360xf32, #tpu.memory_space<hbm>> -> memref<1024xf32, #tpu.memory_space<hbm>>
        tpu.wait_dma2 semaphore(%run_scoped3A : memref<!tpu.dma_semaphore, #tpu.memory_space<semaphore_mem>>) src(%arg11 : memref<1024xf32, #tpu.memory_space<vmem>>) dst(%dma_wait3A_71 : memref<1024xf32, #tpu.memory_space<hbm>>)
        tpu.yield
      }) : () -> ()
    }
    %scan3A_26 = arith.constant 20 : i32
    return
  }
}

module attributes {stable_mosaic.version = 14 : i64} {
  func.func @_lin_body(%arg0: i32, %arg1: memref<1000x256xf32, #tpu.memory_space<vmem>>, %arg2: memref<1000x256xf32, #tpu.memory_space<vmem>>, %arg3: memref<1000x256xf32, #tpu.memory_space<vmem>>, %arg4: memref<256x128xf32, #tpu.memory_space<vmem>>, %arg5: memref<256x128xf32, #tpu.memory_space<vmem>>, %arg6: memref<256x128xf32, #tpu.memory_space<vmem>>, %arg7: memref<256x128xf32, #tpu.memory_space<vmem>>, %arg8: memref<256x128xf32, #tpu.memory_space<vmem>>, %arg9: memref<1x128xf32, #tpu.memory_space<vmem>>, %arg10: memref<1x128xf32, #tpu.memory_space<vmem>>, %arg11: memref<1x128xf32, #tpu.memory_space<vmem>>, %arg12: memref<1000x128xf32, #tpu.memory_space<vmem>>, %arg13: memref<1000x128xf32, #tpu.memory_space<vmem>>, %arg14: memref<1000x128xf32, #tpu.memory_space<vmem>>) attributes {dimension_semantics = [#tpu.dimension_semantics<arbitrary>], iteration_bounds = array<i64: 10>, scalar_prefetch = 0 : i64, scratch_operands = 0 : i64, tpu.core_type = #tpu.core_type<tc>, window_params = [{transform_indices = @transform_0, window_bounds = array<i64: 1000, 256>}, {transform_indices = @transform_1, window_bounds = array<i64: 1000, 256>}, {transform_indices = @transform_2, window_bounds = array<i64: 1000, 256>}, {pipeline_mode = #tpu.pipeline_mode<synchronous>, transform_indices = @transform_3, window_bounds = array<i64: 256, 128>}, {pipeline_mode = #tpu.pipeline_mode<synchronous>, transform_indices = @transform_4, window_bounds = array<i64: 256, 128>}, {pipeline_mode = #tpu.pipeline_mode<synchronous>, transform_indices = @transform_5, window_bounds = array<i64: 256, 128>}, {pipeline_mode = #tpu.pipeline_mode<synchronous>, transform_indices = @transform_6, window_bounds = array<i64: 256, 128>}, {pipeline_mode = #tpu.pipeline_mode<synchronous>, transform_indices = @transform_7, window_bounds = array<i64: 256, 128>}, {pipeline_mode = #tpu.pipeline_mode<synchronous>, transform_indices = @transform_8, window_bounds = array<i64: 1, 128>}, {pipeline_mode = #tpu.pipeline_mode<synchronous>, transform_indices = @transform_9, window_bounds = array<i64: 1, 128>}, {pipeline_mode = #tpu.pipeline_mode<synchronous>, transform_indices = @transform_10, window_bounds = array<i64: 1, 128>}, {transform_indices = @transform_11, window_bounds = array<i64: 1000, 128>}, {transform_indices = @transform_12, window_bounds = array<i64: 1000, 128>}, {transform_indices = @transform_13, window_bounds = array<i64: 1000, 128>}]} {
    %get3A = arith.constant 0 : index
    %get3A_0 = arith.constant 0 : index
    %get3A_1 = vector.load %arg1[%get3A, %get3A_0] : memref<1000x256xf32, #tpu.memory_space<vmem>>, vector<1000x256xf32>
    %get3A_2 = arith.constant 0 : index
    %get3A_3 = arith.constant 0 : index
    %get3A_4 = vector.load %arg4[%get3A_2, %get3A_3] : memref<256x128xf32, #tpu.memory_space<vmem>>, vector<256x128xf32>
    %dot_general3A = arith.constant dense<0.000000e+00> : vector<1000x128xf32>
    %dot_general3A_5 = tpu.matmul %get3A_1, %get3A_4, %dot_general3A {dimension_numbers = #tpu.dot_dimension_numbers<[1], [0], [0], [1], [0, 0, 1, 1], [], []>, transpose_lhs_hint = false} : vector<1000x256xf32>, vector<256x128xf32>, vector<1000x128xf32> -> vector<1000x128xf32>
    %get3A_6 = arith.constant 0 : index
    %get3A_7 = arith.constant 0 : index
    %get3A_8 = vector.load %arg9[%get3A_6, %get3A_7] : memref<1x128xf32, #tpu.memory_space<vmem>>, vector<1x128xf32>
    %add3A = vector.broadcast %get3A_8 : vector<1x128xf32> to vector<1000x128xf32>
    %add3A_9 = arith.addf %dot_general3A_5, %add3A : vector<1000x128xf32>
    %swap3A = arith.constant 0 : index
    %swap3A_10 = arith.constant 0 : index
    %swap3A_11 = vector.load %arg12[%swap3A, %swap3A_10] : memref<1000x128xf32, #tpu.memory_space<vmem>>, vector<1000x128xf32>
    tpu.vector_store %arg12[%swap3A, %swap3A_10], %add3A_9 {strides = array<i32>} : memref<1000x128xf32, #tpu.memory_space<vmem>>, vector<1000x128xf32>,
    %get3A_12 = arith.constant 0 : index
    %get3A_13 = arith.constant 0 : index
    %get3A_14 = vector.load %arg5[%get3A_12, %get3A_13] : memref<256x128xf32, #tpu.memory_space<vmem>>, vector<256x128xf32>
    %dot_general3A_15 = arith.constant dense<0.000000e+00> : vector<1000x128xf32>
    %dot_general3A_16 = tpu.matmul %get3A_1, %get3A_14, %dot_general3A_15 {dimension_numbers = #tpu.dot_dimension_numbers<[1], [0], [0], [1], [0, 0, 1, 1], [], []>, transpose_lhs_hint = false} : vector<1000x256xf32>, vector<256x128xf32>, vector<1000x128xf32> -> vector<1000x128xf32>
    %get3A_17 = arith.constant 0 : index
    %get3A_18 = arith.constant 0 : index
    %get3A_19 = vector.load %arg10[%get3A_17, %get3A_18] : memref<1x128xf32, #tpu.memory_space<vmem>>, vector<1x128xf32>
    %add3A_20 = vector.broadcast %get3A_19 : vector<1x128xf32> to vector<1000x128xf32>
    %add3A_21 = arith.addf %dot_general3A_16, %add3A_20 : vector<1000x128xf32>
    %swap3A_22 = arith.constant 0 : index
    %swap3A_23 = arith.constant 0 : index
    %swap3A_24 = vector.load %arg13[%swap3A_22, %swap3A_23] : memref<1000x128xf32, #tpu.memory_space<vmem>>, vector<1000x128xf32>
    tpu.vector_store %arg13[%swap3A_22, %swap3A_23], %add3A_21 {strides = array<i32>} : memref<1000x128xf32, #tpu.memory_space<vmem>>, vector<1000x128xf32>,
    %get3A_25 = arith.constant 0 : index
    %get3A_26 = arith.constant 0 : index
    %get3A_27 = vector.load %arg2[%get3A_25, %get3A_26] : memref<1000x256xf32, #tpu.memory_space<vmem>>, vector<1000x256xf32>
    %get3A_28 = arith.constant 0 : index
    %get3A_29 = arith.constant 0 : index
    %get3A_30 = vector.load %arg6[%get3A_28, %get3A_29] : memref<256x128xf32, #tpu.memory_space<vmem>>, vector<256x128xf32>
    %dot_general3A_31 = arith.constant dense<0.000000e+00> : vector<1000x128xf32>
    %dot_general3A_32 = tpu.matmul %get3A_27, %get3A_30, %dot_general3A_31 {dimension_numbers = #tpu.dot_dimension_numbers<[1], [0], [0], [1], [0, 0, 1, 1], [], []>, transpose_lhs_hint = false} : vector<1000x256xf32>, vector<256x128xf32>, vector<1000x128xf32> -> vector<1000x128xf32>
    %get3A_33 = arith.constant 0 : index
    %get3A_34 = arith.constant 0 : index
    %get3A_35 = vector.load %arg7[%get3A_33, %get3A_34] : memref<256x128xf32, #tpu.memory_space<vmem>>, vector<256x128xf32>
    %dot_general3A_36 = arith.constant dense<0.000000e+00> : vector<1000x128xf32>
    %dot_general3A_37 = tpu.matmul %get3A_1, %get3A_35, %dot_general3A_36 {dimension_numbers = #tpu.dot_dimension_numbers<[1], [0], [0], [1], [0, 0, 1, 1], [], []>, transpose_lhs_hint = false} : vector<1000x256xf32>, vector<256x128xf32>, vector<1000x128xf32> -> vector<1000x128xf32>
    %add3A_38 = arith.addf %dot_general3A_32, %dot_general3A_37 : vector<1000x128xf32>
    %get3A_39 = arith.constant 0 : index
    %get3A_40 = arith.constant 0 : index
    %get3A_41 = vector.load %arg3[%get3A_39, %get3A_40] : memref<1000x256xf32, #tpu.memory_space<vmem>>, vector<1000x256xf32>
    %get3A_42 = arith.constant 0 : index
    %get3A_43 = arith.constant 0 : index
    %get3A_44 = vector.load %arg8[%get3A_42, %get3A_43] : memref<256x128xf32, #tpu.memory_space<vmem>>, vector<256x128xf32>
    %dot_general3A_45 = arith.constant dense<0.000000e+00> : vector<1000x128xf32>
    %dot_general3A_46 = tpu.matmul %get3A_41, %get3A_44, %dot_general3A_45 {dimension_numbers = #tpu.dot_dimension_numbers<[1], [0], [0], [1], [0, 0, 1, 1], [], []>, transpose_lhs_hint = false} : vector<1000x256xf32>, vector<256x128xf32>, vector<1000x128xf32> -> vector<1000x128xf32>
    %add3A_47 = arith.addf %add3A_38, %dot_general3A_46 : vector<1000x128xf32>
    %get3A_48 = arith.constant 0 : index
    %get3A_49 = arith.constant 0 : index
    %get3A_50 = vector.load %arg11[%get3A_48, %get3A_49] : memref<1x128xf32, #tpu.memory_space<vmem>>, vector<1x128xf32>
    %add3A_51 = vector.broadcast %get3A_50 : vector<1x128xf32> to vector<1000x128xf32>
    %add3A_52 = arith.addf %add3A_47, %add3A_51 : vector<1000x128xf32>
    %max3A = arith.constant 0.000000e+00 : f32
    %max3A_53 = vector.broadcast %max3A : f32 to vector<1000x128xf32>
    %max3A_54 = arith.maximumf %add3A_52, %max3A_53 : vector<1000x128xf32>
    %swap3A_55 = arith.constant 0 : index
    %swap3A_56 = arith.constant 0 : index
    %swap3A_57 = vector.load %arg14[%swap3A_55, %swap3A_56] : memref<1000x128xf32, #tpu.memory_space<vmem>>, vector<1000x128xf32>
    tpu.vector_store %arg14[%swap3A_55, %swap3A_56], %max3A_54 {strides = array<i32>} : memref<1000x128xf32, #tpu.memory_space<vmem>>, vector<1000x128xf32>,
    return
  }
  func.func @transform_0(%arg0: i32) -> (i32, i32) {
    %c0_i32 = arith.constant 0 : i32
    %c0_i32_0 = arith.constant 0 : i32
    return %arg0, %c0_i32 : i32, i32
  }
  func.func @transform_1(%arg0: i32) -> (i32, i32) {
    %c0_i32 = arith.constant 0 : i32
    %c0_i32_0 = arith.constant 0 : i32
    return %arg0, %c0_i32 : i32, i32
  }
  func.func @transform_2(%arg0: i32) -> (i32, i32) {
    %c0_i32 = arith.constant 0 : i32
    %c0_i32_0 = arith.constant 0 : i32
    return %arg0, %c0_i32 : i32, i32
  }
  func.func @transform_3(%arg0: i32) -> (i32, i32) {
    %c0_i32 = arith.constant 0 : i32
    %c0_i32_0 = arith.constant 0 : i32
    %c0_i32_1 = arith.constant 0 : i32
    return %c0_i32, %c0_i32_0 : i32, i32
  }
  func.func @transform_4(%arg0: i32) -> (i32, i32) {
    %c0_i32 = arith.constant 0 : i32
    %c0_i32_0 = arith.constant 0 : i32
    %c0_i32_1 = arith.constant 0 : i32
    return %c0_i32, %c0_i32_0 : i32, i32
  }
  func.func @transform_5(%arg0: i32) -> (i32, i32) {
    %c0_i32 = arith.constant 0 : i32
    %c0_i32_0 = arith.constant 0 : i32
    %c0_i32_1 = arith.constant 0 : i32
    return %c0_i32, %c0_i32_0 : i32, i32
  }
  func.func @transform_6(%arg0: i32) -> (i32, i32) {
    %c0_i32 = arith.constant 0 : i32
    %c0_i32_0 = arith.constant 0 : i32
    %c0_i32_1 = arith.constant 0 : i32
    return %c0_i32, %c0_i32_0 : i32, i32
  }
  func.func @transform_7(%arg0: i32) -> (i32, i32) {
    %c0_i32 = arith.constant 0 : i32
    %c0_i32_0 = arith.constant 0 : i32
    %c0_i32_1 = arith.constant 0 : i32
    return %c0_i32, %c0_i32_0 : i32, i32
  }
  func.func @transform_8(%arg0: i32) -> (i32, i32) {
    %c0_i32 = arith.constant 0 : i32
    %c0_i32_0 = arith.constant 0 : i32
    %c0_i32_1 = arith.constant 0 : i32
    return %c0_i32, %c0_i32_0 : i32, i32
  }
  func.func @transform_9(%arg0: i32) -> (i32, i32) {
    %c0_i32 = arith.constant 0 : i32
    %c0_i32_0 = arith.constant 0 : i32
    %c0_i32_1 = arith.constant 0 : i32
    return %c0_i32, %c0_i32_0 : i32, i32
  }
  func.func @transform_10(%arg0: i32) -> (i32, i32) {
    %c0_i32 = arith.constant 0 : i32
    %c0_i32_0 = arith.constant 0 : i32
    %c0_i32_1 = arith.constant 0 : i32
    return %c0_i32, %c0_i32_0 : i32, i32
  }
  func.func @transform_11(%arg0: i32) -> (i32, i32) {
    %c0_i32 = arith.constant 0 : i32
    %c0_i32_0 = arith.constant 0 : i32
    return %arg0, %c0_i32 : i32, i32
  }
  func.func @transform_12(%arg0: i32) -> (i32, i32) {
    %c0_i32 = arith.constant 0 : i32
    %c0_i32_0 = arith.constant 0 : i32
    return %arg0, %c0_i32 : i32, i32
  }
  func.func @transform_13(%arg0: i32) -> (i32, i32) {
    %c0_i32 = arith.constant 0 : i32
    %c0_i32_0 = arith.constant 0 : i32
    return %arg0, %c0_i32 : i32, i32
  }
}

module attributes {stable_mosaic.version = 14 : i64} {
  func.func @_e_body(%arg0: i32, %arg1: memref<4096x16xf32, #tpu.memory_space<vmem>>, %arg2: memref<16x128xf32, #tpu.memory_space<vmem>>, %arg3: memref<4096x128xf32, #tpu.memory_space<vmem>>) attributes {dimension_semantics = [#tpu.dimension_semantics<arbitrary>], iteration_bounds = array<i64: 40>, scalar_prefetch = 0 : i64, scratch_operands = 0 : i64, tpu.core_type = #tpu.core_type<tc>, window_params = [{transform_indices = @transform_0, window_bounds = array<i64: 4096, 16>}, {pipeline_mode = #tpu.pipeline_mode<synchronous>, transform_indices = @transform_1, window_bounds = array<i64: 16, 128>}, {transform_indices = @transform_2, window_bounds = array<i64: 4096, 128>}]} {
    %get3A = arith.constant 0 : index
    %get3A_0 = arith.constant 0 : index
    %get3A_1 = vector.load %arg1[%get3A, %get3A_0] : memref<4096x16xf32, #tpu.memory_space<vmem>>, vector<4096x16xf32>
    %get3A_2 = arith.constant 0 : index
    %get3A_3 = arith.constant 0 : index
    %get3A_4 = vector.load %arg2[%get3A_2, %get3A_3] : memref<16x128xf32, #tpu.memory_space<vmem>>, vector<16x128xf32>
    %dot_general3A = arith.constant dense<0.000000e+00> : vector<4096x128xf32>
    %dot_general3A_5 = tpu.matmul %get3A_1, %get3A_4, %dot_general3A {dimension_numbers = #tpu.dot_dimension_numbers<[1], [0], [0], [1], [0, 0, 1, 1], [], []>, transpose_lhs_hint = false} : vector<4096x16xf32>, vector<16x128xf32>, vector<4096x128xf32> -> vector<4096x128xf32>
    %swap3A = arith.constant 0 : index
    %swap3A_6 = arith.constant 0 : index
    %swap3A_7 = vector.load %arg3[%swap3A, %swap3A_6] : memref<4096x128xf32, #tpu.memory_space<vmem>>, vector<4096x128xf32>
    tpu.vector_store %arg3[%swap3A, %swap3A_6], %dot_general3A_5 {strides = array<i32>} : memref<4096x128xf32, #tpu.memory_space<vmem>>, vector<4096x128xf32>,
    return
  }
  func.func @transform_0(%arg0: i32) -> (i32, i32) {
    %c0_i32 = arith.constant 0 : i32
    %c0_i32_0 = arith.constant 0 : i32
    return %arg0, %c0_i32 : i32, i32
  }
  func.func @transform_1(%arg0: i32) -> (i32, i32) {
    %c0_i32 = arith.constant 0 : i32
    %c0_i32_0 = arith.constant 0 : i32
    %c0_i32_1 = arith.constant 0 : i32
    return %c0_i32, %c0_i32_0 : i32, i32
  }
  func.func @transform_2(%arg0: i32) -> (i32, i32) {
    %c0_i32 = arith.constant 0 : i32
    %c0_i32_0 = arith.constant 0 : i32
    return %arg0, %c0_i32 : i32, i32
  }
}

module attributes {stable_mosaic.version = 14 : i64} {
  func.func @_dsum_body(%arg0: i32, %arg1: memref<2x128x128xf32, #tpu.memory_space<vmem>>, %arg2: memref<2x128x128xf32, #tpu.memory_space<vmem>>, %arg3: memref<128x128xf32, #tpu.memory_space<vmem>>) attributes {dimension_semantics = [#tpu.dimension_semantics<arbitrary>], iteration_bounds = array<i64: 10>, scalar_prefetch = 0 : i64, scratch_operands = 0 : i64, tpu.core_type = #tpu.core_type<tc>, window_params = [{transform_indices = @transform_0, window_bounds = array<i64: 2, 128, 128>}, {transform_indices = @transform_1, window_bounds = array<i64: 2, 128, 128>}, {transform_indices = @transform_2, window_bounds = array<i64: 128, 128>}]} {
    %get3A = arith.constant 0 : index
    %get3A_0 = arith.constant 0 : index
    %get3A_1 = arith.constant 0 : index
    %get3A_2 = vector.load %arg1[%get3A, %get3A_0, %get3A_1] : memref<2x128x128xf32, #tpu.memory_space<vmem>>, vector<1x128x128xf32>
    %get3A_3 = vector.shape_cast %get3A_2 : vector<1x128x128xf32> to vector<128x128xf32>
    %get3A_4 = arith.constant 1 : index
    %get3A_5 = arith.constant 0 : index
    %get3A_6 = arith.constant 0 : index
    %get3A_7 = vector.load %arg1[%get3A_4, %get3A_5, %get3A_6] : memref<2x128x128xf32, #tpu.memory_space<vmem>>, vector<1x128x128xf32>
    %get3A_8 = vector.shape_cast %get3A_7 : vector<1x128x128xf32> to vector<128x128xf32>
    %add3A = arith.addf %get3A_3, %get3A_8 : vector<128x128xf32>
    %get3A_9 = arith.constant 0 : index
    %get3A_10 = arith.constant 0 : index
    %get3A_11 = arith.constant 0 : index
    %get3A_12 = vector.load %arg2[%get3A_9, %get3A_10, %get3A_11] : memref<2x128x128xf32, #tpu.memory_space<vmem>>, vector<1x128x128xf32>
    %get3A_13 = vector.shape_cast %get3A_12 : vector<1x128x128xf32> to vector<128x128xf32>
    %add3A_14 = arith.addf %add3A, %get3A_13 : vector<128x128xf32>
    %get3A_15 = arith.constant 1 : index
    %get3A_16 = arith.constant 0 : index
    %get3A_17 = arith.constant 0 : index
    %get3A_18 = vector.load %arg2[%get3A_15, %get3A_16, %get3A_17] : memref<2x128x128xf32, #tpu.memory_space<vmem>>, vector<1x128x128xf32>
    %get3A_19 = vector.shape_cast %get3A_18 : vector<1x128x128xf32> to vector<128x128xf32>
    %add3A_20 = arith.addf %add3A_14, %get3A_19 : vector<128x128xf32>
    %swap3A = arith.constant 0 : index
    %swap3A_21 = arith.constant 0 : index
    %swap3A_22 = vector.load %arg3[%swap3A, %swap3A_21] : memref<128x128xf32, #tpu.memory_space<vmem>>, vector<128x128xf32>
    tpu.vector_store %arg3[%swap3A, %swap3A_21], %add3A_20 {strides = array<i32>} : memref<128x128xf32, #tpu.memory_space<vmem>>, vector<128x128xf32>,
    return
  }
  func.func @transform_0(%arg0: i32) -> (i32, i32, i32) {
    %c0_i32 = arith.constant 0 : i32
    %c0_i32_0 = arith.constant 0 : i32
    %c0_i32_1 = arith.constant 0 : i32
    return %c0_i32, %arg0, %c0_i32_0 : i32, i32, i32
  }
  func.func @transform_1(%arg0: i32) -> (i32, i32, i32) {
    %c0_i32 = arith.constant 0 : i32
    %c0_i32_0 = arith.constant 0 : i32
    %c0_i32_1 = arith.constant 0 : i32
    return %c0_i32, %arg0, %c0_i32_0 : i32, i32, i32
  }
  func.func @transform_2(%arg0: i32) -> (i32, i32) {
    %c0_i32 = arith.constant 0 : i32
    %c0_i32_0 = arith.constant 0 : i32
    return %arg0, %c0_i32 : i32, i32
  }
}

module attributes {stable_mosaic.version = 14 : i64} {
  func.func @_post1_body(%arg0: i32, %arg1: memref<1000x64xf32, #tpu.memory_space<vmem>>, %arg2: memref<1000x64xf32, #tpu.memory_space<vmem>>, %arg3: memref<1000x64xf32, #tpu.memory_space<vmem>>, %arg4: memref<1000x64xf32, #tpu.memory_space<vmem>>, %arg5: memref<1000x4xf32, #tpu.memory_space<vmem>>, %arg6: memref<1x128xf32, #tpu.memory_space<vmem>>, %arg7: memref<4x128xf32, #tpu.memory_space<vmem>>, %arg8: memref<1000x128xf32, #tpu.memory_space<vmem>>, %arg9: memref<2x128xf32, #tpu.memory_space<vmem>>, %arg10: memref<2x128xf32, #tpu.memory_space<vmem>>) attributes {dimension_semantics = [#tpu.dimension_semantics<arbitrary>], iteration_bounds = array<i64: 10>, scalar_prefetch = 0 : i64, scratch_operands = 1 : i64, tpu.core_type = #tpu.core_type<tc>, window_params = [{transform_indices = @transform_0, window_bounds = array<i64: 1000, 64>}, {transform_indices = @transform_1, window_bounds = array<i64: 1000, 64>}, {transform_indices = @transform_2, window_bounds = array<i64: 1000, 64>}, {transform_indices = @transform_3, window_bounds = array<i64: 1000, 64>}, {transform_indices = @transform_4, window_bounds = array<i64: 1000, 4>}, {pipeline_mode = #tpu.pipeline_mode<synchronous>, transform_indices = @transform_5, window_bounds = array<i64: 1, 128>}, {pipeline_mode = #tpu.pipeline_mode<synchronous>, transform_indices = @transform_6, window_bounds = array<i64: 4, 128>}, {transform_indices = @transform_7, window_bounds = array<i64: 1000, 128>}, {pipeline_mode = #tpu.pipeline_mode<synchronous>, transform_indices = @transform_8, window_bounds = array<i64: 2, 128>}]} {
    %get3A = arith.constant 0 : index
    %get3A_0 = arith.constant 0 : index
    %get3A_1 = vector.load %arg5[%get3A, %get3A_0] : memref<1000x4xf32, #tpu.memory_space<vmem>>, vector<1000x4xf32>
    %add3A = arith.constant 1.000000e-16 : f32
    %add3A_2 = vector.broadcast %add3A : f32 to vector<1000x4xf32>
    %add3A_3 = arith.addf %get3A_1, %add3A_2 : vector<1000x4xf32>
    %div3A = arith.constant 1.000000e+00 : f32
    %div3A_4 = vector.broadcast %div3A : f32 to vector<1000x4xf32>
    %div3A_5 = arith.divf %div3A_4, %add3A_3 : vector<1000x4xf32>
    %get3A_6 = arith.constant 0 : index
    %get3A_7 = arith.constant 0 : index
    %get3A_8 = vector.load %arg7[%get3A_6, %get3A_7] : memref<4x128xf32, #tpu.memory_space<vmem>>, vector<4x128xf32>
    %dot_general3A = arith.constant dense<0.000000e+00> : vector<1000x128xf32>
    %dot_general3A_9 = tpu.matmul %div3A_5, %get3A_8, %dot_general3A {dimension_numbers = #tpu.dot_dimension_numbers<[1], [0], [0], [1], [0, 0, 1, 1], [], []>, transpose_lhs_hint = false} : vector<1000x4xf32>, vector<4x128xf32>, vector<1000x128xf32> -> vector<1000x128xf32>
    %get3A_10 = arith.constant 0 : index
    %get3A_11 = arith.constant 0 : index
    %get3A_12 = vector.load %arg1[%get3A_10, %get3A_11] : memref<1000x64xf32, #tpu.memory_space<vmem>>, vector<1000x64xf32>
    %get3A_13 = arith.constant 0 : index
    %get3A_14 = arith.constant 0 : index
    %get3A_15 = vector.load %arg2[%get3A_13, %get3A_14] : memref<1000x64xf32, #tpu.memory_space<vmem>>, vector<1000x64xf32>
    %add3A_16 = arith.addf %get3A_12, %get3A_15 : vector<1000x64xf32>
    %slice3A = vector.extract_strided_slice %dot_general3A_9 {offsets = [0, 0], sizes = [1000, 64], strides = [1, 1]} : vector<1000x128xf32> to vector<1000x64xf32>
    %mul3A = arith.mulf %add3A_16, %slice3A : vector<1000x64xf32>
    %get3A_17 = arith.constant 0 : index
    %get3A_18 = arith.constant 0 : index
    %get3A_19 = vector.load %arg3[%get3A_17, %get3A_18] : memref<1000x64xf32, #tpu.memory_space<vmem>>, vector<1000x64xf32>
    %get3A_20 = arith.constant 0 : index
    %get3A_21 = arith.constant 0 : index
    %get3A_22 = vector.load %arg4[%get3A_20, %get3A_21] : memref<1000x64xf32, #tpu.memory_space<vmem>>, vector<1000x64xf32>
    %add3A_23 = arith.addf %get3A_19, %get3A_22 : vector<1000x64xf32>
    %slice3A_24 = vector.extract_strided_slice %dot_general3A_9 {offsets = [0, 64], sizes = [1000, 64], strides = [1, 1]} : vector<1000x128xf32> to vector<1000x64xf32>
    %mul3A_25 = arith.mulf %add3A_23, %slice3A_24 : vector<1000x64xf32>
    %concatenate3A = tpu.concatenate %mul3A, %mul3A_25 in 1 : vector<1000x64xf32>, vector<1000x64xf32> -> vector<1000x128xf32>
    %get3A_26 = arith.constant 0 : index
    %get3A_27 = arith.constant 0 : index
    %get3A_28 = vector.load %arg6[%get3A_26, %get3A_27] : memref<1x128xf32, #tpu.memory_space<vmem>>, vector<1x128xf32>
    %add3A_29 = vector.broadcast %get3A_28 : vector<1x128xf32> to vector<1000x128xf32>
    %add3A_30 = arith.addf %concatenate3A, %add3A_29 : vector<1000x128xf32>
    %swap3A = arith.constant 0 : index
    %swap3A_31 = arith.constant 0 : index
    %swap3A_32 = vector.load %arg8[%swap3A, %swap3A_31] : memref<1000x128xf32, #tpu.memory_space<vmem>>, vector<1000x128xf32>
    tpu.vector_store %arg8[%swap3A, %swap3A_31], %add3A_30 {strides = array<i32>} : memref<1000x128xf32, #tpu.memory_space<vmem>>, vector<1000x128xf32>,
    %eq3A = arith.constant 0 : i32
    %eq3A_33 = arith.cmpi eq, %arg0, %eq3A : i32
    %convert_element_type3A = arith.extui %eq3A_33 : i1 to i32
    %cond3A = arith.constant 0 : i32
    %cond3A_34 = arith.cmpi ne, %convert_element_type3A, %cond3A : i32
    scf.if %cond3A_34 {
      %broadcast_in_dim3A_59 = arith.constant 0.000000e+00 : f32
      %broadcast_in_dim3A_60 = vector.broadcast %broadcast_in_dim3A_59 : f32 to vector<2x128xf32>
      %swap3A_61 = arith.constant 0 : index
      %swap3A_62 = arith.constant 0 : index
      %swap3A_63 = vector.load %arg10[%swap3A_61, %swap3A_62] : memref<2x128xf32, #tpu.memory_space<vmem>>, vector<2x128xf32>
      tpu.vector_store %arg10[%swap3A_61, %swap3A_62], %broadcast_in_dim3A_60 {strides = array<i32>} : memref<2x128xf32, #tpu.memory_space<vmem>>, vector<2x128xf32>,
    } else {
    }
    %get3A_35 = arith.constant 0 : index
    %get3A_36 = arith.constant 0 : index
    %get3A_37 = vector.load %arg10[%get3A_35, %get3A_36] : memref<2x128xf32, #tpu.memory_space<vmem>>, vector<1x128xf32>
    %reduce_sum3A = arith.constant dense<0.000000e+00> : vector<128xf32>
    %reduce_sum3A_38 = vector.multi_reduction <add>, %add3A_30, %reduce_sum3A [0] : vector<1000x128xf32> to vector<128xf32>
    %broadcast_in_dim3A = vector.shape_cast %reduce_sum3A_38 : vector<128xf32> to vector<1x128xf32>
    %add3A_39 = arith.addf %get3A_37, %broadcast_in_dim3A : vector<1x128xf32>
    %swap3A_40 = arith.constant 0 : index
    %swap3A_41 = arith.constant 0 : index
    %swap3A_42 = vector.load %arg10[%swap3A_40, %swap3A_41] : memref<2x128xf32, #tpu.memory_space<vmem>>, vector<1x128xf32>
    tpu.vector_store %arg10[%swap3A_40, %swap3A_41], %add3A_39 {strides = array<i32>} : memref<2x128xf32, #tpu.memory_space<vmem>>, vector<1x128xf32>,
    %get3A_43 = arith.constant 1 : index
    %get3A_44 = arith.constant 0 : index
    %get3A_45 = vector.load %arg10[%get3A_43, %get3A_44] : memref<2x128xf32, #tpu.memory_space<vmem>>, vector<1x128xf32>
    %mul3A_46 = arith.mulf %add3A_30, %add3A_30 : vector<1000x128xf32>
    %reduce_sum3A_47 = arith.constant dense<0.000000e+00> : vector<128xf32>
    %reduce_sum3A_48 = vector.multi_reduction <add>, %mul3A_46, %reduce_sum3A_47 [0] : vector<1000x128xf32> to vector<128xf32>
    %broadcast_in_dim3A_49 = vector.shape_cast %reduce_sum3A_48 : vector<128xf32> to vector<1x128xf32>
    %add3A_50 = arith.addf %get3A_45, %broadcast_in_dim3A_49 : vector<1x128xf32>
    %swap3A_51 = arith.constant 1 : index
    %swap3A_52 = arith.constant 0 : index
    %swap3A_53 = vector.load %arg10[%swap3A_51, %swap3A_52] : memref<2x128xf32, #tpu.memory_space<vmem>>, vector<1x128xf32>
    tpu.vector_store %arg10[%swap3A_51, %swap3A_52], %add3A_50 {strides = array<i32>} : memref<2x128xf32, #tpu.memory_space<vmem>>, vector<1x128xf32>,
    %eq3A_54 = arith.constant 9 : i32
    %eq3A_55 = arith.cmpi eq, %arg0, %eq3A_54 : i32
    %convert_element_type3A_56 = arith.extui %eq3A_55 : i1 to i32
    %cond3A_57 = arith.constant 0 : i32
    %cond3A_58 = arith.cmpi ne, %convert_element_type3A_56, %cond3A_57 : i32
    scf.if %cond3A_58 {
      %get3A_59 = arith.constant 0 : index
      %get3A_60 = arith.constant 0 : index
      %get3A_61 = vector.load %arg10[%get3A_59, %get3A_60] : memref<2x128xf32, #tpu.memory_space<vmem>>, vector<2x128xf32>
      %swap3A_62 = arith.constant 0 : index
      %swap3A_63 = arith.constant 0 : index
      %swap3A_64 = vector.load %arg9[%swap3A_62, %swap3A_63] : memref<2x128xf32, #tpu.memory_space<vmem>>, vector<2x128xf32>
      tpu.vector_store %arg9[%swap3A_62, %swap3A_63], %get3A_61 {strides = array<i32>} : memref<2x128xf32, #tpu.memory_space<vmem>>, vector<2x128xf32>,
    } else {
    }
    return
  }
  func.func @transform_0(%arg0: i32) -> (i32, i32) {
    %c0_i32 = arith.constant 0 : i32
    %c0_i32_0 = arith.constant 0 : i32
    return %arg0, %c0_i32 : i32, i32
  }
  func.func @transform_1(%arg0: i32) -> (i32, i32) {
    %c0_i32 = arith.constant 0 : i32
    %c0_i32_0 = arith.constant 0 : i32
    return %arg0, %c0_i32 : i32, i32
  }
  func.func @transform_2(%arg0: i32) -> (i32, i32) {
    %c0_i32 = arith.constant 0 : i32
    %c0_i32_0 = arith.constant 0 : i32
    return %arg0, %c0_i32 : i32, i32
  }
  func.func @transform_3(%arg0: i32) -> (i32, i32) {
    %c0_i32 = arith.constant 0 : i32
    %c0_i32_0 = arith.constant 0 : i32
    return %arg0, %c0_i32 : i32, i32
  }
  func.func @transform_4(%arg0: i32) -> (i32, i32) {
    %c0_i32 = arith.constant 0 : i32
    %c0_i32_0 = arith.constant 0 : i32
    return %arg0, %c0_i32 : i32, i32
  }
  func.func @transform_5(%arg0: i32) -> (i32, i32) {
    %c0_i32 = arith.constant 0 : i32
    %c0_i32_0 = arith.constant 0 : i32
    %c0_i32_1 = arith.constant 0 : i32
    return %c0_i32, %c0_i32_0 : i32, i32
  }
  func.func @transform_6(%arg0: i32) -> (i32, i32) {
    %c0_i32 = arith.constant 0 : i32
    %c0_i32_0 = arith.constant 0 : i32
    %c0_i32_1 = arith.constant 0 : i32
    return %c0_i32, %c0_i32_0 : i32, i32
  }
  func.func @transform_7(%arg0: i32) -> (i32, i32) {
    %c0_i32 = arith.constant 0 : i32
    %c0_i32_0 = arith.constant 0 : i32
    return %arg0, %c0_i32 : i32, i32
  }
  func.func @transform_8(%arg0: i32) -> (i32, i32) {
    %c0_i32 = arith.constant 0 : i32
    %c0_i32_0 = arith.constant 0 : i32
    %c0_i32_1 = arith.constant 0 : i32
    return %c0_i32, %c0_i32_0 : i32, i32
  }
}

module attributes {stable_mosaic.version = 14 : i64} {
  func.func @_post2_body(%arg0: i32, %arg1: memref<1000x128xf32, #tpu.memory_space<vmem>>, %arg2: memref<2x128xf32, #tpu.memory_space<vmem>>, %arg3: memref<1x128xf32, #tpu.memory_space<vmem>>, %arg4: memref<1x128xf32, #tpu.memory_space<vmem>>, %arg5: memref<1000x128xf32, #tpu.memory_space<vmem>>, %arg6: memref<1000x256xf32, #tpu.memory_space<vmem>>) attributes {dimension_semantics = [#tpu.dimension_semantics<arbitrary>], iteration_bounds = array<i64: 10>, scalar_prefetch = 0 : i64, scratch_operands = 0 : i64, tpu.core_type = #tpu.core_type<tc>, window_params = [{transform_indices = @transform_0, window_bounds = array<i64: 1000, 128>}, {pipeline_mode = #tpu.pipeline_mode<synchronous>, transform_indices = @transform_1, window_bounds = array<i64: 2, 128>}, {pipeline_mode = #tpu.pipeline_mode<synchronous>, transform_indices = @transform_2, window_bounds = array<i64: 1, 128>}, {pipeline_mode = #tpu.pipeline_mode<synchronous>, transform_indices = @transform_3, window_bounds = array<i64: 1, 128>}, {transform_indices = @transform_4, window_bounds = array<i64: 1000, 128>}, {transform_indices = @transform_5, window_bounds = array<i64: 1000, 256>}]} {
    %get3A = arith.constant 0 : index
    %get3A_0 = arith.constant 0 : index
    %get3A_1 = vector.load %arg1[%get3A, %get3A_0] : memref<1000x128xf32, #tpu.memory_space<vmem>>, vector<1000x128xf32>
    %get3A_2 = arith.constant 0 : index
    %get3A_3 = arith.constant 0 : index
    %get3A_4 = vector.load %arg2[%get3A_2, %get3A_3] : memref<2x128xf32, #tpu.memory_space<vmem>>, vector<1x128xf32>
    %mul3A = arith.constant 9.99999974E-5 : f32
    %mul3A_5 = vector.broadcast %mul3A : f32 to vector<1x128xf32>
    %mul3A_6 = arith.mulf %get3A_4, %mul3A_5 : vector<1x128xf32>
    %get3A_7 = arith.constant 1 : index
    %get3A_8 = arith.constant 0 : index
    %get3A_9 = vector.load %arg2[%get3A_7, %get3A_8] : memref<2x128xf32, #tpu.memory_space<vmem>>, vector<1x128xf32>
    %mul3A_10 = arith.constant 9.99999974E-5 : f32
    %mul3A_11 = vector.broadcast %mul3A_10 : f32 to vector<1x128xf32>
    %mul3A_12 = arith.mulf %get3A_9, %mul3A_11 : vector<1x128xf32>
    %mul3A_13 = arith.mulf %mul3A_6, %mul3A_6 : vector<1x128xf32>
    %sub3A = arith.subf %mul3A_12, %mul3A_13 : vector<1x128xf32>
    %add3A = arith.constant 9.99999974E-6 : f32
    %add3A_14 = vector.broadcast %add3A : f32 to vector<1x128xf32>
    %add3A_15 = arith.addf %sub3A, %add3A_14 : vector<1x128xf32>
    %rsqrt3A = math.rsqrt %add3A_15 : vector<1x128xf32>
    %sub3A_16 = vector.broadcast %mul3A_6 : vector<1x128xf32> to vector<1000x128xf32>
    %sub3A_17 = arith.subf %get3A_1, %sub3A_16 : vector<1000x128xf32>
    %mul3A_18 = vector.broadcast %rsqrt3A : vector<1x128xf32> to vector<1000x128xf32>
    %mul3A_19 = arith.mulf %sub3A_17, %mul3A_18 : vector<1000x128xf32>
    %get3A_20 = arith.constant 0 : index
    %get3A_21 = arith.constant 0 : index
    %get3A_22 = vector.load %arg3[%get3A_20, %get3A_21] : memref<1x128xf32, #tpu.memory_space<vmem>>, vector<1x128xf32>
    %mul3A_23 = vector.broadcast %get3A_22 : vector<1x128xf32> to vector<1000x128xf32>
    %mul3A_24 = arith.mulf %mul3A_19, %mul3A_23 : vector<1000x128xf32>
    %get3A_25 = arith.constant 0 : index
    %get3A_26 = arith.constant 0 : index
    %get3A_27 = vector.load %arg4[%get3A_25, %get3A_26] : memref<1x128xf32, #tpu.memory_space<vmem>>, vector<1x128xf32>
    %add3A_28 = vector.broadcast %get3A_27 : vector<1x128xf32> to vector<1000x128xf32>
    %add3A_29 = arith.addf %mul3A_24, %add3A_28 : vector<1000x128xf32>
    %gt3A = arith.constant 0.000000e+00 : f32
    %gt3A_30 = vector.broadcast %gt3A : f32 to vector<1000x128xf32>
    %gt3A_31 = arith.cmpf ogt, %add3A_29, %gt3A_30 : vector<1000x128xf32>
    %mul3A_32 = arith.constant 0.00999999977 : f32
    %mul3A_33 = vector.broadcast %mul3A_32 : f32 to vector<1000x128xf32>
    %mul3A_34 = arith.mulf %mul3A_33, %add3A_29 : vector<1000x128xf32>
    %select_n3A = arith.select %gt3A_31, %add3A_29, %mul3A_34 : vector<1000x128xi1>, vector<1000x128xf32>
    %swap3A = arith.constant 0 : index
    %swap3A_35 = arith.constant 0 : index
    %swap3A_36 = vector.load %arg6[%swap3A, %swap3A_35] : memref<1000x256xf32, #tpu.memory_space<vmem>>, vector<1000x128xf32>
    tpu.vector_store %arg6[%swap3A, %swap3A_35], %select_n3A {strides = array<i32>} : memref<1000x256xf32, #tpu.memory_space<vmem>>, vector<1000x128xf32>,
    %get3A_37 = arith.constant 0 : index
    %get3A_38 = arith.constant 0 : index
    %get3A_39 = vector.load %arg5[%get3A_37, %get3A_38] : memref<1000x128xf32, #tpu.memory_space<vmem>>, vector<1000x128xf32>
    %swap3A_40 = arith.constant 0 : index
    %swap3A_41 = arith.constant 128 : index
    %swap3A_42 = vector.load %arg6[%swap3A_40, %swap3A_41] : memref<1000x256xf32, #tpu.memory_space<vmem>>, vector<1000x128xf32>
    tpu.vector_store %arg6[%swap3A_40, %swap3A_41], %get3A_39 {strides = array<i32>} : memref<1000x256xf32, #tpu.memory_space<vmem>>, vector<1000x128xf32>,
    return
  }
  func.func @transform_0(%arg0: i32) -> (i32, i32) {
    %c0_i32 = arith.constant 0 : i32
    %c0_i32_0 = arith.constant 0 : i32
    return %arg0, %c0_i32 : i32, i32
  }
  func.func @transform_1(%arg0: i32) -> (i32, i32) {
    %c0_i32 = arith.constant 0 : i32
    %c0_i32_0 = arith.constant 0 : i32
    %c0_i32_1 = arith.constant 0 : i32
    return %c0_i32, %c0_i32_0 : i32, i32
  }
  func.func @transform_2(%arg0: i32) -> (i32, i32) {
    %c0_i32 = arith.constant 0 : i32
    %c0_i32_0 = arith.constant 0 : i32
    %c0_i32_1 = arith.constant 0 : i32
    return %c0_i32, %c0_i32_0 : i32, i32
  }
  func.func @transform_3(%arg0: i32) -> (i32, i32) {
    %c0_i32 = arith.constant 0 : i32
    %c0_i32_0 = arith.constant 0 : i32
    %c0_i32_1 = arith.constant 0 : i32
    return %c0_i32, %c0_i32_0 : i32, i32
  }
  func.func @transform_4(%arg0: i32) -> (i32, i32) {
    %c0_i32 = arith.constant 0 : i32
    %c0_i32_0 = arith.constant 0 : i32
    return %arg0, %c0_i32 : i32, i32
  }
  func.func @transform_5(%arg0: i32) -> (i32, i32) {
    %c0_i32 = arith.constant 0 : i32
    %c0_i32_0 = arith.constant 0 : i32
    return %arg0, %c0_i32 : i32, i32
  }
}

</mosaic_0001>

<sc_bundles>
// kernel: kernel.10.cloned.1.call-start
scs
__scs_entry_jumppad:
0x0: {  	(pc) =	sbr.rel $0x88, $3  }
0x1: {  	(tag) =	ssettag $0x0;
	lr =	simm.s32 $0x1  }
0x2: {  	[smem:$0x3F93] =	sst lr;
	_ =	strace $0xD0000000  }
0x3: {  	_ = 	snop  }
0x4: {  	_ = 	snop  }
0x5: {  	_ = 	snop  }
0x6: {  	_ = 	snop  }
0x7: {  	_ = 	snop  }
__scs_overlays_trampoline_lowered:
0x8: {  	[smem:$0x3FA2] =	sst s0  }
0x9: {  	[smem:$0x3FA3] =	sst s1  }
0xa: {  	[smem:$0x3FA4] =	sst s2  }
0xb: {  	[smem:$0x3FA5] =	sst s3  }
0xc: {  	[smem:$0x3FA6] =	sst s4  }
0xd: {  	[smem:$0x3FA7] =	sst s5  }
0xe: {  	[smem:$0x3FA8] =	sst s6  }
0xf: {  	[smem:$0x3FA9] =	sst s7  }
0x10: {  	[smem:$0x3FAA] =	sst s8  }
0x11: {  	[smem:$0x3FAB] =	sst s9;
	s0 =	simm.s32 @!p0 $0x0  }
0x12: {  	s1 =	sld [smem:$0x3F91];
	s0 =	simm.s32 @p0 $0x1  }
0x13: {  	[smem:$0x3FAC] =	sst s0;
	s0 =	simm.s32 @!p1 $0x0  }
0x14: {  	s2 =	sld [smem:$0x3F90];
	s0 =	simm.s32 @p1 $0x1  }
0x15: {  	[smem:$0x3FAD] =	sst s0;
	s0 =	simm.s32 @!p2 $0x0  }
0x16: {  	s3 =	sld [smem:$0x3FDB];
	s0 =	simm.s32 @p2 $0x1  }
0x17: {  	s4 =	simm.s32 $0x1BF5;
	[smem:$0x3FAF] =	sst s0  }
0x18: {  	s0 =	sld [smem:$0x3F92];
	_ =	swait.ge [sflag:s4], $0x0  }
0x19: {  	s7 =	sld [smem:$0x3F93]  }
0x1a: {  	s8 =	sadd.s32 $0xFFFFE003, lr  }
0x1b: {  	s9 =	sadd.s32 $0xFFFFFEF7, lr;
	s5 =	simm.s32 $0xFFFFFFFF;
	p2 =	slt.u32 s8, $0xFFFFF086  }
0x1c: {  	p1 =	slt.u32 s9, $0xF7A;
	s5 =	simm.s32 @!p2 $0x0  }
0x1d: {  	s5 =	simm.s32 @p1 $0x1;
	p0 =	seq.s32 s7, s2  }
0x1e: {  	s7 =	smul.u32 @!p0 $0xF7A, s2;
	p2 =	seq.s32 @!p0 s5, $0x0  }
0x1f: {  	s9 =	smul.u32 $0xF7A, s1;
	s8 =	simm.s32 @!p0 $0x1BF5;
	p2 =	por !p2, p0  }
0x20: {  	[sflag:s8] =	ssyncset.s32 @!p0 $0xFFFFF086;
	s6 =	sadd.s32 @!p0 s3, s7;
	s7 =	simm.s32 @!p0 $0x108  }
0x21: {  	s3 =	sadd.s32 s3, s9;
	s6 =	sadd.s32 @!p0 $0x88, s6;
	s7 =	simm.s32 @p2 $0x1082  }
0x22: {  	[simem:s7], [sflag:s8] =	dma.local @!p0 [hbm:s6], $0xF7A  }
0x23: {  	s9 =	sor.u32 $0xD0000000, s2;
	s6 =	simm.s32 $0x108;
	_ =	swait.ge @!p0 [sflag:s8], $0x0  }
0x24: {  	s3 =	sadd.s32 $0x88, s3;
	s6 =	simm.s32 @!p1 $0x1082;
	[sflag:s4] =	ssyncset.s32 $0xFFFFF086  }
0x25: {  	[simem:s6], [sflag:s4] =	dma.local [hbm:s3], $0xF7A  }
0x26: {  	[smem:$0x3F93] =	sst s1;
	(tag) =	ssettag s2;
	_ =	strace s9  }
0x27: {  	s1 =	sld [smem:$0x3FA3]  }
0x28: {  	s2 =	sld [smem:$0x3FA4]  }
0x29: {  	s4 =	sld [smem:$0x3FA6]  }
0x2a: {  	p0 =	seq.s32 s5, $0x0;
	s5 =	sld [smem:$0x3FA7]  }
0x2b: {  	s6 =	sld [smem:$0x3FA8]  }
0x2c: {  	s7 =	sld [smem:$0x3FA9]  }
0x2d: {  	s3 =	simm.s32 $0x108;
	s8 =	sld [smem:$0x3FAA]  }
0x2e: {  	s3 =	simm.s32 @!p0 $0x1082;
	s9 =	sld [smem:$0x3FAB]  }
0x2f: {  	lr =	sadd.s32 s0, s3;
	s0 =	sld [smem:$0x3FA2]  }
0x30: {  	s3 =	sld [smem:$0x3FA5]  }
0x31: {  	[smem:$0x3FAE] =	sst s10  }
0x32: {  	s10 =	sld [smem:$0x3FAC];
	_ =	sdelay $0x3  }
0x33: {  	p0 =	seq.s32 s10, $0x1;
	s10 =	sld [smem:$0x3FAE];
	_ =	sdelay $0x3  }
0x34: {  	[smem:$0x3FAE] =	sst s10  }
0x35: {  	s10 =	sld [smem:$0x3FAD];
	_ =	sdelay $0x3  }
0x36: {  	p1 =	seq.s32 s10, $0x1;
	s10 =	sld [smem:$0x3FAE];
	_ =	sdelay $0x3  }
0x37: {  	[smem:$0x3FAE] =	sst s10  }
0x38: {  	s10 =	sld [smem:$0x3FAF]  }
0x39: {  	_ = 	snop;
	(pc) =	sbr.ind lr, $3  }
0x3a: {  	_ = 	snop  }
0x3b: {  	_ = 	snop  }
0x3c: {  	p2 =	seq.s32 s10, $0x1;
	s10 =	sld [smem:$0x3FAE]  }
0x3d: {  	_ =	shalt  }
0x3e: {  	_ =	shalt  }
0x3f: {  	_ =	shalt  }
0x40: {  	_ =	shalt  }
0x41: {  	_ =	shalt  }
0x42: {  	_ =	shalt  }
0x43: {  	_ =	shalt  }
0x44: {  	_ =	shalt  }
0x45: {  	_ =	shalt  }
0x46: {  	_ =	shalt  }
0x47: {  	_ =	shalt  }
0x48: {  	_ =	shalt  }
0x49: {  	_ =	shalt  }
0x4a: {  	_ =	shalt  }
0x4b: {  	_ =	shalt  }
0x4c: {  	_ =	shalt  }
0x4d: {  	_ =	shalt  }
0x4e: {  	_ =	shalt  }
0x4f: {  	_ =	shalt  }
0x50: {  	_ =	shalt  }
0x51: {  	_ =	shalt  }
0x52: {  	_ =	shalt  }
0x53: {  	_ =	shalt  }
0x54: {  	_ =	shalt  }
0x55: {  	_ =	shalt  }
0x56: {  	_ =	shalt  }
0x57: {  	_ =	shalt  }
0x58: {  	_ =	shalt  }
0x59: {  	_ =	shalt  }
0x5a: {  	_ =	shalt  }
0x5b: {  	_ =	shalt  }
0x5c: {  	_ =	shalt  }
0x5d: {  	_ =	shalt  }
0x5e: {  	_ =	shalt  }
0x5f: {  	_ =	shalt  }
0x60: {  	_ =	shalt  }
0x61: {  	_ =	shalt  }
0x62: {  	_ =	shalt  }
0x63: {  	_ =	shalt  }
0x64: {  	_ =	shalt  }
0x65: {  	_ =	shalt  }
0x66: {  	_ =	shalt  }
0x67: {  	_ =	shalt  }
0x68: {  	_ =	shalt  }
0x69: {  	_ =	shalt  }
0x6a: {  	_ =	shalt  }
0x6b: {  	_ =	shalt  }
0x6c: {  	_ =	shalt  }
0x6d: {  	_ =	shalt  }
0x6e: {  	_ =	shalt  }
0x6f: {  	_ =	shalt  }
0x70: {  	_ =	shalt  }
0x71: {  	_ =	shalt  }
0x72: {  	_ =	shalt  }
0x73: {  	_ =	shalt  }
0x74: {  	_ =	shalt  }
0x75: {  	_ =	shalt  }
0x76: {  	_ =	shalt  }
0x77: {  	_ =	shalt  }
0x78: {  	_ =	shalt  }
0x79: {  	_ =	shalt  }
0x7a: {  	_ =	shalt  }
0x7b: {  	_ =	shalt  }
0x7c: {  	_ =	shalt  }
0x7d: {  	_ =	shalt  }
0x7e: {  	_ =	shalt  }
0x7f: {  	_ =	shalt  }
0x80: {  	_ =	shalt  }
0x81: {  	_ =	shalt  }
0x82: {  	_ =	shalt  }
0x83: {  	_ =	shalt  }
0x84: {  	_ =	shalt  }
0x85: {  	_ =	shalt  }
0x86: {  	_ =	shalt  }
0x87: {  	_ =	shalt  }
.Lfunc_end0:
.L_simem_size_0:
called_computation_lowered:
.L_overlay_start_0:
0x88: {  	s2 =	sld [smem:$0x3FD9]  }
0x89: {  	s3 =	sld [smem:$0x3FFE];
	_ =	sdelay $0x1  }
0x8a: {  	s1 =	srdreg.scid  }
0x8b: {  	s0 =	sand.u32 $0x1, s1  }
0x8c: {  	s15 =	sshll.u32 s0, $0xA;
	s2 =	sadd.s32 s3, s2  }
0x8d: {  	s2 =	sadd.s32 s2, s15  }
0x8e: {  	[smem:$0x3FBA] =	sst s2  }
0x8f: {  	_ = 	snop  }
0x90: {  	s2 =	sld [smem:$0x3FD0];
	_ =	sdelay $0x2  }
0x91: {  	s5 =	simm.s32 $0xB;
	s16 =	simm.s32 $0x10  }
0x92: {  	[smem:s16], [sflag:s5] =	dma.local [hbm:s2], $0x1  }
0x93: {  	_ =	swait.eq [sflag:s5], $0x1  }
0x94: {  	s17 =	sld [smem:$0x10];
	[sflag:s5] =	ssyncset.done $0x0  }
0x95: {  	s4 =	sld [smem:$0x11];
	[sflag:s5] =	ssyncadd.s32 $0xFFFFFFFF  }
0x96: {  	s18 =	sld [smem:$0x13];
	(tm) =	ssettm $0x1  }
0x97: {  	s19 =	sld [smem:$0x3FFB];
	_ =	sdelay $0x3  }
0x98: {  	_ =	strace s19  }
0x99: {  	s2 =	sld [smem:$0x3FFC];
	_ =	sdelay $0x3  }
0x9a: {  	_ =	strace s2  }
0x9b: {  	s2 =	sld [smem:$0x3FFD];
	_ =	sdelay $0x3  }
0x9c: {  	_ =	strace s2  }
0x9d: {  	_ =	strace $0x8FFFFFFF  }
0x9e: {  	s20 =	sld [smem:$0x3FDB];
	_ =	sdelay $0x1  }
0x9f: {  	s6 =	simm.s32 $_scs_section_size  }
0xa0: {  	s7 =	simm.s32 $_size__tile_overlayer_lowered;
	s8 =	simm.s32 $_tile_overlayer_lowered  }
0xa1: {  	s9 =	simm.s32 $0x1BFF;
	s21 =	sshll.u32 s8, $0x1;
	s6 =	sadd.s32 s6, s20  }
0xa2: {  	s22 =	simm.s32 $0x0;
	s7 =	sshll.u32 s7, $0x1;
	s8 =	sadd.s32 s21, s6  }
0xa3: {  	[timem:s22], [sflag:s9] =	dma.local [hbm:s8], s7  }
0xa4: {  	_ =	swait.ge [sflag:s9], s7  }
0xa5: {  	s7 =	ssub.s32 $0x0, s7;
	[sflag:s9] =	ssyncset.done $0x0  }
0xa6: {  	[sflag:s9] =	ssyncadd.s32 s7;
	_ =	sdelay $0x1  }
0xa7: {  	s23 =	simm.s32 $0x1B8B  }
0xa8: {  	_ =	swait.ge [sflag:s23], $0x1  }
0xa9: {  	[sflag:s23] =	ssyncset.done $0x0  }
0xaa: {  	[sflag:s23] =	ssyncadd.s32 $0xFFFFFFFF  }
0xab: {  	s7 =	sld [smem:$0x0]  }
0xac: {  	s8 =	sand.u32 $0xFFFFFFFE, s1  }
0xad: {  	p0 =	sne.s32 s1, s8  }
0xae: {  	s8 =	sshll.u32 @p0 s8, $0xE  }
0xaf: {  	s8 =	sadd.s32 @p0 $0x11B8D, s8;
	s9 =	sshll.u32 @p0 s7, $0x11  }
0xb0: {  	s8 =	sor.u32 @p0 s9, s8  }
0xb1: {  	[sflag:s8] =	ssyncadd.remote.s32 @p0 $0x1;
	_ =	sdelay $0x1  }
0xb2: {  	s8 =	simm.s32 @p0 $0x1B8D  }
0xb3: {  	_ =	swait.eq @p0 [sflag:s8], $0x1  }
0xb4: {  	[sflag:s8] =	ssyncadd.s32 @p0 $0xFFFFFFFF  }
0xb5: {  	s9 =	sshll.u32 @!p0 s1, $0xE  }
0xb6: {  	s9 =	sor.u32 @!p0 $0x4000, s9;
	s8 =	simm.s32 @!p0 $0x1B8D  }
0xb7: {  	s7 =	sshll.u32 @!p0 s7, $0x11;
	s9 =	sadd.s32 @!p0 $0x11B8D, s9;
	_ =	swait.eq @!p0 [sflag:s8], $0x1  }
0xb8: {  	s7 =	sor.u32 @!p0 s7, s9;
	[sflag:s8] =	ssyncadd.s32 @!p0 $0xFFFFFFFF  }
0xb9: {  	s25 =	simm.s32 $0x1B8E;
	s24 =	sld [smem:$0x3FFE];
	[sflag:s7] =	ssyncadd.remote.s32 @!p0 $0x1  }
0xba: {  	s26 =	simm.s32 $execute0_lowered;
	[smem:$0x3FD2] =	sst s25  }
0xbb: {  	s8 =	sshll.u32 s26, $0x1;
	_ =	strace $0x80000049;
	[dreg:$0x1] =	wrdreg $0xFFFFFFFF  }
0xbc: {  	s28 =	simm.s32 $_size_execute0_lowered;
	s6 =	sadd.s32 s6, s8;
	[dreg:$0x0] =	wrdreg $0x0  }
0xbd: {  	s8 =	sshll.u32 s28, $0x1;
	[dreg:$0x2] =	wrdreg s6  }
0xbe: {  	[dreg:$0x3] =	wrdreg s8  }
0xbf: {  	[dreg:$0x4] =	wrdreg $0xC0  }
0xc0: {  	_ =	task [dreg:s22], $0x5FFFF  }
0xc1: {  	[dreg:$0x1] =	wrdreg $0xFFFFFFFF  }
0xc2: {  	[dreg:$0x0] =	wrdreg $0x60  }
0xc3: {  	[dreg:$0x2] =	wrdreg s24  }
0xc4: {  	[dreg:$0x3] =	wrdreg s18  }
0xc5: {  	[dreg:$0x4] =	wrdreg s4  }
0xc6: {  	[dreg:$0x5] =	wrdreg s17  }
0xc7: {  	[dreg:$0x6] =	wrdreg $0xFA400  }
0xc8: {  	[dreg:$0x7] =	wrdreg $0x122400  }
0xc9: {  	[dreg:$0x8] =	wrdreg $0x9  }
0xca: {  	_ =	task.clear_ibuf [dreg:s22], $0x9FFFF;
	_ =	strace $0x90000049  }
0xcb: {  	s29 =	simm.s32 $0x9;
	_ =	strace $0x8000004B  }
0xcc: {  	_ =	swait.ge [sflag:s29], $0x1  }
0xcd: {  	[sflag:s29] =	ssyncadd.s32 $0xFFFFFFFF  }
0xce: {  	_ =	strace $0x9000004B  }
0xcf: {  	_ =	sfence  }
0xd0: {  	s30 =	sld [smem:$0x0];
	_ =	sdelay $0x2  }
0xd1: {  	s31 =	sshll.u32 s1, $0xD;
	s1 =	sshrl.u32 s1, $0x2  }
0xd2: {  	s4 =	sand.u32 $0x4000, s31;
	s1 =	sadd.s32 s1, s30  }
0xd3: {  	s0 =	sor.u32 s4, s0;
	s1 =	sshll.u32 s1, $0x11  }
0xd4: {  	s0 =	sor.u32 s1, s0  }
0xd5: {  	s0 =	sadd.s32 $0x8F2B, s0  }
0xd6: {  	[sflag:s0] =	ssyncadd.remote.s32 $0x1  }
0xd7: {  	_ =	sfence.sel $0xFFFF  }
0xd8: {  	[dreg:$0x0] =	wrdreg $0xFFFFFFFF;
	(pc) =	sbr.abs _section_cstart, $3  }
0xd9: {  	[dreg:$0x1] =	wrdreg $0xFFFFFFFF  }
0xda: {  	_ =	task.clear_ibuf [dreg:s22], $0x2FFFF;
	_ =	strace $0x9FFFFFFF  }
0xdb: {  	(tm) =	ssettm $0x7FFFFFFF  }
tec
execute0_lowered:
.L_overlay_start_1:
0x0: {  	(tag) =	ssettag $0x1  }
0x1: {  	s0 =	rddreg [dreg:$0x0]  }
0x2: {  	s1 =	rddreg [dreg:$0x1]  }
0x3: {  	s2 =	rddreg [dreg:$0x2]  }
0x4: {  	s3 =	rddreg [dreg:$0x3]  }
0x5: {  	s4 =	rddreg [dreg:$0x4]  }
0x6: {  	s5 =	rddreg [dreg:$0x5]  }
0x7: {  	s7 =	srdreg.scid;
	s19 =	stileid.u32  }
0x8: {  	s6 =	simm.s32 $0x0;
	s28 =	simm.s32 $0x8200;
	s29 =	simm.s32 $0x1  }
0x9: {  	s30 =	simm.s32 $0x2;
	s31 =	simm.s32 $0x4200;
	s10 =	sand.u32 $0x1, s7  }
0xa: {  	s12 =	smul.u32 $0x2800, s19;
	[smem:$0x7FF] =	sst s6;
	s7 =	sadd.s32 $0x32E00, s0  }
0xb: {  	s8 =	sadd.s32 $0xF0000, s0;
	s9 =	sadd.s32 $0x104000, s0;
	s17 =	smul.u32 $0xA000, s19  }
0xc: {  	s13 =	sadd.s32 $0x6C00, s0;
	s11 =	smul.u32 $0x28000, s10;
	_ =	strace $0x8000004A  }
0xd: {  	[dreg:$0x7] =	wrdreg s13;
	s14 =	ssub.s32 $0x2, s10;
	s16 =	sshll.u32 s10, $0x4  }
0xe: {  	s10 =	smul.u32 $0xA0000, s10;
	s15 =	sshrl.u32 s14, $0x1;
	s16 =	sor.u32 s19, s16  }
0xf: {  	v0 =	vimm.s32 $0x76543210;
	s20 =	sadd.s32 s12, s4;
	s21 =	sadd.s32 s17, s5;
	s26 =	sadd.s32 $0x4000, s17  }
0x10: {  	v1 =	vimm.s32 $0xFEDCBA98;
	v2 =	vimm.s32 $0x3210FEDC;
	s25 =	sadd.s32 s12, s11;
	s11 =	sadd.s32 $0x244000, s0;
	s18 =	ssub.s32 s14, s15  }
0x11: {  	v3 =	vimm.s32 $0xBA987654;
	v4 =	vimm.s32 $0x10FEDCBA;
	s22 =	sadd.s32 s26, s5;
	s14 =	sadd.s32 $0x8000, s17;
	s16 =	smul.u32 $0x1400, s16  }
0x12: {  	v5 =	vimm.s32 $0x98765432;
	v6 =	vimm.s32 $0xFEDCBA9;
	v7 =	vimm.s32 $0x87654321;
	s23 =	sadd.s32 s17, s10;
	s12 =	sadd.s32 s10, s26;
	s17 =	simm.s32 $0x0  }
0x13: {  	v0 =	vunpack.c.l.s4.s8 v0;
	v1 =	vunpack.c.l.s4.s8 v1;
	v2 =	vunpack.c.l.s4.s8 v2;
	s13 =	sshrl.u32 s25, $0x3;
	s15 =	sadd.s32 s14, s5;
	s10 =	sadd.s32 s10, s14  }
0x14: {  	v3 =	vunpack.c.l.s4.s8 v3;
	v4 =	vunpack.c.l.s4.s8 v4;
	v5 =	vunpack.c.l.s4.s8 v5;
	s12 =	sshrl.u32 s12, $0x3;
	s26 =	smax.u32 s18, $0x1;
	[dreg:$0xe] =	wrdreg s22  }
0x15: {  	v6 =	vunpack.c.l.s4.s8 v6;
	v7 =	vunpack.c.l.s4.s8 v7;
	v2 =	vunpack.c.0.s8.s32 v2;
	s0 =	sadd.s32 s13, s0;
	[dreg:$0x8] =	wrdreg s15;
	s10 =	sshrl.u32 s10, $0x3  }
0x16: {  	v3 =	vunpack.c.0.s8.s32 v3;
	v4 =	vunpack.c.0.s8.s32 v4;
	v5 =	vunpack.c.0.s8.s32 v5;
	s24 =	sadd.s32 s3, s12;
	[dreg:$0xd] =	wrdreg s26;
	s15 =	simm.s32 $0xD240  }
0x17: {  	v1 =	vunpack.c.0.s8.s32 v1;
	v6 =	vunpack.c.0.s8.s32 v6;
	v7 =	vunpack.c.0.s8.s32 v7;
	s26 =	simm.s32 $0x100;
	s0 =	sadd.s32 $0x46800, s0;
	[dreg:$0xb] =	wrdreg s24  }
0x18: {  	v2 =	vcombine.low v3, v2;
	v3 =	vcombine.low v5, v4;
	v4 =	vunpack.c.0.s8.s32 v0;
	s25 =	sadd.s32 s3, s10;
	s24 =	simm.s32 $0x200;
	[dreg:$0x9] =	wrdreg s0  }
0x19: {  	vm0 =	vcmask $0x3F08;
	v5 =	vcombine.low v7, v6;
	v1 =	vand.u32 $0xF, v1;
	s10 =	simm.s32 $0xC200;
	s0 =	sshrl.u32 s23, $0x3;
	[dreg:$0xc] =	wrdreg s25  }
0x1a: {  	vm1 =	vmmov $0x1;
	v0 =	vimm.f32 $0.0e+00;
	v1 =	vcombine.low v1, v4;
	s23 =	simm.s32 $0x6;
	s25 =	simm.s32 $0x5;
	s0 =	sadd.s32 s3, s0  }
0x1b: {  	v2 =	vand.u32 $0xF, v2;
	v3 =	vand.u32 $0xF, v3;
	v4 =	vand.u32 $0xF, v5;
	s3 =	simm.s32 $0x4;
	[dreg:$0xa] =	wrdreg s0;
	s0 =	simm.s32 $0x3  }
.LBB2_1:
0x1c: {  	s12 =	simm.s32 $0x0  }
.LBB2_2:
0x1d: {  	p0 =	sne.s32 s12, $0x9FC0  }
.Ltmp0:
0x1e: {  	_ = 	snop;
	(pc) =	sbr.rel @p0 .LBB2_2-.Ltmp0, $3  }
0x1f: {  	_ =	sdelay $0x1  }
0x20: {  	s18 =	sshra.s32 s12, $0x2  }
0x21: {  	s12 =	sadd.s32 $0x40, s12;
	[tilespmem:s18+$0xD240] =	vst v0  }
0x22: {  	s18 =	simm.s32 $0x100;
	s12 =	simm.s32 $0x0  }
.LBB2_4:
0x23: {  	p0 =	sne.s32 s18, $0xFF00;
	[tilespmem:s12+$0x230] =	vst v0;
	s19 =	smov.u32 s18;
	s18 =	sadd.s32 $0x100, s18  }
.Ltmp1:
0x24: {  	[tilespmem:s12+$0x220] =	vst v0;
	(pc) =	sbr.rel @p0 .LBB2_4-.Ltmp1, $3  }
0x25: {  	[tilespmem:s12+$0x200] =	vst v0  }
0x26: {  	[tilespmem:s12+$0x210] =	vst v0;
	_ =	sdelay $0x1  }
0x27: {  	s12 =	sshra.s32 s19, $0x2  }
0x28: {  	[tilespmem:s12+$0x230] =	vst v0  }
0x29: {  	[tilespmem:s12+$0x220] =	vst v0  }
0x2a: {  	[tilespmem:s12+$0x200] =	vst v0  }
0x2b: {  	[tilespmem:s12+$0x210] =	vst v0  }
0x2c: {  	[spmem:s20] =	stream.linear.scatter [tilespmem:s15], [sflag:$0x6], $0x2800, $0x38;
	[tilespmem:$0x1C240] =	vst v63  }
0x2d: {  	_ =	swait.ge [sflag:s23], $0x2800  }
0x2e: {  	[sflag:s23] =	ssyncset.done $0x0  }
0x2f: {  	[sflag:s23] =	ssyncadd.s32 $0xFFFFD800  }
0x30: {  	[spmem:s21] =	stream.linear.scatter [tilespmem:s24], [sflag:$0x6], $0x4000, $0x38;
	[tilespmem:$0x1C240] =	vst v63  }
0x31: {  	_ =	swait.ge [sflag:s23], $0x4000  }
0x32: {  	[sflag:s23] =	ssyncset.done $0x0  }
0x33: {  	[sflag:s23] =	ssyncadd.s32 $0xFFFFC000  }
0x34: {  	[spmem:s22] =	stream.linear.scatter [tilespmem:s24], [sflag:$0x6], $0x4000, $0x38;
	[tilespmem:$0x1C240] =	vst v63  }
0x35: {  	_ =	swait.ge [sflag:s23], $0x4000  }
0x36: {  	[sflag:s23] =	ssyncset.done $0x0  }
0x37: {  	s13 =	smov.u32 s20;
	s20 =	rddreg [dreg:$0x8];
	[sflag:s23] =	ssyncadd.s32 $0xFFFFC000  }
0x38: {  	[spmem:s20] =	stream.linear.scatter [tilespmem:s24], [sflag:$0x6], $0x2000, $0x38;
	[tilespmem:$0x1C240] =	vst v63  }
0x39: {  	_ =	swait.ge [sflag:s23], $0x2000  }
0x3a: {  	s14 =	smov.u32 s21;
	s18 =	simm.s32 $0x0;
	[sflag:s23] =	ssyncset.done $0x0  }
0x3b: {  	s22 =	simm.s32 $0xD200;
	s21 =	rddreg [dreg:$0x7];
	[sflag:s23] =	ssyncadd.s32 $0xFFFFE000  }
0x3c: {  	[tilespmem:s22], [sflag:$0x6] =	stream.linear.gather [hbm4b:s21+s18], $0x40, $0x38;
	[tilespmem:$0x1C240] =	vst v63  }
0x3d: {  	_ =	swait.ge [sflag:s23], $0x40  }
0x3e: {  	[sflag:s23] =	ssyncset.done $0x0  }
0x3f: {  	[sflag:s23] =	ssyncadd.s32 $0xFFFFFFC0  }
0x40: {  	[bflag:$0x0] =	sbarrier.arrive $0xFFFF  }
0x41: {  	v5 =	vld [tilespmem:$0xD200]  }
0x42: {  	v6 =	vld [tilespmem:$0xD210]  }
0x43: {  	v7 =	vld [tilespmem:$0xD220]  }
0x44: {  	s19 =	simm.s32 $0x0;
	v8 =	vld [tilespmem:$0xD230]  }
.LBB2_6:
0x45: {  	s12 =	sshll.u32 s19, $0x8  }
0x46: {  	s20 =	sadd.s32 s16, s12  }
0x47: {  	s12 =	sshrl.u32 s20, $0x3  }
0x48: {  	s21 =	sadd.s32 s1, s12  }
0x49: {  	[tilespmem:s18], [sflag:$0x1] =	stream.linear.gather [hbm4b:s21+s18], $0x100, $0x38;
	[tilespmem:$0x1C240] =	vst v63  }
0x4a: {  	s12 =	sadd.s32 s2, s12;
	s21 =	sshll.u32 s20, $0x3  }
0x4b: {  	[tilespmem:s26], [sflag:$0x2] =	stream.linear.gather [hbm4b:s12+s18], $0x100, $0x38;
	[tilespmem:$0x1C240] =	vst v63  }
0x4c: {  	s12 =	sadd.s32 s9, s21  }
0x4d: {  	[tilespmem:s28], [sflag:$0x5] =	stream.linear.gather [hbm4b:s12+s18], $0x4000, $0x38;
	[tilespmem:$0x1C240] =	vst v63  }
0x4e: {  	_ =	swait.ge [sflag:s29], $0x100  }
0x4f: {  	[sflag:s29] =	ssyncset.done $0x0  }
0x50: {  	[sflag:s29] =	ssyncadd.s32 $0xFFFFFF00  }
0x51: {  	_ =	swait.ge [sflag:s30], $0x100  }
0x52: {  	[sflag:s30] =	ssyncset.done $0x0  }
0x53: {  	[sflag:s30] =	ssyncadd.s32 $0xFFFFFF00  }
0x54: {  	[tilespmem:s24], [sflag:$0x3] =	stream.indirect.gather [hbm4b:s7+s26], $0x40, s18, s26, $0xb8;
	[tilespmem:$0x1C240] =	vst v63  }
0x55: {  	_ = 	snop  }
0x56: {  	[tilespmem:s31], [sflag:$0x4] =	stream.indirect.gather [hbm4b:s8+s26], $0x40, s26, s26, $0xb8;
	[tilespmem:$0x1C240] =	vst v63  }
0x57: {  	_ =	swait.ge [sflag:s0], $0x4000  }
0x58: {  	[sflag:s0] =	ssyncset.done $0x0  }
0x59: {  	[sflag:s0] =	ssyncadd.s32 $0xFFFFC000  }
0x5a: {  	_ =	swait.ge [sflag:s3], $0x4000  }
0x5b: {  	[sflag:s3] =	ssyncset.done $0x0  }
0x5c: {  	[sflag:s3] =	ssyncadd.s32 $0xFFFFC000  }
0x5d: {  	_ =	swait.ge [sflag:s25], $0x4000  }
0x5e: {  	[sflag:s25] =	ssyncset.done $0x0  }
0x5f: {  	s22 =	simm.s32 $0x0;
	[sflag:s25] =	ssyncadd.s32 $0xFFFFC000  }
0x60: {  	v9 =	vld [tilespmem:s22+$0x8210]  }
0x61: {  	v10 =	vld [tilespmem:s22+$0x8200]  }
0x62: {  	v11 =	vld [tilespmem:s22+$0x4210]  }
0x63: {  	v12 =	vld [tilespmem:s22+$0x210]  }
0x64: {  	v13 =	vld [tilespmem:s22+$0x4200]  }
0x65: {  	v14 =	vld [tilespmem:s22+$0x200]  }
0x66: {  	v15 =	vld [tilespmem:s22+$0x4230]  }
0x67: {  	v16 =	vld [tilespmem:s22+$0x230]  }
0x68: {  	v17 =	vld [tilespmem:s22+$0x4220]  }
0x69: {  	v18 =	vld [tilespmem:s22+$0x220];
	v11 =	vadd.f32 v11, v12  }
0x6a: {  	v19 =	vld [tilespmem:s22+$0x8230]  }
0x6b: {  	v9 =	vadd.f32 v9, v11;
	v11 =	vld [tilespmem:s22+$0x8220]  }
0x6c: {  	v13 =	vadd.f32 v13, v14  }
0x6d: {  	v15 =	vadd.f32 v15, v16  }
0x6e: {  	v17 =	vadd.f32 v17, v18;
	v10 =	vadd.f32 v10, v13;
	v13 =	vmul.f32 $2.000000030e-01, v9  }
0x6f: {  	v15 =	vadd.f32 v19, v15;
	vm2 =	vgt.f32 v9, $0.0e+00  }
0x70: {  	v9 =	vsel vm2, v9, v13;
	v13 =	vmul.f32 $2.000000030e-01, v10;
	v11 =	vadd.f32 v11, v17  }
0x71: {  	vm3 =	vgt.f32 v15, $0.0e+00;
	vm2 =	vgt.f32 v10, $0.0e+00  }
0x72: {  	v17 =	vmul.f32 $2.000000030e-01, v15;
	v10 =	vsel vm2, v10, v13;
	v13 =	vmul.f32 $2.000000030e-01, v11  }
0x73: {  	v9 =	vmul.f32 v9, v6;
	v10 =	vmul.f32 v10, v5;
	vm2 =	vgt.f32 v11, $0.0e+00  }
0x74: {  	v11 =	vsel vm2, v11, v13;
	v13 =	vsel vm3, v15, v17  }
0x75: {  	v9 =	vadd.f32 v9, v10;
	v11 =	vmul.f32 v11, v7;
	v13 =	vmul.f32 v13, v8;
	_ =	sdelay $0x1  }
0x76: {  	v10 =	vperm.xlane v9, v1;
	v11 =	vadd.f32 v13, v11;
	_ =	sdelay $0x1  }
0x77: {  	v9 =	vadd.f32 v10, v9;
	v10 =	vperm.xlane v11, v1;
	_ =	sdelay $0x1  }
0x78: {  	v13 =	vperm.xlane v9, v2;
	v10 =	vadd.f32 v10, v11;
	_ =	sdelay $0x1  }
0x79: {  	v9 =	vadd.f32 v13, v9;
	v11 =	vperm.xlane v10, v2;
	_ =	sdelay $0x1  }
0x7a: {  	v13 =	vperm.xlane v9, v3;
	v10 =	vadd.f32 v11, v10;
	_ =	sdelay $0x1  }
0x7b: {  	v9 =	vadd.f32 v13, v9;
	v11 =	vperm.xlane v10, v3;
	_ =	sdelay $0x1  }
0x7c: {  	v13 =	vperm.xlane v9, v4;
	v10 =	vadd.f32 v11, v10;
	_ =	sdelay $0x1  }
0x7d: {  	v9 =	vadd.f32 v13, v9;
	v11 =	vperm.xlane v10, v4;
	_ =	sdelay $0x1  }
0x7e: {  	v9 =	vmul.f32 $1.442695020e+00, v9;
	v10 =	vadd.f32 v11, v10;
	_ =	sdelay $0x1  }
0x7f: {  	(erf) = vpow2.f32 v9;
	v10 =	vmul.f32 $1.442695020e+00, v10;
	_ =	sdelay $0x1  }
0x80: {  	(erf) = vpow2.f32 v10;
	_ =	sdelay $0x6  }
0x81: {  	v9 =	vpop (erf)  }
0x82: {  	v10 =	vmul.f32 v9, v14  }
0x83: {  	v11 =	vmul.f32 v9, v12;
	v12 =	vpop (erf)  }
0x84: {  	[tilespmem:s22+$0x200] =	vst v10;
	v10 =	vmul.f32 v12, v18  }
0x85: {  	[tilespmem:s22+$0x210] =	vst v11;
	v11 =	vmul.f32 v12, v16  }
0x86: {  	[tilespmem:s22+$0x220] =	vst v10;
	v10 =	vsel vm0, $0x0, v12  }
0x87: {  	s21 =	simm.s32 $0xC200;
	[tilespmem:s22+$0x230] =	vst v11;
	v9 =	vsel vm1, v9, v10  }
0x88: {  	s22 =	simm.s32 $0x40;
	[tilespmem:s21+$0x0] =	vst v9  }
0x89: {  	v14 =	vld [tilespmem:s22+$0x8210]  }
0x8a: {  	v13 =	vld [tilespmem:s22+$0x8200]  }
0x8b: {  	v16 =	vld [tilespmem:s22+$0x4210]  }
0x8c: {  	v10 =	vld [tilespmem:s22+$0x210]  }
0x8d: {  	v18 =	vld [tilespmem:s22+$0x4200]  }
0x8e: {  	v11 =	vld [tilespmem:s22+$0x200]  }
0x8f: {  	v15 =	vld [tilespmem:s22+$0x4230]  }
0x90: {  	v9 =	vld [tilespmem:s22+$0x230]  }
0x91: {  	v17 =	vld [tilespmem:s22+$0x4220]  }
0x92: {  	v12 =	vld [tilespmem:s22+$0x220];
	v19 =	vadd.f32 v16, v10  }
0x93: {  	s12 =	simm.s32 $0x200;
	v16 =	vld [tilespmem:s22+$0x8230]  }
.LBB2_7:
0x94: {  	p0 =	sne.s32 s12, $0xFF00;
	v18 =	vadd.f32 v18, v11;
	v14 =	vadd.f32 v14, v19;
	v19 =	vld [tilespmem:s22+$0x8220];
	_ =	sdelay $0x1  }
0x95: {  	v13 =	vadd.f32 v13, v18;
	v18 =	vmul.f32 $2.000000030e-01, v14  }
0x96: {  	v15 =	vadd.f32 v15, v9;
	vm2 =	vgt.f32 v14, $0.0e+00;
	v17 =	vadd.f32 v17, v12  }
0x97: {  	v14 =	vsel vm2, v14, v18  }
0x98: {  	v18 =	vmul.f32 $2.000000030e-01, v13;
	v15 =	vadd.f32 v16, v15;
	v17 =	vadd.f32 v19, v17  }
0x99: {  	vm2 =	vgt.f32 v13, $0.0e+00;
	v14 =	vmul.f32 v14, v6  }
0x9a: {  	v13 =	vsel vm2, v13, v18;
	v18 =	vmul.f32 $2.000000030e-01, v15;
	v16 =	vmul.f32 $2.000000030e-01, v17  }
0x9b: {  	vm3 =	vgt.f32 v15, $0.0e+00;
	v13 =	vmul.f32 v13, v5;
	vm2 =	vgt.f32 v17, $0.0e+00  }
0x9c: {  	v15 =	vsel vm3, v15, v18;
	v16 =	vsel vm2, v17, v16  }
0x9d: {  	v15 =	vmul.f32 v15, v8;
	v13 =	vadd.f32 v14, v13;
	v16 =	vmul.f32 v16, v7;
	_ =	sdelay $0x1  }
0x9e: {  	v14 =	vperm.xlane v13, v1;
	v15 =	vadd.f32 v15, v16;
	_ =	sdelay $0x1  }
0x9f: {  	v13 =	vadd.f32 v14, v13;
	v14 =	vperm.xlane v15, v1;
	_ =	sdelay $0x1  }
0xa0: {  	v16 =	vperm.xlane v13, v2;
	v14 =	vadd.f32 v14, v15;
	_ =	sdelay $0x1  }
0xa1: {  	v13 =	vadd.f32 v16, v13;
	v15 =	vperm.xlane v14, v2;
	_ =	sdelay $0x1  }
0xa2: {  	v16 =	vperm.xlane v13, v3;
	v14 =	vadd.f32 v15, v14;
	_ =	sdelay $0x1  }
0xa3: {  	v13 =	vadd.f32 v16, v13;
	v15 =	vperm.xlane v14, v3;
	_ =	sdelay $0x1  }
0xa4: {  	v16 =	vperm.xlane v13, v4;
	v14 =	vadd.f32 v15, v14;
	_ =	sdelay $0x1  }
0xa5: {  	v13 =	vadd.f32 v16, v13;
	v15 =	vperm.xlane v14, v4;
	_ =	sdelay $0x1  }
0xa6: {  	v13 =	vmul.f32 $1.442695020e+00, v13;
	v14 =	vadd.f32 v15, v14;
	_ =	sdelay $0x1  }
0xa7: {  	v14 =	vmul.f32 $1.442695020e+00, v14;
	(erf) = vpow2.f32 v13;
	_ =	sdelay $0x1  }
0xa8: {  	(erf) = vpow2.f32 v14;
	_ =	sdelay $0x6  }
0xa9: {  	v13 =	vpop (erf)  }
0xaa: {  	v11 =	vmul.f32 v13, v11  }
0xab: {  	v10 =	vmul.f32 v13, v10;
	v14 =	vpop (erf)  }
0xac: {  	[tilespmem:s22+$0x200] =	vst v11;
	v11 =	vmul.f32 v14, v12  }
0xad: {  	v9 =	vmul.f32 v14, v9;
	[tilespmem:s22+$0x210] =	vst v10  }
0xae: {  	v10 =	vsel vm0, $0x0, v14;
	[tilespmem:s22+$0x220] =	vst v11  }
0xaf: {  	s21 =	sadd.s32 $0x10, s21;
	[tilespmem:s22+$0x230] =	vst v9;
	v9 =	vsel vm1, v13, v10  }
0xb0: {  	s22 =	sshra.s32 s12, $0x2;
	[tilespmem:s21+$0x0] =	vst v9  }
0xb1: {  	v14 =	vld [tilespmem:s22+$0x8210]  }
0xb2: {  	v13 =	vld [tilespmem:s22+$0x8200]  }
0xb3: {  	v12 =	vld [tilespmem:s22+$0x4210]  }
0xb4: {  	v10 =	vld [tilespmem:s22+$0x210]  }
0xb5: {  	v18 =	vld [tilespmem:s22+$0x4200]  }
0xb6: {  	v11 =	vld [tilespmem:s22+$0x200]  }
.Ltmp2:
0xb7: {  	v15 =	vld [tilespmem:s22+$0x4230];
	(pc) =	sbr.rel @p0 .LBB2_7-.Ltmp2, $4  }
0xb8: {  	v9 =	vld [tilespmem:s22+$0x230]  }
0xb9: {  	v17 =	vld [tilespmem:s22+$0x4220]  }
0xba: {  	v19 =	vadd.f32 v12, v10;
	v12 =	vld [tilespmem:s22+$0x220]  }
0xbb: {  	s12 =	sadd.s32 $0x100, s12;
	v16 =	vld [tilespmem:s22+$0x8230]  }
0xbc: {  	v14 =	vadd.f32 v14, v19;
	v57 =	vld [tilespmem:s22+$0x8220]  }
0xbd: {  	v18 =	vadd.f32 v18, v11  }
0xbe: {  	v15 =	vadd.f32 v15, v9;
	v58 =	vmul.f32 $2.000000030e-01, v14  }
0xbf: {  	v13 =	vadd.f32 v13, v18;
	vm2 =	vgt.f32 v14, $0.0e+00;
	v17 =	vadd.f32 v17, v12  }
0xc0: {  	v14 =	vsel vm2, v14, v58  }
0xc1: {  	v59 =	vmul.f32 $2.000000030e-01, v13;
	v15 =	vadd.f32 v16, v15;
	v17 =	vadd.f32 v57, v17  }
0xc2: {  	vm2 =	vgt.f32 v13, $0.0e+00;
	v14 =	vmul.f32 v14, v6  }
0xc3: {  	v13 =	vsel vm2, v13, v59;
	v61 =	vmul.f32 $2.000000030e-01, v15;
	v60 =	vmul.f32 $2.000000030e-01, v17  }
0xc4: {  	vm3 =	vgt.f32 v15, $0.0e+00;
	v13 =	vmul.f32 v13, v5;
	vm2 =	vgt.f32 v17, $0.0e+00  }
0xc5: {  	v15 =	vsel vm3, v15, v61;
	v16 =	vsel vm2, v17, v60  }
0xc6: {  	v15 =	vmul.f32 v15, v8;
	v13 =	vadd.f32 v14, v13;
	v16 =	vmul.f32 v16, v7;
	_ =	sdelay $0x1  }
0xc7: {  	v14 =	vperm.xlane v13, v1;
	v15 =	vadd.f32 v15, v16;
	_ =	sdelay $0x1  }
0xc8: {  	v13 =	vadd.f32 v14, v13;
	v62 =	vperm.xlane v15, v1;
	_ =	sdelay $0x1  }
0xc9: {  	v63 =	vperm.xlane v13, v2;
	v14 =	vadd.f32 v62, v15;
	_ =	sdelay $0x1  }
0xca: {  	v13 =	vadd.f32 v63, v13;
	v15 =	vperm.xlane v14, v2;
	_ =	sdelay $0x1  }
0xcb: {  	v16 =	vperm.xlane v13, v3;
	v14 =	vadd.f32 v15, v14;
	_ =	sdelay $0x1  }
0xcc: {  	v13 =	vadd.f32 v16, v13;
	v15 =	vperm.xlane v14, v3;
	_ =	sdelay $0x1  }
0xcd: {  	v16 =	vperm.xlane v13, v4;
	v14 =	vadd.f32 v15, v14;
	_ =	sdelay $0x1  }
0xce: {  	v13 =	vadd.f32 v16, v13;
	v15 =	vperm.xlane v14, v4;
	_ =	sdelay $0x1  }
0xcf: {  	v13 =	vmul.f32 $1.442695020e+00, v13;
	v14 =	vadd.f32 v15, v14;
	_ =	sdelay $0x1  }
0xd0: {  	(erf) = vpow2.f32 v13;
	v14 =	vmul.f32 $1.442695020e+00, v14;
	_ =	sdelay $0x1  }
0xd1: {  	(erf) = vpow2.f32 v14;
	_ =	sdelay $0x6  }
0xd2: {  	v13 =	vpop (erf)  }
0xd3: {  	v11 =	vmul.f32 v13, v11  }
0xd4: {  	v10 =	vmul.f32 v13, v10;
	v14 =	vpop (erf)  }
0xd5: {  	[tilespmem:s22+$0x200] =	vst v11;
	v11 =	vmul.f32 v14, v12  }
0xd6: {  	[tilespmem:s22+$0x210] =	vst v10;
	v9 =	vmul.f32 v14, v9  }
0xd7: {  	v10 =	vsel vm0, $0x0, v14;
	[tilespmem:s22+$0x220] =	vst v11  }
0xd8: {  	s12 =	sadd.s32 $0x10, s21;
	s20 =	sshll.u32 s20, $0x1;
	[tilespmem:s22+$0x230] =	vst v9;
	v9 =	vsel vm1, v13, v10  }
0xd9: {  	s22 =	sadd.s32 s11, s20;
	[tilespmem:s12+$0x0] =	vst v9  }
0xda: {  	[hbm4b:s22+s6] =	stream.linear.scatter [tilespmem:s10], [sflag:$0x6], $0x1000, $0x38;
	[tilespmem:$0x1C240] =	vst v63  }
0xdb: {  	_ =	swait.ge [sflag:s23], $0x1000  }
0xdc: {  	[sflag:s23] =	ssyncset.done $0x0  }
0xdd: {  	[sflag:s23] =	ssyncadd.s32 $0xFFFFF000  }
0xde: {  	[spmem:s4] =	stream.indirect.scatter.add.f32 [tilespmem:s10], [sflag:$0x6], $0x10, s26, s26, $0xb8;
	[tilespmem:$0x1C240] =	vst v63  }
0xdf: {  	s19 =	sadd.s32 $0x1, s19;
	_ =	swait.ge [sflag:s23], $0x1000  }
0xe0: {  	p0 =	sne.s32 s19, $0x14;
	[sflag:s23] =	ssyncset.done $0x0  }
.Ltmp3:
0xe1: {  	[sflag:s23] =	ssyncadd.s32 $0xFFFFF000;
	(pc) =	sbr.rel @p0 .LBB2_6-.Ltmp3, $4  }
0xe2: {  	[spmem:s5] =	stream.indirect.scatter.add.f32 [tilespmem:s24], [sflag:$0x6], $0x40, s26, s26, $0xb8;
	[tilespmem:$0x1C240] =	vst v63  }
0xe3: {  	_ =	swait.ge [sflag:s23], $0x4000  }
0xe4: {  	[sflag:s23] =	ssyncset.done $0x0  }
0xe5: {  	[sflag:s23] =	ssyncadd.s32 $0xFFFFC000  }
0xe6: {  	[bflag:$0x0] =	sbarrier.arrive $0xFFFF;
	s20 =	smov.u32 s13;
	s21 =	simm.s32 $0xD240  }
0xe7: {  	[tilespmem:s21], [sflag:$0x6] =	stream.linear.gather [spmem:s20], $0x2800, $0x38;
	[tilespmem:$0x1C240] =	vst v63  }
0xe8: {  	_ =	swait.ge [sflag:s23], $0x2800  }
0xe9: {  	[sflag:s23] =	ssyncset.done $0x0  }
0xea: {  	s12 =	rddreg [dreg:$0x9];
	[sflag:s23] =	ssyncadd.s32 $0xFFFFD800  }
0xeb: {  	[hbm4b:s12+s6] =	stream.linear.scatter [tilespmem:s21], [sflag:$0x6], $0x2800, $0x38;
	[tilespmem:$0x1C240] =	vst v63  }
0xec: {  	_ =	swait.ge [sflag:s23], $0x2800  }
0xed: {  	[sflag:s23] =	ssyncset.done $0x0  }
0xee: {  	[sflag:s23] =	ssyncadd.s32 $0xFFFFD800  }
0xef: {  	[tilespmem:s24], [sflag:$0x6] =	stream.linear.gather [spmem:s14], $0x4000, $0x38;
	[tilespmem:$0x1C240] =	vst v63  }
0xf0: {  	_ =	swait.ge [sflag:s23], $0x4000  }
0xf1: {  	[sflag:s23] =	ssyncset.done $0x0  }
0xf2: {  	s22 =	rddreg [dreg:$0xa];
	[sflag:s23] =	ssyncadd.s32 $0xFFFFC000  }
0xf3: {  	[hbm4b:s22+s6] =	stream.linear.scatter [tilespmem:s24], [sflag:$0x6], $0x4000, $0x38;
	[tilespmem:$0x1C240] =	vst v63  }
0xf4: {  	_ =	swait.ge [sflag:s23], $0x4000  }
0xf5: {  	[sflag:s23] =	ssyncset.done $0x0  }
0xf6: {  	s22 =	rddreg [dreg:$0xe];
	[sflag:s23] =	ssyncadd.s32 $0xFFFFC000  }
0xf7: {  	[tilespmem:s24], [sflag:$0x6] =	stream.linear.gather [spmem:s22], $0x4000, $0x38;
	[tilespmem:$0x1C240] =	vst v63  }
0xf8: {  	_ =	swait.ge [sflag:s23], $0x4000  }
0xf9: {  	[sflag:s23] =	ssyncset.done $0x0  }
0xfa: {  	s13 =	rddreg [dreg:$0xb];
	[sflag:s23] =	ssyncadd.s32 $0xFFFFC000  }
0xfb: {  	[hbm4b:s13+s6] =	stream.linear.scatter [tilespmem:s24], [sflag:$0x6], $0x4000, $0x38;
	[tilespmem:$0x1C240] =	vst v63  }
0xfc: {  	_ =	swait.ge [sflag:s23], $0x4000  }
0xfd: {  	[sflag:s23] =	ssyncset.done $0x0  }
0xfe: {  	s21 =	smov.u32 s14;
	s14 =	rddreg [dreg:$0x8];
	[sflag:s23] =	ssyncadd.s32 $0xFFFFC000  }
0xff: {  	[tilespmem:s24], [sflag:$0x6] =	stream.linear.gather [spmem:s14], $0x2000, $0x38;
	[tilespmem:$0x1C240] =	vst v63  }
0x100: {  	_ =	swait.ge [sflag:s23], $0x2000  }
0x101: {  	[sflag:s23] =	ssyncset.done $0x0  }
0x102: {  	s18 =	rddreg [dreg:$0xc];
	[sflag:s23] =	ssyncadd.s32 $0xFFFFE000  }
0x103: {  	[hbm4b:s18+s6] =	stream.linear.scatter [tilespmem:s24], [sflag:$0x6], $0x2000, $0x38;
	[tilespmem:$0x1C240] =	vst v63  }
0x104: {  	_ =	swait.ge [sflag:s23], $0x2000  }
0x105: {  	s17 =	sadd.s32 $0x1, s17;
	s19 =	rddreg [dreg:$0xd]  }
0x106: {  	p0 =	sne.s32 s17, s19  }
.Ltmp4:
0x107: {  	_ = 	snop;
	(pc) =	sbr.rel @p0 .LBB2_1-.Ltmp4, $3  }
0x108: {  	_ =	sdelay $0x1  }
0x109: {  	[sflag:s23] =	ssyncset.done $0x0  }
0x10a: {  	s15 =	simm.s32 $0xD240;
	[sflag:s23] =	ssyncadd.s32 $0xFFFFE000  }
0x10b: {  	_ =	sfence.sel $0x180000  }
0x10c: {  	[bflag:$0x0] =	sbarrier.arrive $0xFFFF  }
0x10d: {  	_ =	strace $0x9000004A  }
0x10e: {  	s0 =	stileid.u32;
	[bflag:$0x2] =	sbarrier.arrive $0xFFFF  }
0x10f: {  	p0 =	sne.s32 s0, $0x0;
	s0 =	rddreg [dreg:$0x6]  }
0x110: {  	s0 =	sadd.s32 @!p0 $0x100000, s0  }
0x111: {  	[sflag:s0] =	ssyncadd.tile.s32 @!p0 $0x1;
	_ =	shalt  }
.Lfunc_end2:
_tile_overlayer_lowered:
.L_overlay_start_2:
0x112: {  	(tag) =	ssettag $0x2  }
0x113: {  	s0 =	rddreg [dreg:$0x0];
	s2 =	stileid.u32  }
0x114: {  	s1 =	rddreg [dreg:$0x1];
	p0 =	sne.s32 s2, $0x0  }
0x115: {  	s3 =	rddreg [dreg:$0x2];
	[bflag:$0x3] =	sbarrier.arrive $0xFFFF;
	s2 =	simm.s32 @!p0 $0x1C06  }
0x116: {  	[timem:s3], [sflag:s2] =	dma.local @!p0 [hbm:s0], s1  }
0x117: {  	s0 =	simm.s32 @!p0 $0x6  }
0x118: {  	_ =	swait.ge @!p0 [sflag:s0], s1  }
0x119: {  	s1 =	ssub.s32 @!p0 $0x0, s1;
	[sflag:s0] =	ssyncset.done @!p0 $0x0  }
0x11a: {  	[sflag:s0] =	ssyncadd.s32 @!p0 s1  }
0x11b: {  	[bflag:$0x3] =	sbarrier.arrive $0xFFFF  }
0x11c: {  	_ =	shalt  }

// kernel: kernel.13.cloned.1.call-start
scs
__scs_entry_jumppad:
0x0: {  	(pc) =	sbr.rel $0x88, $3  }
0x1: {  	(tag) =	ssettag $0x0;
	lr =	simm.s32 $0x1  }
0x2: {  	[smem:$0x3F93] =	sst lr;
	_ =	strace $0xD0000000  }
0x3: {  	_ = 	snop  }
0x4: {  	_ = 	snop  }
0x5: {  	_ = 	snop  }
0x6: {  	_ = 	snop  }
0x7: {  	_ = 	snop  }
__scs_overlays_trampoline_lowered:
0x8: {  	[smem:$0x3FA2] =	sst s0  }
0x9: {  	[smem:$0x3FA3] =	sst s1  }
0xa: {  	[smem:$0x3FA4] =	sst s2  }
0xb: {  	[smem:$0x3FA5] =	sst s3  }
0xc: {  	[smem:$0x3FA6] =	sst s4  }
0xd: {  	[smem:$0x3FA7] =	sst s5  }
0xe: {  	[smem:$0x3FA8] =	sst s6  }
0xf: {  	[smem:$0x3FA9] =	sst s7  }
0x10: {  	[smem:$0x3FAA] =	sst s8  }
0x11: {  	[smem:$0x3FAB] =	sst s9;
	s0 =	simm.s32 @!p0 $0x0  }
0x12: {  	s1 =	sld [smem:$0x3F91];
	s0 =	simm.s32 @p0 $0x1  }
0x13: {  	[smem:$0x3FAC] =	sst s0;
	s0 =	simm.s32 @!p1 $0x0  }
0x14: {  	s2 =	sld [smem:$0x3F90];
	s0 =	simm.s32 @p1 $0x1  }
0x15: {  	[smem:$0x3FAD] =	sst s0;
	s0 =	simm.s32 @!p2 $0x0  }
0x16: {  	s3 =	sld [smem:$0x3FDB];
	s0 =	simm.s32 @p2 $0x1  }
0x17: {  	s4 =	simm.s32 $0x1BF5;
	[smem:$0x3FAF] =	sst s0  }
0x18: {  	s0 =	sld [smem:$0x3F92];
	_ =	swait.ge [sflag:s4], $0x0  }
0x19: {  	s7 =	sld [smem:$0x3F93]  }
0x1a: {  	s8 =	sadd.s32 $0xFFFFE003, lr  }
0x1b: {  	s9 =	sadd.s32 $0xFFFFFEF7, lr;
	s5 =	simm.s32 $0xFFFFFFFF;
	p2 =	slt.u32 s8, $0xFFFFF086  }
0x1c: {  	p1 =	slt.u32 s9, $0xF7A;
	s5 =	simm.s32 @!p2 $0x0  }
0x1d: {  	s5 =	simm.s32 @p1 $0x1;
	p0 =	seq.s32 s7, s2  }
0x1e: {  	s7 =	smul.u32 @!p0 $0xF7A, s2;
	p2 =	seq.s32 @!p0 s5, $0x0  }
0x1f: {  	s9 =	smul.u32 $0xF7A, s1;
	s8 =	simm.s32 @!p0 $0x1BF5;
	p2 =	por !p2, p0  }
0x20: {  	[sflag:s8] =	ssyncset.s32 @!p0 $0xFFFFF086;
	s6 =	sadd.s32 @!p0 s3, s7;
	s7 =	simm.s32 @!p0 $0x108  }
0x21: {  	s3 =	sadd.s32 s3, s9;
	s6 =	sadd.s32 @!p0 $0x88, s6;
	s7 =	simm.s32 @p2 $0x1082  }
0x22: {  	[simem:s7], [sflag:s8] =	dma.local @!p0 [hbm:s6], $0xF7A  }
0x23: {  	s9 =	sor.u32 $0xD0000000, s2;
	s6 =	simm.s32 $0x108;
	_ =	swait.ge @!p0 [sflag:s8], $0x0  }
0x24: {  	s3 =	sadd.s32 $0x88, s3;
	s6 =	simm.s32 @!p1 $0x1082;
	[sflag:s4] =	ssyncset.s32 $0xFFFFF086  }
0x25: {  	[simem:s6], [sflag:s4] =	dma.local [hbm:s3], $0xF7A  }
0x26: {  	[smem:$0x3F93] =	sst s1;
	(tag) =	ssettag s2;
	_ =	strace s9  }
0x27: {  	s1 =	sld [smem:$0x3FA3]  }
0x28: {  	s2 =	sld [smem:$0x3FA4]  }
0x29: {  	s4 =	sld [smem:$0x3FA6]  }
0x2a: {  	p0 =	seq.s32 s5, $0x0;
	s5 =	sld [smem:$0x3FA7]  }
0x2b: {  	s6 =	sld [smem:$0x3FA8]  }
0x2c: {  	s7 =	sld [smem:$0x3FA9]  }
0x2d: {  	s3 =	simm.s32 $0x108;
	s8 =	sld [smem:$0x3FAA]  }
0x2e: {  	s3 =	simm.s32 @!p0 $0x1082;
	s9 =	sld [smem:$0x3FAB]  }
0x2f: {  	lr =	sadd.s32 s0, s3;
	s0 =	sld [smem:$0x3FA2]  }
0x30: {  	s3 =	sld [smem:$0x3FA5]  }
0x31: {  	[smem:$0x3FAE] =	sst s10  }
0x32: {  	s10 =	sld [smem:$0x3FAC];
	_ =	sdelay $0x3  }
0x33: {  	p0 =	seq.s32 s10, $0x1;
	s10 =	sld [smem:$0x3FAE];
	_ =	sdelay $0x3  }
0x34: {  	[smem:$0x3FAE] =	sst s10  }
0x35: {  	s10 =	sld [smem:$0x3FAD];
	_ =	sdelay $0x3  }
0x36: {  	p1 =	seq.s32 s10, $0x1;
	s10 =	sld [smem:$0x3FAE];
	_ =	sdelay $0x3  }
0x37: {  	[smem:$0x3FAE] =	sst s10  }
0x38: {  	s10 =	sld [smem:$0x3FAF]  }
0x39: {  	_ = 	snop;
	(pc) =	sbr.ind lr, $3  }
0x3a: {  	_ = 	snop  }
0x3b: {  	_ = 	snop  }
0x3c: {  	p2 =	seq.s32 s10, $0x1;
	s10 =	sld [smem:$0x3FAE]  }
0x3d: {  	_ =	shalt  }
0x3e: {  	_ =	shalt  }
0x3f: {  	_ =	shalt  }
0x40: {  	_ =	shalt  }
0x41: {  	_ =	shalt  }
0x42: {  	_ =	shalt  }
0x43: {  	_ =	shalt  }
0x44: {  	_ =	shalt  }
0x45: {  	_ =	shalt  }
0x46: {  	_ =	shalt  }
0x47: {  	_ =	shalt  }
0x48: {  	_ =	shalt  }
0x49: {  	_ =	shalt  }
0x4a: {  	_ =	shalt  }
0x4b: {  	_ =	shalt  }
0x4c: {  	_ =	shalt  }
0x4d: {  	_ =	shalt  }
0x4e: {  	_ =	shalt  }
0x4f: {  	_ =	shalt  }
0x50: {  	_ =	shalt  }
0x51: {  	_ =	shalt  }
0x52: {  	_ =	shalt  }
0x53: {  	_ =	shalt  }
0x54: {  	_ =	shalt  }
0x55: {  	_ =	shalt  }
0x56: {  	_ =	shalt  }
0x57: {  	_ =	shalt  }
0x58: {  	_ =	shalt  }
0x59: {  	_ =	shalt  }
0x5a: {  	_ =	shalt  }
0x5b: {  	_ =	shalt  }
0x5c: {  	_ =	shalt  }
0x5d: {  	_ =	shalt  }
0x5e: {  	_ =	shalt  }
0x5f: {  	_ =	shalt  }
0x60: {  	_ =	shalt  }
0x61: {  	_ =	shalt  }
0x62: {  	_ =	shalt  }
0x63: {  	_ =	shalt  }
0x64: {  	_ =	shalt  }
0x65: {  	_ =	shalt  }
0x66: {  	_ =	shalt  }
0x67: {  	_ =	shalt  }
0x68: {  	_ =	shalt  }
0x69: {  	_ =	shalt  }
0x6a: {  	_ =	shalt  }
0x6b: {  	_ =	shalt  }
0x6c: {  	_ =	shalt  }
0x6d: {  	_ =	shalt  }
0x6e: {  	_ =	shalt  }
0x6f: {  	_ =	shalt  }
0x70: {  	_ =	shalt  }
0x71: {  	_ =	shalt  }
0x72: {  	_ =	shalt  }
0x73: {  	_ =	shalt  }
0x74: {  	_ =	shalt  }
0x75: {  	_ =	shalt  }
0x76: {  	_ =	shalt  }
0x77: {  	_ =	shalt  }
0x78: {  	_ =	shalt  }
0x79: {  	_ =	shalt  }
0x7a: {  	_ =	shalt  }
0x7b: {  	_ =	shalt  }
0x7c: {  	_ =	shalt  }
0x7d: {  	_ =	shalt  }
0x7e: {  	_ =	shalt  }
0x7f: {  	_ =	shalt  }
0x80: {  	_ =	shalt  }
0x81: {  	_ =	shalt  }
0x82: {  	_ =	shalt  }
0x83: {  	_ =	shalt  }
0x84: {  	_ =	shalt  }
0x85: {  	_ =	shalt  }
0x86: {  	_ =	shalt  }
0x87: {  	_ =	shalt  }
.Lfunc_end0:
.L_simem_size_0:
called_computation.1_lowered:
.L_overlay_start_0:
0x88: {  	s2 =	sld [smem:$0x3FD9]  }
0x89: {  	s3 =	sld [smem:$0x3FFE];
	_ =	sdelay $0x1  }
0x8a: {  	s1 =	srdreg.scid  }
0x8b: {  	s0 =	sand.u32 $0x1, s1  }
0x8c: {  	s14 =	sshll.u32 s0, $0xA;
	s2 =	sadd.s32 s3, s2  }
0x8d: {  	s2 =	sadd.s32 s2, s14  }
0x8e: {  	[smem:$0x3FBA] =	sst s2  }
0x8f: {  	_ = 	snop  }
0x90: {  	s2 =	sld [smem:$0x3FD0];
	_ =	sdelay $0x2  }
0x91: {  	s15 =	simm.s32 $0xB;
	s4 =	simm.s32 $0x10  }
0x92: {  	[smem:s4], [sflag:s15] =	dma.local [hbm:s2], $0x1  }
0x93: {  	_ =	swait.eq [sflag:s15], $0x1  }
0x94: {  	s16 =	sld [smem:$0x11];
	[sflag:s15] =	ssyncset.done $0x0  }
0x95: {  	s17 =	sld [smem:$0x12];
	[sflag:s15] =	ssyncadd.s32 $0xFFFFFFFF  }
0x96: {  	s18 =	sld [smem:$0x13];
	(tm) =	ssettm $0x1  }
0x97: {  	s5 =	sld [smem:$0x3FFB];
	_ =	sdelay $0x3  }
0x98: {  	_ =	strace s5  }
0x99: {  	s5 =	sld [smem:$0x3FFC];
	_ =	sdelay $0x3  }
0x9a: {  	_ =	strace s5  }
0x9b: {  	s5 =	sld [smem:$0x3FFD];
	_ =	sdelay $0x3  }
0x9c: {  	_ =	strace s5  }
0x9d: {  	_ =	strace $0x8FFFFFFF  }
0x9e: {  	s19 =	sld [smem:$0x3FDB];
	_ =	sdelay $0x1  }
0x9f: {  	s6 =	simm.s32 $_scs_section_size  }
0xa0: {  	s7 =	simm.s32 $_size__tile_overlayer_lowered;
	s8 =	simm.s32 $_tile_overlayer_lowered  }
0xa1: {  	s22 =	simm.s32 $0x1BFF;
	s21 =	sshll.u32 s8, $0x1;
	s5 =	sadd.s32 s6, s19  }
0xa2: {  	s9 =	simm.s32 $0x0;
	s20 =	sshll.u32 s7, $0x1;
	s7 =	sadd.s32 s21, s5  }
0xa3: {  	[timem:s9], [sflag:s22] =	dma.local [hbm:s7], s20  }
0xa4: {  	_ =	swait.ge [sflag:s22], s20  }
0xa5: {  	s6 =	ssub.s32 $0x0, s20;
	[sflag:s22] =	ssyncset.done $0x0  }
0xa6: {  	[sflag:s22] =	ssyncadd.s32 s6;
	_ =	sdelay $0x1  }
0xa7: {  	s23 =	simm.s32 $0x1B8B  }
0xa8: {  	_ =	swait.ge [sflag:s23], $0x1  }
0xa9: {  	[sflag:s23] =	ssyncset.done $0x0  }
0xaa: {  	s25 =	simm.s32 $0x1B8E;
	s24 =	sld [smem:$0x3FFE];
	[sflag:s23] =	ssyncadd.s32 $0xFFFFFFFF  }
0xab: {  	s26 =	simm.s32 $execute0_lowered;
	[smem:$0x3FD2] =	sst s25  }
0xac: {  	s7 =	sshll.u32 s26, $0x1;
	_ =	strace $0x80000046;
	[dreg:$0x1] =	wrdreg $0xFFFFFFFF  }
0xad: {  	s28 =	simm.s32 $_size_execute0_lowered;
	s5 =	sadd.s32 s5, s7;
	[dreg:$0x0] =	wrdreg $0x0  }
0xae: {  	s7 =	sshll.u32 s28, $0x1;
	[dreg:$0x2] =	wrdreg s5  }
0xaf: {  	[dreg:$0x3] =	wrdreg s7  }
0xb0: {  	[dreg:$0x4] =	wrdreg $0xC0  }
0xb1: {  	_ =	task [dreg:s9], $0x5FFFF  }
0xb2: {  	[dreg:$0x1] =	wrdreg $0xFFFFFFFF  }
0xb3: {  	[dreg:$0x0] =	wrdreg $0x60  }
0xb4: {  	[dreg:$0x2] =	wrdreg s17  }
0xb5: {  	[dreg:$0x3] =	wrdreg s24  }
0xb6: {  	[dreg:$0x4] =	wrdreg s18  }
0xb7: {  	[dreg:$0x5] =	wrdreg s16  }
0xb8: {  	[dreg:$0x6] =	wrdreg $0xFA400  }
0xb9: {  	[dreg:$0x7] =	wrdreg $0x122400  }
0xba: {  	[dreg:$0x8] =	wrdreg $0xA  }
0xbb: {  	_ =	task.clear_ibuf [dreg:s9], $0x9FFFF;
	_ =	strace $0x90000046  }
0xbc: {  	s29 =	simm.s32 $0xA;
	_ =	strace $0x80000048  }
0xbd: {  	_ =	swait.ge [sflag:s29], $0x1  }
0xbe: {  	[sflag:s29] =	ssyncadd.s32 $0xFFFFFFFF  }
0xbf: {  	_ =	strace $0x90000048  }
0xc0: {  	_ =	sfence  }
0xc1: {  	s30 =	sld [smem:$0x0];
	_ =	sdelay $0x2  }
0xc2: {  	s31 =	sshll.u32 s1, $0xD;
	s1 =	sshrl.u32 s1, $0x2  }
0xc3: {  	s3 =	sand.u32 $0x4000, s31;
	s1 =	sadd.s32 s1, s30  }
0xc4: {  	s0 =	sor.u32 s3, s0;
	s1 =	sshll.u32 s1, $0x11  }
0xc5: {  	s0 =	sor.u32 s1, s0  }
0xc6: {  	s0 =	sadd.s32 $0x8F2B, s0  }
0xc7: {  	[sflag:s0] =	ssyncadd.remote.s32 $0x1  }
0xc8: {  	_ =	sfence.sel $0xFFFF  }
0xc9: {  	[dreg:$0x0] =	wrdreg $0xFFFFFFFF;
	(pc) =	sbr.abs _section_cstart, $3  }
0xca: {  	[dreg:$0x1] =	wrdreg $0xFFFFFFFF  }
0xcb: {  	_ =	task.clear_ibuf [dreg:s9], $0x2FFFF;
	_ =	strace $0x9FFFFFFF  }
0xcc: {  	(tm) =	ssettm $0x7FFFFFFF  }
0xcd: {  	_ =	shalt  }
tec
execute0_lowered:
.L_overlay_start_1:
0x0: {  	(tag) =	ssettag $0x1  }
0x1: {  	s0 =	rddreg [dreg:$0x0]  }
0x2: {  	s1 =	rddreg [dreg:$0x1]  }
0x3: {  	s2 =	rddreg [dreg:$0x2]  }
0x4: {  	s3 =	rddreg [dreg:$0x3]  }
0x5: {  	s5 =	rddreg [dreg:$0x4];
	s4 =	srdreg.scid  }
0x6: {  	s16 =	stileid.u32;
	s6 =	rddreg [dreg:$0x5]  }
0x7: {  	s7 =	simm.s32 $0x0;
	s28 =	simm.s32 $0x8200;
	s29 =	simm.s32 $0x1  }
0x8: {  	s30 =	simm.s32 $0x2;
	s31 =	simm.s32 $0x4200;
	s10 =	smul.u32 $0x2800, s16  }
0x9: {  	s4 =	sand.u32 $0x1, s4;
	[smem:$0x7FF] =	sst s7;
	s17 =	smul.u32 $0xA000, s16  }
0xa: {  	s8 =	sadd.s32 $0x5A000, s1;
	s12 =	sadd.s32 $0x6A00, s1;
	s9 =	smul.u32 $0x28000, s4  }
0xb: {  	_ =	strace $0x80000047;
	[dreg:$0x7] =	wrdreg s12;
	s13 =	ssub.s32 $0x2, s4  }
0xc: {  	s15 =	sshll.u32 s4, $0x4;
	s4 =	smul.u32 $0xA0000, s4;
	s14 =	sshrl.u32 s13, $0x1  }
0xd: {  	s16 =	sor.u32 s16, s15;
	s20 =	sadd.s32 s10, s5;
	s21 =	sadd.s32 s17, s6  }
0xe: {  	v0 =	vimm.s32 $0x76543210;
	s23 =	sadd.s32 $0x4000, s17;
	s19 =	sadd.s32 $0x8000, s17;
	s15 =	simm.s32 $0xD240  }
0xf: {  	v1 =	vimm.s32 $0xFEDCBA98;
	v2 =	vimm.s32 $0x3210FEDC;
	s11 =	sadd.s32 s10, s9;
	s9 =	sadd.s32 $0x2EE000, s1;
	s18 =	ssub.s32 s13, s14  }
0x10: {  	v3 =	vimm.s32 $0xBA987654;
	v4 =	vimm.s32 $0x10FEDCBA;
	s24 =	sadd.s32 s19, s6;
	s16 =	smul.u32 $0x1400, s16;
	s25 =	sadd.s32 s17, s4  }
0x11: {  	v5 =	vimm.s32 $0x98765432;
	v6 =	vimm.s32 $0xFEDCBA9;
	v7 =	vimm.s32 $0x87654321;
	s10 =	sadd.s32 s4, s23;
	s4 =	sadd.s32 s4, s19;
	s17 =	simm.s32 $0x0  }
0x12: {  	v0 =	vunpack.c.l.s4.s8 v0;
	v1 =	vunpack.c.l.s4.s8 v1;
	v2 =	vunpack.c.l.s4.s8 v2;
	s22 =	sshrl.u32 s11, $0x3;
	s11 =	sadd.s32 $0xA0000, s1;
	[dreg:$0x8] =	wrdreg s24  }
0x13: {  	v3 =	vunpack.c.l.s4.s8 v3;
	v4 =	vunpack.c.l.s4.s8 v4;
	v5 =	vunpack.c.l.s4.s8 v5;
	s10 =	sshrl.u32 s10, $0x3;
	s4 =	sshrl.u32 s4, $0x3;
	s26 =	smax.u32 s18, $0x1  }
0x14: {  	v6 =	vunpack.c.l.s4.s8 v6;
	v7 =	vunpack.c.l.s4.s8 v7;
	v2 =	vunpack.c.0.s8.s32 v2;
	s24 =	simm.s32 $0x200;
	s12 =	sadd.s32 s22, s1;
	s1 =	sadd.s32 $0x78000, s1  }
0x15: {  	v3 =	vunpack.c.0.s8.s32 v3;
	v4 =	vunpack.c.0.s8.s32 v4;
	v5 =	vunpack.c.0.s8.s32 v5;
	s22 =	sadd.s32 s23, s6;
	[dreg:$0xd] =	wrdreg s26;
	s23 =	simm.s32 $0x6  }
0x16: {  	v1 =	vunpack.c.0.s8.s32 v1;
	v6 =	vunpack.c.0.s8.s32 v6;
	v7 =	vunpack.c.0.s8.s32 v7;
	s26 =	simm.s32 $0x100;
	s12 =	sadd.s32 $0x6E000, s12;
	[dreg:$0xe] =	wrdreg s22  }
0x17: {  	v2 =	vcombine.low v3, v2;
	v3 =	vcombine.low v5, v4;
	v4 =	vunpack.c.0.s8.s32 v0;
	s10 =	sadd.s32 s1, s10;
	[dreg:$0x9] =	wrdreg s12;
	s12 =	sshrl.u32 s25, $0x3  }
0x18: {  	vm0 =	vcmask $0x710;
	v5 =	vcombine.low v7, v6;
	v1 =	vand.u32 $0xF, v1;
	[dreg:$0xb] =	wrdreg s10;
	s25 =	simm.s32 $0x5;
	s12 =	sadd.s32 s1, s12  }
0x19: {  	vm1 =	vcmask $0x70C;
	v0 =	vimm.f32 $0.0e+00;
	v1 =	vcombine.low v1, v4;
	s10 =	simm.s32 $0xC200;
	s1 =	sadd.s32 s1, s4;
	[dreg:$0xa] =	wrdreg s12  }
0x1a: {  	v2 =	vand.u32 $0xF, v2;
	v3 =	vand.u32 $0xF, v3;
	v4 =	vand.u32 $0xF, v5;
	s4 =	simm.s32 $0x3;
	[dreg:$0xc] =	wrdreg s1;
	s1 =	simm.s32 $0x4  }
.LBB2_1:
0x1b: {  	s12 =	simm.s32 $0x0  }
.LBB2_2:
0x1c: {  	p0 =	sne.s32 s12, $0x9FC0  }
.Ltmp0:
0x1d: {  	_ = 	snop;
	(pc) =	sbr.rel @p0 .LBB2_2-.Ltmp0, $3  }
0x1e: {  	_ =	sdelay $0x1  }
0x1f: {  	s18 =	sshra.s32 s12, $0x2  }
0x20: {  	s12 =	sadd.s32 $0x40, s12;
	[tilespmem:s18+$0xD240] =	vst v0  }
0x21: {  	s18 =	simm.s32 $0x100;
	s12 =	simm.s32 $0x0  }
.LBB2_4:
0x22: {  	p0 =	sne.s32 s18, $0xFF00;
	[tilespmem:s12+$0x230] =	vst v0;
	s19 =	smov.u32 s18;
	s18 =	sadd.s32 $0x100, s18  }
.Ltmp1:
0x23: {  	[tilespmem:s12+$0x220] =	vst v0;
	(pc) =	sbr.rel @p0 .LBB2_4-.Ltmp1, $3  }
0x24: {  	[tilespmem:s12+$0x200] =	vst v0  }
0x25: {  	[tilespmem:s12+$0x210] =	vst v0;
	_ =	sdelay $0x1  }
0x26: {  	s12 =	sshra.s32 s19, $0x2  }
0x27: {  	[tilespmem:s12+$0x230] =	vst v0  }
0x28: {  	[tilespmem:s12+$0x220] =	vst v0  }
0x29: {  	[tilespmem:s12+$0x200] =	vst v0  }
0x2a: {  	[tilespmem:s12+$0x210] =	vst v0  }
0x2b: {  	[spmem:s20] =	stream.linear.scatter [tilespmem:s15], [sflag:$0x6], $0x2800, $0x38;
	[tilespmem:$0x1C240] =	vst v63  }
0x2c: {  	_ =	swait.ge [sflag:s23], $0x2800  }
0x2d: {  	[sflag:s23] =	ssyncset.done $0x0  }
0x2e: {  	[sflag:s23] =	ssyncadd.s32 $0xFFFFD800  }
0x2f: {  	[spmem:s21] =	stream.linear.scatter [tilespmem:s24], [sflag:$0x6], $0x4000, $0x38;
	[tilespmem:$0x1C240] =	vst v63  }
0x30: {  	_ =	swait.ge [sflag:s23], $0x4000  }
0x31: {  	[sflag:s23] =	ssyncset.done $0x0  }
0x32: {  	[sflag:s23] =	ssyncadd.s32 $0xFFFFC000  }
0x33: {  	[spmem:s22] =	stream.linear.scatter [tilespmem:s24], [sflag:$0x6], $0x4000, $0x38;
	[tilespmem:$0x1C240] =	vst v63  }
0x34: {  	_ =	swait.ge [sflag:s23], $0x4000  }
0x35: {  	[sflag:s23] =	ssyncset.done $0x0  }
0x36: {  	s13 =	smov.u32 s20;
	s20 =	rddreg [dreg:$0x8];
	[sflag:s23] =	ssyncadd.s32 $0xFFFFC000  }
0x37: {  	[spmem:s20] =	stream.linear.scatter [tilespmem:s24], [sflag:$0x6], $0x2000, $0x38;
	[tilespmem:$0x1C240] =	vst v63  }
0x38: {  	_ =	swait.ge [sflag:s23], $0x2000  }
0x39: {  	s14 =	smov.u32 s21;
	s18 =	simm.s32 $0x0;
	[sflag:s23] =	ssyncset.done $0x0  }
0x3a: {  	s22 =	simm.s32 $0xD200;
	s21 =	rddreg [dreg:$0x7];
	[sflag:s23] =	ssyncadd.s32 $0xFFFFE000  }
0x3b: {  	[tilespmem:s22], [sflag:$0x6] =	stream.linear.gather [hbm4b:s21+s18], $0x40, $0x38;
	[tilespmem:$0x1C240] =	vst v63  }
0x3c: {  	_ =	swait.ge [sflag:s23], $0x40  }
0x3d: {  	[sflag:s23] =	ssyncset.done $0x0  }
0x3e: {  	[sflag:s23] =	ssyncadd.s32 $0xFFFFFFC0  }
0x3f: {  	[bflag:$0x0] =	sbarrier.arrive $0xFFFF  }
0x40: {  	v5 =	vld [tilespmem:$0xD200]  }
0x41: {  	v6 =	vld [tilespmem:$0xD210]  }
0x42: {  	v7 =	vld [tilespmem:$0xD220]  }
0x43: {  	s19 =	simm.s32 $0x0;
	v8 =	vld [tilespmem:$0xD230]  }
.LBB2_6:
0x44: {  	s12 =	sshll.u32 s19, $0x8  }
0x45: {  	s20 =	sadd.s32 s16, s12  }
0x46: {  	s12 =	sshrl.u32 s20, $0x3  }
0x47: {  	s21 =	sadd.s32 s2, s12  }
0x48: {  	[tilespmem:s18], [sflag:$0x1] =	stream.linear.gather [hbm4b:s21+s18], $0x100, $0x38;
	[tilespmem:$0x1C240] =	vst v63  }
0x49: {  	s12 =	sadd.s32 s3, s12;
	s21 =	sshll.u32 s20, $0x3  }
0x4a: {  	[tilespmem:s26], [sflag:$0x2] =	stream.linear.gather [hbm4b:s12+s18], $0x100, $0x38;
	[tilespmem:$0x1C240] =	vst v63  }
0x4b: {  	s12 =	sadd.s32 s9, s21  }
0x4c: {  	[tilespmem:s28], [sflag:$0x5] =	stream.linear.gather [hbm4b:s12+s18], $0x4000, $0x38;
	[tilespmem:$0x1C240] =	vst v63  }
0x4d: {  	_ =	swait.ge [sflag:s29], $0x100  }
0x4e: {  	[sflag:s29] =	ssyncset.done $0x0  }
0x4f: {  	[sflag:s29] =	ssyncadd.s32 $0xFFFFFF00  }
0x50: {  	_ =	swait.ge [sflag:s30], $0x100  }
0x51: {  	[sflag:s30] =	ssyncset.done $0x0  }
0x52: {  	[sflag:s30] =	ssyncadd.s32 $0xFFFFFF00  }
0x53: {  	[tilespmem:s24], [sflag:$0x3] =	stream.indirect.gather [hbm4b:s0+s26], $0x40, s18, s26, $0xb8;
	[tilespmem:$0x1C240] =	vst v63  }
0x54: {  	_ = 	snop  }
0x55: {  	[tilespmem:s31], [sflag:$0x4] =	stream.indirect.gather [hbm4b:s8+s26], $0x40, s26, s26, $0xb8;
	[tilespmem:$0x1C240] =	vst v63  }
0x56: {  	_ =	swait.ge [sflag:s4], $0x4000  }
0x57: {  	[sflag:s4] =	ssyncset.done $0x0  }
0x58: {  	[sflag:s4] =	ssyncadd.s32 $0xFFFFC000  }
0x59: {  	_ =	swait.ge [sflag:s1], $0x4000  }
0x5a: {  	[sflag:s1] =	ssyncset.done $0x0  }
0x5b: {  	[sflag:s1] =	ssyncadd.s32 $0xFFFFC000  }
0x5c: {  	_ =	swait.ge [sflag:s25], $0x4000  }
0x5d: {  	[sflag:s25] =	ssyncset.done $0x0  }
0x5e: {  	s22 =	simm.s32 $0x0;
	[sflag:s25] =	ssyncadd.s32 $0xFFFFC000  }
0x5f: {  	v9 =	vld [tilespmem:s22+$0x8210]  }
0x60: {  	v10 =	vld [tilespmem:s22+$0x8200]  }
0x61: {  	v11 =	vld [tilespmem:s22+$0x4210]  }
0x62: {  	v12 =	vld [tilespmem:s22+$0x210]  }
0x63: {  	v13 =	vld [tilespmem:s22+$0x4200]  }
0x64: {  	v14 =	vld [tilespmem:s22+$0x200]  }
0x65: {  	v15 =	vld [tilespmem:s22+$0x4230]  }
0x66: {  	v16 =	vld [tilespmem:s22+$0x230]  }
0x67: {  	v17 =	vld [tilespmem:s22+$0x4220]  }
0x68: {  	v18 =	vld [tilespmem:s22+$0x220];
	v11 =	vadd.f32 v11, v12  }
0x69: {  	v19 =	vld [tilespmem:s22+$0x8230]  }
0x6a: {  	v9 =	vadd.f32 v9, v11;
	v11 =	vld [tilespmem:s22+$0x8220]  }
0x6b: {  	v13 =	vadd.f32 v13, v14  }
0x6c: {  	v15 =	vadd.f32 v15, v16  }
0x6d: {  	v17 =	vadd.f32 v17, v18;
	v10 =	vadd.f32 v10, v13;
	v13 =	vmul.f32 $2.000000030e-01, v9  }
0x6e: {  	v15 =	vadd.f32 v19, v15;
	vm2 =	vgt.f32 v9, $0.0e+00  }
0x6f: {  	v9 =	vsel vm2, v9, v13;
	v13 =	vmul.f32 $2.000000030e-01, v10;
	v11 =	vadd.f32 v11, v17  }
0x70: {  	vm3 =	vgt.f32 v15, $0.0e+00;
	vm2 =	vgt.f32 v10, $0.0e+00  }
0x71: {  	v17 =	vmul.f32 $2.000000030e-01, v15;
	v10 =	vsel vm2, v10, v13;
	v13 =	vmul.f32 $2.000000030e-01, v11  }
0x72: {  	v9 =	vmul.f32 v9, v6;
	v10 =	vmul.f32 v10, v5;
	vm2 =	vgt.f32 v11, $0.0e+00  }
0x73: {  	v11 =	vsel vm2, v11, v13;
	v13 =	vsel vm3, v15, v17  }
0x74: {  	v9 =	vadd.f32 v9, v10;
	v11 =	vmul.f32 v11, v7;
	v13 =	vmul.f32 v13, v8;
	_ =	sdelay $0x1  }
0x75: {  	v10 =	vperm.xlane v9, v1;
	v11 =	vadd.f32 v13, v11;
	_ =	sdelay $0x1  }
0x76: {  	v9 =	vadd.f32 v10, v9;
	v10 =	vperm.xlane v11, v1;
	_ =	sdelay $0x1  }
0x77: {  	v13 =	vperm.xlane v9, v2;
	v10 =	vadd.f32 v10, v11;
	_ =	sdelay $0x1  }
0x78: {  	v9 =	vadd.f32 v13, v9;
	v11 =	vperm.xlane v10, v2;
	_ =	sdelay $0x1  }
0x79: {  	v13 =	vperm.xlane v9, v3;
	v10 =	vadd.f32 v11, v10;
	_ =	sdelay $0x1  }
0x7a: {  	v9 =	vadd.f32 v13, v9;
	v11 =	vperm.xlane v10, v3;
	_ =	sdelay $0x1  }
0x7b: {  	v13 =	vperm.xlane v9, v4;
	v10 =	vadd.f32 v11, v10;
	_ =	sdelay $0x1  }
0x7c: {  	v9 =	vadd.f32 v13, v9;
	v11 =	vperm.xlane v10, v4;
	_ =	sdelay $0x1  }
0x7d: {  	v9 =	vmul.f32 $1.442695020e+00, v9;
	v10 =	vadd.f32 v11, v10;
	_ =	sdelay $0x1  }
0x7e: {  	(erf) = vpow2.f32 v9;
	v10 =	vmul.f32 $1.442695020e+00, v10;
	_ =	sdelay $0x1  }
0x7f: {  	(erf) = vpow2.f32 v10;
	_ =	sdelay $0x6  }
0x80: {  	v9 =	vpop (erf)  }
0x81: {  	v10 =	vmul.f32 v9, v14  }
0x82: {  	v11 =	vmul.f32 v9, v12;
	v12 =	vpop (erf)  }
0x83: {  	[tilespmem:s22+$0x200] =	vst v10;
	v10 =	vmul.f32 v12, v18  }
0x84: {  	[tilespmem:s22+$0x210] =	vst v11;
	v11 =	vmul.f32 v12, v16  }
0x85: {  	[tilespmem:s22+$0x220] =	vst v10;
	v10 =	vsel vm0, $0x0, v12  }
0x86: {  	s21 =	simm.s32 $0xC200;
	[tilespmem:s22+$0x230] =	vst v11;
	v9 =	vsel vm1, v10, v9  }
0x87: {  	s22 =	simm.s32 $0x40;
	[tilespmem:s21+$0x0] =	vst v9  }
0x88: {  	v14 =	vld [tilespmem:s22+$0x8210]  }
0x89: {  	v13 =	vld [tilespmem:s22+$0x8200]  }
0x8a: {  	v16 =	vld [tilespmem:s22+$0x4210]  }
0x8b: {  	v10 =	vld [tilespmem:s22+$0x210]  }
0x8c: {  	v18 =	vld [tilespmem:s22+$0x4200]  }
0x8d: {  	v11 =	vld [tilespmem:s22+$0x200]  }
0x8e: {  	v15 =	vld [tilespmem:s22+$0x4230]  }
0x8f: {  	v9 =	vld [tilespmem:s22+$0x230]  }
0x90: {  	v17 =	vld [tilespmem:s22+$0x4220]  }
0x91: {  	v12 =	vld [tilespmem:s22+$0x220];
	v19 =	vadd.f32 v16, v10  }
0x92: {  	s12 =	simm.s32 $0x200;
	v16 =	vld [tilespmem:s22+$0x8230]  }
.LBB2_7:
0x93: {  	p0 =	sne.s32 s12, $0xFF00;
	v18 =	vadd.f32 v18, v11;
	v14 =	vadd.f32 v14, v19;
	v19 =	vld [tilespmem:s22+$0x8220];
	_ =	sdelay $0x1  }
0x94: {  	v13 =	vadd.f32 v13, v18;
	v18 =	vmul.f32 $2.000000030e-01, v14  }
0x95: {  	v15 =	vadd.f32 v15, v9;
	vm2 =	vgt.f32 v14, $0.0e+00;
	v17 =	vadd.f32 v17, v12  }
0x96: {  	v14 =	vsel vm2, v14, v18  }
0x97: {  	v18 =	vmul.f32 $2.000000030e-01, v13;
	v15 =	vadd.f32 v16, v15;
	v17 =	vadd.f32 v19, v17  }
0x98: {  	vm2 =	vgt.f32 v13, $0.0e+00;
	v14 =	vmul.f32 v14, v6  }
0x99: {  	v13 =	vsel vm2, v13, v18;
	v18 =	vmul.f32 $2.000000030e-01, v15;
	v16 =	vmul.f32 $2.000000030e-01, v17  }
0x9a: {  	vm3 =	vgt.f32 v15, $0.0e+00;
	v13 =	vmul.f32 v13, v5;
	vm2 =	vgt.f32 v17, $0.0e+00  }
0x9b: {  	v15 =	vsel vm3, v15, v18;
	v16 =	vsel vm2, v17, v16  }
0x9c: {  	v15 =	vmul.f32 v15, v8;
	v13 =	vadd.f32 v14, v13;
	v16 =	vmul.f32 v16, v7;
	_ =	sdelay $0x1  }
0x9d: {  	v14 =	vperm.xlane v13, v1;
	v15 =	vadd.f32 v15, v16;
	_ =	sdelay $0x1  }
0x9e: {  	v13 =	vadd.f32 v14, v13;
	v14 =	vperm.xlane v15, v1;
	_ =	sdelay $0x1  }
0x9f: {  	v16 =	vperm.xlane v13, v2;
	v14 =	vadd.f32 v14, v15;
	_ =	sdelay $0x1  }
0xa0: {  	v13 =	vadd.f32 v16, v13;
	v15 =	vperm.xlane v14, v2;
	_ =	sdelay $0x1  }
0xa1: {  	v16 =	vperm.xlane v13, v3;
	v14 =	vadd.f32 v15, v14;
	_ =	sdelay $0x1  }
0xa2: {  	v13 =	vadd.f32 v16, v13;
	v15 =	vperm.xlane v14, v3;
	_ =	sdelay $0x1  }
0xa3: {  	v16 =	vperm.xlane v13, v4;
	v14 =	vadd.f32 v15, v14;
	_ =	sdelay $0x1  }
0xa4: {  	v13 =	vadd.f32 v16, v13;
	v15 =	vperm.xlane v14, v4;
	_ =	sdelay $0x1  }
0xa5: {  	v13 =	vmul.f32 $1.442695020e+00, v13;
	v14 =	vadd.f32 v15, v14;
	_ =	sdelay $0x1  }
0xa6: {  	v14 =	vmul.f32 $1.442695020e+00, v14;
	(erf) = vpow2.f32 v13;
	_ =	sdelay $0x1  }
0xa7: {  	(erf) = vpow2.f32 v14;
	_ =	sdelay $0x6  }
0xa8: {  	v13 =	vpop (erf)  }
0xa9: {  	v11 =	vmul.f32 v13, v11  }
0xaa: {  	v10 =	vmul.f32 v13, v10;
	v14 =	vpop (erf)  }
0xab: {  	[tilespmem:s22+$0x200] =	vst v11;
	v11 =	vmul.f32 v14, v12  }
0xac: {  	v9 =	vmul.f32 v14, v9;
	[tilespmem:s22+$0x210] =	vst v10  }
0xad: {  	v10 =	vsel vm0, $0x0, v14;
	[tilespmem:s22+$0x220] =	vst v11  }
0xae: {  	s21 =	sadd.s32 $0x10, s21;
	[tilespmem:s22+$0x230] =	vst v9;
	v9 =	vsel vm1, v10, v13  }
0xaf: {  	s22 =	sshra.s32 s12, $0x2;
	[tilespmem:s21+$0x0] =	vst v9  }
0xb0: {  	v14 =	vld [tilespmem:s22+$0x8210]  }
0xb1: {  	v13 =	vld [tilespmem:s22+$0x8200]  }
0xb2: {  	v12 =	vld [tilespmem:s22+$0x4210]  }
0xb3: {  	v10 =	vld [tilespmem:s22+$0x210]  }
0xb4: {  	v18 =	vld [tilespmem:s22+$0x4200]  }
0xb5: {  	v11 =	vld [tilespmem:s22+$0x200]  }
.Ltmp2:
0xb6: {  	v15 =	vld [tilespmem:s22+$0x4230];
	(pc) =	sbr.rel @p0 .LBB2_7-.Ltmp2, $4  }
0xb7: {  	v9 =	vld [tilespmem:s22+$0x230]  }
0xb8: {  	v17 =	vld [tilespmem:s22+$0x4220]  }
0xb9: {  	v19 =	vadd.f32 v12, v10;
	v12 =	vld [tilespmem:s22+$0x220]  }
0xba: {  	s12 =	sadd.s32 $0x100, s12;
	v16 =	vld [tilespmem:s22+$0x8230]  }
0xbb: {  	v14 =	vadd.f32 v14, v19;
	v57 =	vld [tilespmem:s22+$0x8220]  }
0xbc: {  	v18 =	vadd.f32 v18, v11  }
0xbd: {  	v15 =	vadd.f32 v15, v9;
	v58 =	vmul.f32 $2.000000030e-01, v14  }
0xbe: {  	v13 =	vadd.f32 v13, v18;
	vm2 =	vgt.f32 v14, $0.0e+00;
	v17 =	vadd.f32 v17, v12  }
0xbf: {  	v14 =	vsel vm2, v14, v58  }
0xc0: {  	v59 =	vmul.f32 $2.000000030e-01, v13;
	v15 =	vadd.f32 v16, v15;
	v17 =	vadd.f32 v57, v17  }
0xc1: {  	vm2 =	vgt.f32 v13, $0.0e+00;
	v14 =	vmul.f32 v14, v6  }
0xc2: {  	v13 =	vsel vm2, v13, v59;
	v61 =	vmul.f32 $2.000000030e-01, v15;
	v60 =	vmul.f32 $2.000000030e-01, v17  }
0xc3: {  	vm3 =	vgt.f32 v15, $0.0e+00;
	v13 =	vmul.f32 v13, v5;
	vm2 =	vgt.f32 v17, $0.0e+00  }
0xc4: {  	v15 =	vsel vm3, v15, v61;
	v16 =	vsel vm2, v17, v60  }
0xc5: {  	v15 =	vmul.f32 v15, v8;
	v13 =	vadd.f32 v14, v13;
	v16 =	vmul.f32 v16, v7;
	_ =	sdelay $0x1  }
0xc6: {  	v14 =	vperm.xlane v13, v1;
	v15 =	vadd.f32 v15, v16;
	_ =	sdelay $0x1  }
0xc7: {  	v13 =	vadd.f32 v14, v13;
	v62 =	vperm.xlane v15, v1;
	_ =	sdelay $0x1  }
0xc8: {  	v63 =	vperm.xlane v13, v2;
	v14 =	vadd.f32 v62, v15;
	_ =	sdelay $0x1  }
0xc9: {  	v13 =	vadd.f32 v63, v13;
	v15 =	vperm.xlane v14, v2;
	_ =	sdelay $0x1  }
0xca: {  	v16 =	vperm.xlane v13, v3;
	v14 =	vadd.f32 v15, v14;
	_ =	sdelay $0x1  }
0xcb: {  	v13 =	vadd.f32 v16, v13;
	v15 =	vperm.xlane v14, v3;
	_ =	sdelay $0x1  }
0xcc: {  	v16 =	vperm.xlane v13, v4;
	v14 =	vadd.f32 v15, v14;
	_ =	sdelay $0x1  }
0xcd: {  	v13 =	vadd.f32 v16, v13;
	v15 =	vperm.xlane v14, v4;
	_ =	sdelay $0x1  }
0xce: {  	v13 =	vmul.f32 $1.442695020e+00, v13;
	v14 =	vadd.f32 v15, v14;
	_ =	sdelay $0x1  }
0xcf: {  	(erf) = vpow2.f32 v13;
	v14 =	vmul.f32 $1.442695020e+00, v14;
	_ =	sdelay $0x1  }
0xd0: {  	(erf) = vpow2.f32 v14;
	_ =	sdelay $0x6  }
0xd1: {  	v13 =	vpop (erf)  }
0xd2: {  	v11 =	vmul.f32 v13, v11  }
0xd3: {  	v10 =	vmul.f32 v13, v10;
	v14 =	vpop (erf)  }
0xd4: {  	[tilespmem:s22+$0x200] =	vst v11;
	v11 =	vmul.f32 v14, v12  }
0xd5: {  	[tilespmem:s22+$0x210] =	vst v10;
	v9 =	vmul.f32 v14, v9  }
0xd6: {  	v10 =	vsel vm0, $0x0, v14;
	[tilespmem:s22+$0x220] =	vst v11  }
0xd7: {  	s12 =	sadd.s32 $0x10, s21;
	s20 =	sshll.u32 s20, $0x1;
	[tilespmem:s22+$0x230] =	vst v9;
	v9 =	vsel vm1, v10, v13  }
0xd8: {  	s22 =	sadd.s32 s11, s20;
	[tilespmem:s12+$0x0] =	vst v9  }
0xd9: {  	[hbm4b:s22+s7] =	stream.linear.scatter [tilespmem:s10], [sflag:$0x6], $0x1000, $0x38;
	[tilespmem:$0x1C240] =	vst v63  }
0xda: {  	_ =	swait.ge [sflag:s23], $0x1000  }
0xdb: {  	[sflag:s23] =	ssyncset.done $0x0  }
0xdc: {  	[sflag:s23] =	ssyncadd.s32 $0xFFFFF000  }
0xdd: {  	[spmem:s5] =	stream.indirect.scatter.add.f32 [tilespmem:s10], [sflag:$0x6], $0x10, s26, s26, $0xb8;
	[tilespmem:$0x1C240] =	vst v63  }
0xde: {  	s19 =	sadd.s32 $0x1, s19;
	_ =	swait.ge [sflag:s23], $0x1000  }
0xdf: {  	p0 =	sne.s32 s19, $0x14;
	[sflag:s23] =	ssyncset.done $0x0  }
.Ltmp3:
0xe0: {  	[sflag:s23] =	ssyncadd.s32 $0xFFFFF000;
	(pc) =	sbr.rel @p0 .LBB2_6-.Ltmp3, $4  }
0xe1: {  	[spmem:s6] =	stream.indirect.scatter.add.f32 [tilespmem:s24], [sflag:$0x6], $0x40, s26, s26, $0xb8;
	[tilespmem:$0x1C240] =	vst v63  }
0xe2: {  	_ =	swait.ge [sflag:s23], $0x4000  }
0xe3: {  	[sflag:s23] =	ssyncset.done $0x0  }
0xe4: {  	[sflag:s23] =	ssyncadd.s32 $0xFFFFC000  }
0xe5: {  	[bflag:$0x0] =	sbarrier.arrive $0xFFFF;
	s20 =	smov.u32 s13;
	s21 =	simm.s32 $0xD240  }
0xe6: {  	[tilespmem:s21], [sflag:$0x6] =	stream.linear.gather [spmem:s20], $0x2800, $0x38;
	[tilespmem:$0x1C240] =	vst v63  }
0xe7: {  	_ =	swait.ge [sflag:s23], $0x2800  }
0xe8: {  	[sflag:s23] =	ssyncset.done $0x0  }
0xe9: {  	s12 =	rddreg [dreg:$0x9];
	[sflag:s23] =	ssyncadd.s32 $0xFFFFD800  }
0xea: {  	[hbm4b:s12+s7] =	stream.linear.scatter [tilespmem:s21], [sflag:$0x6], $0x2800, $0x38;
	[tilespmem:$0x1C240] =	vst v63  }
0xeb: {  	_ =	swait.ge [sflag:s23], $0x2800  }
0xec: {  	[sflag:s23] =	ssyncset.done $0x0  }
0xed: {  	[sflag:s23] =	ssyncadd.s32 $0xFFFFD800  }
0xee: {  	[tilespmem:s24], [sflag:$0x6] =	stream.linear.gather [spmem:s14], $0x4000, $0x38;
	[tilespmem:$0x1C240] =	vst v63  }
0xef: {  	_ =	swait.ge [sflag:s23], $0x4000  }
0xf0: {  	[sflag:s23] =	ssyncset.done $0x0  }
0xf1: {  	s22 =	rddreg [dreg:$0xa];
	[sflag:s23] =	ssyncadd.s32 $0xFFFFC000  }
0xf2: {  	[hbm4b:s22+s7] =	stream.linear.scatter [tilespmem:s24], [sflag:$0x6], $0x4000, $0x38;
	[tilespmem:$0x1C240] =	vst v63  }
0xf3: {  	_ =	swait.ge [sflag:s23], $0x4000  }
0xf4: {  	[sflag:s23] =	ssyncset.done $0x0  }
0xf5: {  	s22 =	rddreg [dreg:$0xe];
	[sflag:s23] =	ssyncadd.s32 $0xFFFFC000  }
0xf6: {  	[tilespmem:s24], [sflag:$0x6] =	stream.linear.gather [spmem:s22], $0x4000, $0x38;
	[tilespmem:$0x1C240] =	vst v63  }
0xf7: {  	_ =	swait.ge [sflag:s23], $0x4000  }
0xf8: {  	[sflag:s23] =	ssyncset.done $0x0  }
0xf9: {  	s13 =	rddreg [dreg:$0xb];
	[sflag:s23] =	ssyncadd.s32 $0xFFFFC000  }
0xfa: {  	[hbm4b:s13+s7] =	stream.linear.scatter [tilespmem:s24], [sflag:$0x6], $0x4000, $0x38;
	[tilespmem:$0x1C240] =	vst v63  }
0xfb: {  	_ =	swait.ge [sflag:s23], $0x4000  }
0xfc: {  	[sflag:s23] =	ssyncset.done $0x0  }
0xfd: {  	s21 =	smov.u32 s14;
	s14 =	rddreg [dreg:$0x8];
	[sflag:s23] =	ssyncadd.s32 $0xFFFFC000  }
0xfe: {  	[tilespmem:s24], [sflag:$0x6] =	stream.linear.gather [spmem:s14], $0x2000, $0x38;
	[tilespmem:$0x1C240] =	vst v63  }
0xff: {  	_ =	swait.ge [sflag:s23], $0x2000  }
0x100: {  	[sflag:s23] =	ssyncset.done $0x0  }
0x101: {  	s18 =	rddreg [dreg:$0xc];
	[sflag:s23] =	ssyncadd.s32 $0xFFFFE000  }
0x102: {  	[hbm4b:s18+s7] =	stream.linear.scatter [tilespmem:s24], [sflag:$0x6], $0x2000, $0x38;
	[tilespmem:$0x1C240] =	vst v63  }
0x103: {  	_ =	swait.ge [sflag:s23], $0x2000  }
0x104: {  	s17 =	sadd.s32 $0x1, s17;
	s19 =	rddreg [dreg:$0xd]  }
0x105: {  	p0 =	sne.s32 s17, s19  }
.Ltmp4:
0x106: {  	_ = 	snop;
	(pc) =	sbr.rel @p0 .LBB2_1-.Ltmp4, $3  }
0x107: {  	_ =	sdelay $0x1  }
0x108: {  	[sflag:s23] =	ssyncset.done $0x0  }
0x109: {  	s15 =	simm.s32 $0xD240;
	[sflag:s23] =	ssyncadd.s32 $0xFFFFE000  }
0x10a: {  	_ =	sfence.sel $0x180000  }
0x10b: {  	[bflag:$0x0] =	sbarrier.arrive $0xFFFF  }
0x10c: {  	_ =	strace $0x90000047  }
0x10d: {  	s0 =	stileid.u32;
	[bflag:$0x2] =	sbarrier.arrive $0xFFFF  }
0x10e: {  	p0 =	sne.s32 s0, $0x0;
	s0 =	rddreg [dreg:$0x6]  }
0x10f: {  	s0 =	sadd.s32 @!p0 $0x100000, s0  }
0x110: {  	[sflag:s0] =	ssyncadd.tile.s32 @!p0 $0x1;
	_ =	shalt  }
.Lfunc_end2:
_tile_overlayer_lowered:
.L_overlay_start_2:
0x111: {  	(tag) =	ssettag $0x2  }
0x112: {  	s0 =	rddreg [dreg:$0x0];
	s2 =	stileid.u32  }
0x113: {  	s1 =	rddreg [dreg:$0x1];
	p0 =	sne.s32 s2, $0x0  }
0x114: {  	s3 =	rddreg [dreg:$0x2];
	[bflag:$0x3] =	sbarrier.arrive $0xFFFF;
	s2 =	simm.s32 @!p0 $0x1C06  }
0x115: {  	[timem:s3], [sflag:s2] =	dma.local @!p0 [hbm:s0], s1  }
0x116: {  	s0 =	simm.s32 @!p0 $0x6  }
0x117: {  	_ =	swait.ge @!p0 [sflag:s0], s1  }
0x118: {  	s1 =	ssub.s32 @!p0 $0x0, s1;
	[sflag:s0] =	ssyncset.done @!p0 $0x0  }
0x119: {  	[sflag:s0] =	ssyncadd.s32 @!p0 s1  }
0x11a: {  	[bflag:$0x3] =	sbarrier.arrive $0xFFFF  }
0x11b: {  	_ =	shalt  }

// kernel: kernel.16.cloned.1.call-start
scs
__scs_entry_jumppad:
0x0: {  	(pc) =	sbr.rel $0x88, $3  }
0x1: {  	(tag) =	ssettag $0x0;
	lr =	simm.s32 $0x1  }
0x2: {  	[smem:$0x3F93] =	sst lr;
	_ =	strace $0xD0000000  }
0x3: {  	_ = 	snop  }
0x4: {  	_ = 	snop  }
0x5: {  	_ = 	snop  }
0x6: {  	_ = 	snop  }
0x7: {  	_ = 	snop  }
__scs_overlays_trampoline_lowered:
0x8: {  	[smem:$0x3FA2] =	sst s0  }
0x9: {  	[smem:$0x3FA3] =	sst s1  }
0xa: {  	[smem:$0x3FA4] =	sst s2  }
0xb: {  	[smem:$0x3FA5] =	sst s3  }
0xc: {  	[smem:$0x3FA6] =	sst s4  }
0xd: {  	[smem:$0x3FA7] =	sst s5  }
0xe: {  	[smem:$0x3FA8] =	sst s6  }
0xf: {  	[smem:$0x3FA9] =	sst s7  }
0x10: {  	[smem:$0x3FAA] =	sst s8  }
0x11: {  	[smem:$0x3FAB] =	sst s9;
	s0 =	simm.s32 @!p0 $0x0  }
0x12: {  	s1 =	sld [smem:$0x3F91];
	s0 =	simm.s32 @p0 $0x1  }
0x13: {  	[smem:$0x3FAC] =	sst s0;
	s0 =	simm.s32 @!p1 $0x0  }
0x14: {  	s2 =	sld [smem:$0x3F90];
	s0 =	simm.s32 @p1 $0x1  }
0x15: {  	[smem:$0x3FAD] =	sst s0;
	s0 =	simm.s32 @!p2 $0x0  }
0x16: {  	s3 =	sld [smem:$0x3FDB];
	s0 =	simm.s32 @p2 $0x1  }
0x17: {  	s4 =	simm.s32 $0x1BF5;
	[smem:$0x3FAF] =	sst s0  }
0x18: {  	s0 =	sld [smem:$0x3F92];
	_ =	swait.ge [sflag:s4], $0x0  }
0x19: {  	s7 =	sld [smem:$0x3F93]  }
0x1a: {  	s8 =	sadd.s32 $0xFFFFE003, lr  }
0x1b: {  	s9 =	sadd.s32 $0xFFFFFEF7, lr;
	s5 =	simm.s32 $0xFFFFFFFF;
	p2 =	slt.u32 s8, $0xFFFFF086  }
0x1c: {  	p1 =	slt.u32 s9, $0xF7A;
	s5 =	simm.s32 @!p2 $0x0  }
0x1d: {  	s5 =	simm.s32 @p1 $0x1;
	p0 =	seq.s32 s7, s2  }
0x1e: {  	s7 =	smul.u32 @!p0 $0xF7A, s2;
	p2 =	seq.s32 @!p0 s5, $0x0  }
0x1f: {  	s9 =	smul.u32 $0xF7A, s1;
	s8 =	simm.s32 @!p0 $0x1BF5;
	p2 =	por !p2, p0  }
0x20: {  	[sflag:s8] =	ssyncset.s32 @!p0 $0xFFFFF086;
	s6 =	sadd.s32 @!p0 s3, s7;
	s7 =	simm.s32 @!p0 $0x108  }
0x21: {  	s3 =	sadd.s32 s3, s9;
	s6 =	sadd.s32 @!p0 $0x88, s6;
	s7 =	simm.s32 @p2 $0x1082  }
0x22: {  	[simem:s7], [sflag:s8] =	dma.local @!p0 [hbm:s6], $0xF7A  }
0x23: {  	s9 =	sor.u32 $0xD0000000, s2;
	s6 =	simm.s32 $0x108;
	_ =	swait.ge @!p0 [sflag:s8], $0x0  }
0x24: {  	s3 =	sadd.s32 $0x88, s3;
	s6 =	simm.s32 @!p1 $0x1082;
	[sflag:s4] =	ssyncset.s32 $0xFFFFF086  }
0x25: {  	[simem:s6], [sflag:s4] =	dma.local [hbm:s3], $0xF7A  }
0x26: {  	[smem:$0x3F93] =	sst s1;
	(tag) =	ssettag s2;
	_ =	strace s9  }
0x27: {  	s1 =	sld [smem:$0x3FA3]  }
0x28: {  	s2 =	sld [smem:$0x3FA4]  }
0x29: {  	s4 =	sld [smem:$0x3FA6]  }
0x2a: {  	p0 =	seq.s32 s5, $0x0;
	s5 =	sld [smem:$0x3FA7]  }
0x2b: {  	s6 =	sld [smem:$0x3FA8]  }
0x2c: {  	s7 =	sld [smem:$0x3FA9]  }
0x2d: {  	s3 =	simm.s32 $0x108;
	s8 =	sld [smem:$0x3FAA]  }
0x2e: {  	s3 =	simm.s32 @!p0 $0x1082;
	s9 =	sld [smem:$0x3FAB]  }
0x2f: {  	lr =	sadd.s32 s0, s3;
	s0 =	sld [smem:$0x3FA2]  }
0x30: {  	s3 =	sld [smem:$0x3FA5]  }
0x31: {  	[smem:$0x3FAE] =	sst s10  }
0x32: {  	s10 =	sld [smem:$0x3FAC];
	_ =	sdelay $0x3  }
0x33: {  	p0 =	seq.s32 s10, $0x1;
	s10 =	sld [smem:$0x3FAE];
	_ =	sdelay $0x3  }
0x34: {  	[smem:$0x3FAE] =	sst s10  }
0x35: {  	s10 =	sld [smem:$0x3FAD];
	_ =	sdelay $0x3  }
0x36: {  	p1 =	seq.s32 s10, $0x1;
	s10 =	sld [smem:$0x3FAE];
	_ =	sdelay $0x3  }
0x37: {  	[smem:$0x3FAE] =	sst s10  }
0x38: {  	s10 =	sld [smem:$0x3FAF]  }
0x39: {  	_ = 	snop;
	(pc) =	sbr.ind lr, $3  }
0x3a: {  	_ = 	snop  }
0x3b: {  	_ = 	snop  }
0x3c: {  	p2 =	seq.s32 s10, $0x1;
	s10 =	sld [smem:$0x3FAE]  }
0x3d: {  	_ =	shalt  }
0x3e: {  	_ =	shalt  }
0x3f: {  	_ =	shalt  }
0x40: {  	_ =	shalt  }
0x41: {  	_ =	shalt  }
0x42: {  	_ =	shalt  }
0x43: {  	_ =	shalt  }
0x44: {  	_ =	shalt  }
0x45: {  	_ =	shalt  }
0x46: {  	_ =	shalt  }
0x47: {  	_ =	shalt  }
0x48: {  	_ =	shalt  }
0x49: {  	_ =	shalt  }
0x4a: {  	_ =	shalt  }
0x4b: {  	_ =	shalt  }
0x4c: {  	_ =	shalt  }
0x4d: {  	_ =	shalt  }
0x4e: {  	_ =	shalt  }
0x4f: {  	_ =	shalt  }
0x50: {  	_ =	shalt  }
0x51: {  	_ =	shalt  }
0x52: {  	_ =	shalt  }
0x53: {  	_ =	shalt  }
0x54: {  	_ =	shalt  }
0x55: {  	_ =	shalt  }
0x56: {  	_ =	shalt  }
0x57: {  	_ =	shalt  }
0x58: {  	_ =	shalt  }
0x59: {  	_ =	shalt  }
0x5a: {  	_ =	shalt  }
0x5b: {  	_ =	shalt  }
0x5c: {  	_ =	shalt  }
0x5d: {  	_ =	shalt  }
0x5e: {  	_ =	shalt  }
0x5f: {  	_ =	shalt  }
0x60: {  	_ =	shalt  }
0x61: {  	_ =	shalt  }
0x62: {  	_ =	shalt  }
0x63: {  	_ =	shalt  }
0x64: {  	_ =	shalt  }
0x65: {  	_ =	shalt  }
0x66: {  	_ =	shalt  }
0x67: {  	_ =	shalt  }
0x68: {  	_ =	shalt  }
0x69: {  	_ =	shalt  }
0x6a: {  	_ =	shalt  }
0x6b: {  	_ =	shalt  }
0x6c: {  	_ =	shalt  }
0x6d: {  	_ =	shalt  }
0x6e: {  	_ =	shalt  }
0x6f: {  	_ =	shalt  }
0x70: {  	_ =	shalt  }
0x71: {  	_ =	shalt  }
0x72: {  	_ =	shalt  }
0x73: {  	_ =	shalt  }
0x74: {  	_ =	shalt  }
0x75: {  	_ =	shalt  }
0x76: {  	_ =	shalt  }
0x77: {  	_ =	shalt  }
0x78: {  	_ =	shalt  }
0x79: {  	_ =	shalt  }
0x7a: {  	_ =	shalt  }
0x7b: {  	_ =	shalt  }
0x7c: {  	_ =	shalt  }
0x7d: {  	_ =	shalt  }
0x7e: {  	_ =	shalt  }
0x7f: {  	_ =	shalt  }
0x80: {  	_ =	shalt  }
0x81: {  	_ =	shalt  }
0x82: {  	_ =	shalt  }
0x83: {  	_ =	shalt  }
0x84: {  	_ =	shalt  }
0x85: {  	_ =	shalt  }
0x86: {  	_ =	shalt  }
0x87: {  	_ =	shalt  }
.Lfunc_end0:
.L_simem_size_0:
called_computation.2_lowered:
.L_overlay_start_0:
0x88: {  	s2 =	sld [smem:$0x3FD9]  }
0x89: {  	s3 =	sld [smem:$0x3FFE];
	_ =	sdelay $0x1  }
0x8a: {  	s1 =	srdreg.scid  }
0x8b: {  	s0 =	sand.u32 $0x1, s1  }
0x8c: {  	s14 =	sshll.u32 s0, $0xA;
	s2 =	sadd.s32 s3, s2  }
0x8d: {  	s2 =	sadd.s32 s2, s14  }
0x8e: {  	[smem:$0x3FBA] =	sst s2  }
0x8f: {  	_ = 	snop  }
0x90: {  	s2 =	sld [smem:$0x3FD0];
	_ =	sdelay $0x2  }
0x91: {  	s15 =	simm.s32 $0xB;
	s4 =	simm.s32 $0x10  }
0x92: {  	[smem:s4], [sflag:s15] =	dma.local [hbm:s2], $0x1  }
0x93: {  	_ =	swait.eq [sflag:s15], $0x1  }
0x94: {  	[sflag:s15] =	ssyncset.done $0x0  }
0x95: {  	s16 =	sld [smem:$0x11];
	[sflag:s15] =	ssyncadd.s32 $0xFFFFFFFF  }
0x96: {  	s17 =	sld [smem:$0x13];
	(tm) =	ssettm $0x1  }
0x97: {  	s18 =	sld [smem:$0x3FFB];
	_ =	sdelay $0x3  }
0x98: {  	_ =	strace s18  }
0x99: {  	s4 =	sld [smem:$0x3FFC];
	_ =	sdelay $0x3  }
0x9a: {  	_ =	strace s4  }
0x9b: {  	s4 =	sld [smem:$0x3FFD];
	_ =	sdelay $0x3  }
0x9c: {  	_ =	strace s4  }
0x9d: {  	_ =	strace $0x8FFFFFFF  }
0x9e: {  	s19 =	sld [smem:$0x3FDB];
	_ =	sdelay $0x1  }
0x9f: {  	s5 =	simm.s32 $_scs_section_size  }
0xa0: {  	s6 =	simm.s32 $_size__tile_overlayer_lowered;
	s7 =	simm.s32 $_tile_overlayer_lowered  }
0xa1: {  	s22 =	simm.s32 $0x1BFF;
	s21 =	sshll.u32 s7, $0x1;
	s4 =	sadd.s32 s5, s19  }
0xa2: {  	s8 =	simm.s32 $0x0;
	s20 =	sshll.u32 s6, $0x1;
	s6 =	sadd.s32 s21, s4  }
0xa3: {  	[timem:s8], [sflag:s22] =	dma.local [hbm:s6], s20  }
0xa4: {  	_ =	swait.ge [sflag:s22], s20  }
0xa5: {  	s5 =	ssub.s32 $0x0, s20;
	[sflag:s22] =	ssyncset.done $0x0  }
0xa6: {  	[sflag:s22] =	ssyncadd.s32 s5;
	_ =	sdelay $0x1  }
0xa7: {  	s23 =	simm.s32 $0x1B8B  }
0xa8: {  	_ =	swait.ge [sflag:s23], $0x1  }
0xa9: {  	[sflag:s23] =	ssyncset.done $0x0  }
0xaa: {  	s25 =	simm.s32 $0x1B8E;
	s24 =	sld [smem:$0x3FFE];
	[sflag:s23] =	ssyncadd.s32 $0xFFFFFFFF  }
0xab: {  	s26 =	simm.s32 $execute0_lowered;
	[smem:$0x3FD2] =	sst s25  }
0xac: {  	s6 =	sshll.u32 s26, $0x1;
	_ =	strace $0x8000004C;
	[dreg:$0x1] =	wrdreg $0xFFFFFFFF  }
0xad: {  	s28 =	simm.s32 $_size_execute0_lowered;
	s4 =	sadd.s32 s4, s6;
	[dreg:$0x0] =	wrdreg $0x0  }
0xae: {  	s6 =	sshll.u32 s28, $0x1;
	[dreg:$0x2] =	wrdreg s4  }
0xaf: {  	[dreg:$0x3] =	wrdreg s6  }
0xb0: {  	[dreg:$0x4] =	wrdreg $0xC0  }
0xb1: {  	_ =	task [dreg:s8], $0x5FFFF  }
0xb2: {  	[dreg:$0x1] =	wrdreg $0xFFFFFFFF  }
0xb3: {  	[dreg:$0x0] =	wrdreg $0x60  }
0xb4: {  	[dreg:$0x2] =	wrdreg s24  }
0xb5: {  	[dreg:$0x3] =	wrdreg s17  }
0xb6: {  	[dreg:$0x4] =	wrdreg s16  }
0xb7: {  	[dreg:$0x5] =	wrdreg $0x9  }
0xb8: {  	_ =	task.clear_ibuf [dreg:s8], $0x6FFFF;
	_ =	strace $0x9000004C  }
0xb9: {  	s29 =	simm.s32 $0x9;
	_ =	strace $0x8000004E  }
0xba: {  	_ =	swait.ge [sflag:s29], $0x1  }
0xbb: {  	[sflag:s29] =	ssyncadd.s32 $0xFFFFFFFF  }
0xbc: {  	_ =	strace $0x9000004E  }
0xbd: {  	_ =	sfence  }
0xbe: {  	s30 =	sld [smem:$0x0];
	_ =	sdelay $0x2  }
0xbf: {  	s31 =	sshll.u32 s1, $0xD;
	s1 =	sshrl.u32 s1, $0x2  }
0xc0: {  	s3 =	sand.u32 $0x4000, s31;
	s1 =	sadd.s32 s1, s30  }
0xc1: {  	s0 =	sor.u32 s3, s0;
	s1 =	sshll.u32 s1, $0x11  }
0xc2: {  	s0 =	sor.u32 s1, s0  }
0xc3: {  	s0 =	sadd.s32 $0x8F2B, s0  }
0xc4: {  	[sflag:s0] =	ssyncadd.remote.s32 $0x1  }
0xc5: {  	_ =	sfence.sel $0xFFFF  }
0xc6: {  	[dreg:$0x0] =	wrdreg $0xFFFFFFFF;
	(pc) =	sbr.abs _section_cstart, $3  }
0xc7: {  	[dreg:$0x1] =	wrdreg $0xFFFFFFFF  }
0xc8: {  	_ =	task.clear_ibuf [dreg:s8], $0x2FFFF;
	_ =	strace $0x9FFFFFFF  }
0xc9: {  	(tm) =	ssettm $0x7FFFFFFF  }
tec
execute0_lowered:
.L_overlay_start_1:
0x0: {  	(tag) =	ssettag $0x1  }
0x1: {  	s7 =	rddreg [dreg:$0x0]  }
0x2: {  	s1 =	rddreg [dreg:$0x1]  }
0x3: {  	s2 =	rddreg [dreg:$0x2]  }
0x4: {  	s0 =	rddreg [dreg:$0x3];
	s3 =	simm.s32 $0x0;
	s4 =	srdreg.scid  }
0x5: {  	v0 =	vimm.s32 $0xBA987654;
	v1 =	vimm.s32 $0x3210FEDC;
	s6 =	stileid.u32;
	s11 =	simm.s32 $0x1100;
	s12 =	simm.s32 $0x1  }
0x6: {  	v2 =	vimm.s32 $0xFEDCBA98;
	v3 =	vimm.s32 $0x76543210;
	s13 =	simm.s32 $0x2100;
	s14 =	simm.s32 $0x2;
	s15 =	simm.s32 $0x3  }
0x7: {  	s16 =	simm.s32 $0x4;
	s17 =	simm.s32 $0x3100;
	s18 =	simm.s32 $0x5;
	v0 =	vunpack.c.l.s4.s8 v0;
	v1 =	vunpack.c.l.s4.s8 v1;
	v2 =	vunpack.c.l.s4.s8 v2  }
0x8: {  	s19 =	simm.s32 $0x0;
	[smem:$0x7FF] =	sst s3;
	s8 =	sand.u32 $0x1, s4;
	v3 =	vunpack.c.l.s4.s8 v3  }
0x9: {  	s4 =	sadd.s32 $0x244000, s7;
	s5 =	sadd.s32 $0xA0000, s7;
	s9 =	ssub.s32 $0x2, s8;
	v4 =	vunpack.c.0.s8.s32 v0;
	v5 =	vunpack.c.0.s8.s32 v1;
	v1 =	vunpack.c.0.s8.s32 v2  }
0xa: {  	s7 =	sadd.s32 $0x32E00, s7;
	s8 =	sshll.u32 s8, $0x4;
	s10 =	sshrl.u32 s9, $0x1;
	v2 =	vunpack.c.0.s8.s32 v3  }
0xb: {  	_ =	strace $0x8000004D;
	s8 =	sor.u32 s6, s8;
	s9 =	ssub.s32 s9, s10;
	v0 =	vcombine.low v5, v4;
	v3 =	vand.u32 $0xF, v1  }
0xc: {  	s8 =	smul.u32 $0x1400, s8;
	s10 =	simm.s32 $0x100;
	s9 =	smax.u32 s9, $0x1;
	v1 =	vlaneseq.u32;
	v2 =	vcombine.low v3, v2;
	v3 =	vcombine.low v4, v5  }
.LBB2_1:
0xd: {  	s20 =	simm.s32 $0x0  }
.LBB2_2:
0xe: {  	s21 =	sshll.u32 s20, $0x8  }
0xf: {  	s21 =	sadd.s32 s8, s21  }
0x10: {  	s22 =	sshrl.u32 s21, $0x3  }
0x11: {  	s23 =	simm.s32 $0x0;
	s30 =	sshll.u32 s21, $0x1;
	s22 =	sadd.s32 s2, s22  }
0x12: {  	[tilespmem:s23], [sflag:$0x1] =	stream.linear.gather [hbm4b:s22+s23], $0x100, $0x38;
	[tilespmem:$0x3500] =	vst v63  }
0x13: {  	s24 =	sadd.s32 s4, s30  }
0x14: {  	[tilespmem:s10], [sflag:$0x2] =	stream.linear.gather [hbm4b:s24+s23], $0x1000, $0x38;
	[tilespmem:$0x3500] =	vst v63  }
0x15: {  	s22 =	sadd.s32 s5, s30  }
0x16: {  	[tilespmem:s11], [sflag:$0x3] =	stream.linear.gather [hbm4b:s22+s23], $0x1000, $0x38;
	[tilespmem:$0x3500] =	vst v63  }
0x17: {  	_ =	swait.ge [sflag:s12], $0x100  }
0x18: {  	[sflag:s12] =	ssyncset.done $0x0  }
0x19: {  	[sflag:s12] =	ssyncadd.s32 $0xFFFFFF00  }
0x1a: {  	[tilespmem:s13], [sflag:$0x4] =	stream.indirect.gather [hbm4b:s1+s10], $0x10, s23, s10, $0xb8;
	[tilespmem:$0x3500] =	vst v63  }
0x1b: {  	_ =	swait.ge [sflag:s14], $0x1000  }
0x1c: {  	[sflag:s14] =	ssyncset.done $0x0  }
0x1d: {  	[sflag:s14] =	ssyncadd.s32 $0xFFFFF000  }
0x1e: {  	_ =	swait.ge [sflag:s15], $0x1000  }
0x1f: {  	[sflag:s15] =	ssyncset.done $0x0  }
0x20: {  	[sflag:s15] =	ssyncadd.s32 $0xFFFFF000  }
0x21: {  	_ =	swait.ge [sflag:s16], $0x1000  }
0x22: {  	[sflag:s16] =	ssyncset.done $0x0  }
0x23: {  	s31 =	simm.s32 $0x0;
	[sflag:s16] =	ssyncadd.s32 $0xFFFFF000  }
0x24: {  	v4 =	vld [tilespmem:s31+$0x2100];
	_ =	sdelay $0x1  }
0x25: {  	v5 =	vld [tilespmem:s31+$0x2110];
	_ =	sdelay $0x1  }
0x26: {  	v6 =	vld [tilespmem:s31+$0x2120]  }
0x27: {  	v4 =	vadd.f32 $1.000000020e-16, v4  }
0x28: {  	v7 =	vld [tilespmem:s31+$0x2130]  }
0x29: {  	v5 =	vadd.f32 $1.000000020e-16, v5;
	(erf) = vrcp.f32 v4  }
0x2a: {  	v8 =	vld [tilespmem:s31+$0x1100]  }
0x2b: {  	v9 =	vld [tilespmem:s31+$0x110];
	v6 =	vadd.f32 $1.000000020e-16, v6;
	(erf) = vrcp.f32 v5  }
0x2c: {  	v5 =	vld [tilespmem:s31+$0x100]  }
0x2d: {  	v57 =	vld [tilespmem:s31+$0x1110];
	v7 =	vadd.f32 $1.000000020e-16, v7;
	(erf) = vrcp.f32 v6  }
0x2e: {  	v10 =	vld [tilespmem:s31+$0x120]  }
0x2f: {  	v58 =	vld [tilespmem:s31+$0x1120];
	(erf) = vrcp.f32 v7  }
0x30: {  	v59 =	vld [tilespmem:s31+$0x1130]  }
0x31: {  	v4 =	vld [tilespmem:s31+$0x130];
	v5 =	vadd.f32 v8, v5  }
0x32: {  	v11 =	vpop (erf)  }
0x33: {  	v6 =	vadd.f32 v57, v9;
	v5 =	vmul.f32 v11, v5  }
0x34: {  	v60 =	vpop (erf)  }
0x35: {  	v7 =	vadd.f32 v58, v10;
	v6 =	vmul.f32 v60, v6;
	v5 =	vperm.xlane v5, v1  }
0x36: {  	v4 =	vadd.f32 v59, v4;
	v61 =	vpop (erf)  }
0x37: {  	v7 =	vmul.f32 v61, v7;
	v6 =	vperm.xlane v6, v0;
	v5 =	vadd.f32 $0.0e+00, v5  }
0x38: {  	v62 =	vpop (erf)  }
0x39: {  	v4 =	vmul.f32 v62, v4;
	v63 =	vperm.xlane v7, v2;
	v5 =	vadd.f32 v6, v5;
	_ =	sdelay $0x1  }
0x3a: {  	v4 =	vperm.xlane v4, v3;
	v5 =	vadd.f32 v63, v5;
	_ =	sdelay $0x1  }
0x3b: {  	v4 =	vadd.f32 v4, v5  }
0x3c: {  	s22 =	simm.s32 $0x3100  }
0x3d: {  	s24 =	simm.s32 $0x40;
	s23 =	simm.s32 $0x200;
	[tilespmem:s22+$0x0] =	vst v4  }
.LBB2_3:
0x3e: {  	p0 =	sne.s32 s23, $0x3F00;
	v4 =	vld [tilespmem:s24+$0x2100];
	_ =	sdelay $0x1  }
0x3f: {  	v5 =	vld [tilespmem:s24+$0x2110];
	_ =	sdelay $0x1  }
0x40: {  	v6 =	vld [tilespmem:s24+$0x2120]  }
0x41: {  	v4 =	vadd.f32 $1.000000020e-16, v4  }
0x42: {  	v7 =	vld [tilespmem:s24+$0x2130]  }
0x43: {  	v5 =	vadd.f32 $1.000000020e-16, v5;
	(erf) = vrcp.f32 v4  }
0x44: {  	v4 =	vld [tilespmem:s24+$0x130]  }
0x45: {  	v8 =	vld [tilespmem:s24+$0x1100];
	v6 =	vadd.f32 $1.000000020e-16, v6;
	(erf) = vrcp.f32 v5  }
0x46: {  	v5 =	vld [tilespmem:s24+$0x100]  }
0x47: {  	v9 =	vld [tilespmem:s24+$0x110];
	v7 =	vadd.f32 $1.000000020e-16, v7;
	(erf) = vrcp.f32 v6  }
0x48: {  	v6 =	vld [tilespmem:s24+$0x1110]  }
0x49: {  	v10 =	vld [tilespmem:s24+$0x120];
	(erf) = vrcp.f32 v7  }
0x4a: {  	v7 =	vld [tilespmem:s24+$0x1120]  }
0x4b: {  	v5 =	vadd.f32 v8, v5;
	v8 =	vld [tilespmem:s24+$0x1130]  }
0x4c: {  	v11 =	vpop (erf)  }
0x4d: {  	v5 =	vmul.f32 v11, v5;
	v6 =	vadd.f32 v6, v9  }
0x4e: {  	v9 =	vpop (erf)  }
0x4f: {  	v5 =	vperm.xlane v5, v1;
	v6 =	vmul.f32 v9, v6;
	v7 =	vadd.f32 v7, v10  }
0x50: {  	v4 =	vadd.f32 v8, v4;
	v8 =	vpop (erf)  }
0x51: {  	v5 =	vadd.f32 $0.0e+00, v5;
	v6 =	vperm.xlane v6, v0;
	v7 =	vmul.f32 v8, v7  }
0x52: {  	v8 =	vpop (erf)  }
0x53: {  	v5 =	vadd.f32 v6, v5;
	v6 =	vperm.xlane v7, v2;
	v4 =	vmul.f32 v8, v4;
	_ =	sdelay $0x1  }
.Ltmp0:
0x54: {  	v5 =	vadd.f32 v6, v5;
	v4 =	vperm.xlane v4, v3;
	(pc) =	sbr.rel @p0 .LBB2_3-.Ltmp0, $4  }
0x55: {  	_ = 	snop  }
0x56: {  	v4 =	vadd.f32 v4, v5  }
0x57: {  	s22 =	sadd.s32 $0x10, s22  }
0x58: {  	s24 =	sshra.s32 s23, $0x2;
	s23 =	sadd.s32 $0x100, s23;
	[tilespmem:s22+$0x0] =	vst v4  }
0x59: {  	v4 =	vld [tilespmem:s24+$0x2100];
	_ =	sdelay $0x1  }
0x5a: {  	v5 =	vld [tilespmem:s24+$0x2110];
	_ =	sdelay $0x1  }
0x5b: {  	v6 =	vld [tilespmem:s24+$0x2120]  }
0x5c: {  	v4 =	vadd.f32 $1.000000020e-16, v4  }
0x5d: {  	v7 =	vld [tilespmem:s24+$0x2130]  }
0x5e: {  	v5 =	vadd.f32 $1.000000020e-16, v5;
	(erf) = vrcp.f32 v4  }
0x5f: {  	v8 =	vld [tilespmem:s24+$0x1100]  }
0x60: {  	v9 =	vld [tilespmem:s24+$0x110];
	v6 =	vadd.f32 $1.000000020e-16, v6;
	(erf) = vrcp.f32 v5  }
0x61: {  	v5 =	vld [tilespmem:s24+$0x100]  }
0x62: {  	v57 =	vld [tilespmem:s24+$0x1110];
	v7 =	vadd.f32 $1.000000020e-16, v7;
	(erf) = vrcp.f32 v6  }
0x63: {  	v10 =	vld [tilespmem:s24+$0x120]  }
0x64: {  	v58 =	vld [tilespmem:s24+$0x1120];
	(erf) = vrcp.f32 v7  }
0x65: {  	v59 =	vld [tilespmem:s24+$0x1130]  }
0x66: {  	v4 =	vld [tilespmem:s24+$0x130];
	v5 =	vadd.f32 v8, v5  }
0x67: {  	v11 =	vpop (erf)  }
0x68: {  	v6 =	vadd.f32 v57, v9;
	v5 =	vmul.f32 v11, v5  }
0x69: {  	v60 =	vpop (erf)  }
0x6a: {  	v7 =	vadd.f32 v58, v10;
	v6 =	vmul.f32 v60, v6;
	v5 =	vperm.xlane v5, v1  }
0x6b: {  	v4 =	vadd.f32 v59, v4;
	v61 =	vpop (erf)  }
0x6c: {  	v7 =	vmul.f32 v61, v7;
	v6 =	vperm.xlane v6, v0;
	v5 =	vadd.f32 $0.0e+00, v5  }
0x6d: {  	v62 =	vpop (erf)  }
0x6e: {  	v4 =	vmul.f32 v62, v4;
	v63 =	vperm.xlane v7, v2;
	v5 =	vadd.f32 v6, v5;
	_ =	sdelay $0x1  }
0x6f: {  	v4 =	vperm.xlane v4, v3;
	v5 =	vadd.f32 v63, v5;
	_ =	sdelay $0x1  }
0x70: {  	s20 =	sadd.s32 $0x1, s20;
	v4 =	vadd.f32 v4, v5  }
0x71: {  	s22 =	sadd.s32 $0x10, s22;
	s21 =	sshrl.u32 s21, $0x1;
	p0 =	sne.s32 s20, $0x14  }
.Ltmp1:
0x72: {  	s21 =	sadd.s32 s7, s21;
	[tilespmem:s22+$0x0] =	vst v4;
	(pc) =	sbr.rel @p0 .LBB2_2-.Ltmp1, $4  }
0x73: {  	[hbm4b:s21+s3] =	stream.linear.scatter [tilespmem:s17], [sflag:$0x5], $0x400, $0x38;
	[tilespmem:$0x3500] =	vst v63  }
0x74: {  	_ =	swait.ge [sflag:s18], $0x400  }
0x75: {  	[sflag:s18] =	ssyncset.done $0x0  }
0x76: {  	[sflag:s18] =	ssyncadd.s32 $0xFFFFFC00  }
0x77: {  	s19 =	sadd.s32 $0x1, s19  }
0x78: {  	p0 =	sne.s32 s19, s9  }
.Ltmp2:
0x79: {  	_ = 	snop;
	(pc) =	sbr.rel @p0 .LBB2_1-.Ltmp2, $1  }
0x7a: {  	_ =	sdelay $0x3  }
0x7b: {  	_ =	sfence.sel $0x180000  }
0x7c: {  	[bflag:$0x0] =	sbarrier.arrive $0xFFFF  }
0x7d: {  	p0 =	sne.s32 s6, $0x0;
	_ =	strace $0x9000004D  }
0x7e: {  	s0 =	sadd.s32 @!p0 $0x100000, s0;
	[bflag:$0x2] =	sbarrier.arrive $0xFFFF  }
0x7f: {  	[sflag:s0] =	ssyncadd.tile.s32 @!p0 $0x1;
	_ =	shalt  }
.Lfunc_end2:
_tile_overlayer_lowered:
.L_overlay_start_2:
0x80: {  	(tag) =	ssettag $0x2  }
0x81: {  	s0 =	rddreg [dreg:$0x0];
	s2 =	stileid.u32  }
0x82: {  	s1 =	rddreg [dreg:$0x1];
	p0 =	sne.s32 s2, $0x0  }
0x83: {  	s3 =	rddreg [dreg:$0x2];
	[bflag:$0x3] =	sbarrier.arrive $0xFFFF;
	s2 =	simm.s32 @!p0 $0x1C05  }
0x84: {  	[timem:s3], [sflag:s2] =	dma.local @!p0 [hbm:s0], s1  }
0x85: {  	s0 =	simm.s32 @!p0 $0x5  }
0x86: {  	_ =	swait.ge @!p0 [sflag:s0], s1  }
0x87: {  	s1 =	ssub.s32 @!p0 $0x0, s1;
	[sflag:s0] =	ssyncset.done @!p0 $0x0  }
0x88: {  	[sflag:s0] =	ssyncadd.s32 @!p0 s1  }
0x89: {  	[bflag:$0x3] =	sbarrier.arrive $0xFFFF  }
0x8a: {  	_ =	shalt  }

</sc_bundles>
